<compile_context>
chip_gen: v7x
topology: tpu7x:2x2x1
jax: 0.10.2.dev20260603
libtpu: 0.0.44.dev20260713+nightly
codegen_flags: <defaults>
</compile_context>

<pallas_src>
import jax
import jax.numpy as jnp
from jax import lax
from jax.experimental import pallas as pl
from jax.experimental.pallas import tpu as pltpu
from jax.experimental.pallas import tpu_sc as plsc

N = 10000
E = 320000
D = 128
NC = 2
NS = 16
NW = NC * NS
EPW = E // NW
K = 80
NWIN = EPW // K
NPAD = 10240
RPS = NPAD // NS
CW = 32
ZR = 128
S = 5

_mesh = plsc.VectorSubcoreMesh(core_axis_name="c", subcore_axis_name="s",
                               num_cores=NC)


def _make_sc_aggregate(with_count: bool):
    if with_count:
        out_type = [jax.ShapeDtypeStruct((NC, NPAD, D), jnp.bfloat16),
                    jax.ShapeDtypeStruct((NC, NPAD, CW), jnp.bfloat16)]
    else:
        out_type = jax.ShapeDtypeStruct((NC, NPAD, D), jnp.bfloat16)

    scratch = [
        pltpu.VMEM((EPW,), jnp.int32),
        pltpu.VMEM((EPW,), jnp.int32),
        pltpu.VMEM((K, CW), jnp.bfloat16),
        pltpu.VMEM((ZR, D), jnp.bfloat16),
        pltpu.VMEM((ZR, CW), jnp.bfloat16),
        pltpu.VMEM_SHARED((NPAD, D), jnp.bfloat16),
    ]
    if with_count:
        scratch.append(pltpu.VMEM_SHARED((NPAD, CW), jnp.bfloat16))
    scratch += [pltpu.VMEM((K, D), jnp.bfloat16)] * S
    scratch += [pltpu.SemaphoreType.DMA] * (3 * S)

    def body(x_hbm, eix_hbm, out_hbm, *rest):
        if with_count:
            cnt_hbm = rest[0]
            (srcv, dstv, ones, zbuf, zcnt, acc_sh, cnt_sh) = rest[1:8]
            rest = rest[8:]
        else:
            cnt_hbm = cnt_sh = None
            (srcv, dstv, ones, zbuf, zcnt, acc_sh) = rest[:6]
            rest = rest[6:]
        rows = rest[:S]
        gsem = rest[S:2 * S]
        ssem = rest[2 * S:3 * S]
        csem = rest[3 * S:4 * S]

        cid = lax.axis_index("c")
        sid = lax.axis_index("s")
        wid = cid * NS + sid

        pltpu.sync_copy(eix_hbm.at[0, pl.ds(wid * EPW, EPW)], srcv)
        pltpu.sync_copy(eix_hbm.at[1, pl.ds(wid * EPW, EPW)], dstv)

        @pl.loop(0, ZR, step=2)
        def _(r):
            r2 = pl.multiple_of(r, 2)
            for c in range(D // 16):
                zbuf[pl.ds(r2, 2), pl.ds(c * 16, 16)] = jnp.zeros(
                    (2, 16), jnp.bfloat16)
            for c in range(CW // 16):
                zcnt[pl.ds(r2, 2), pl.ds(c * 16, 16)] = jnp.zeros(
                    (2, 16), jnp.bfloat16)

        if with_count:
            @pl.loop(0, K, step=2)
            def _(r):
                r2 = pl.multiple_of(r, 2)
                for c in range(CW // 16):
                    ones[pl.ds(r2, 2), pl.ds(c * 16, 16)] = jnp.ones(
                        (2, 16), jnp.bfloat16)

        for j in range(RPS // ZR):
            base = sid * RPS + j * ZR
            pltpu.sync_copy(zbuf, acc_sh.at[pl.ds(base, ZR)])
            if with_count:
                pltpu.sync_copy(zcnt, cnt_sh.at[pl.ds(base, ZR)])
        plsc.subcore_barrier()

        def wait_gather(b):
            pltpu.make_async_copy(x_hbm.at[pl.ds(0, K)], rows[b],
                                  gsem[b]).wait()

        def sidx(w):
            return srcv.at[pl.ds(w * K, K)]

        def didx(w):
            return dstv.at[pl.ds(w * K, K)]

        for b in range(S):
            pltpu.async_copy(x_hbm.at[sidx(b)], rows[b], gsem[b])

        @pl.loop(0, NWIN - S, step=S)
        def _(g):
            scat = []
            for b in range(S):
                w = g + b
                wait_gather(b)
                d = pltpu.async_copy(rows[b], acc_sh.at[didx(w)],
                                     ssem[b], add=True)
                c = (pltpu.async_copy(ones, cnt_sh.at[didx(w)],
                                      csem[b], add=True)
                     if with_count else None)
                scat.append((d, c))
            for b in range(S):
                d, c = scat[b]
                d.wait()
                if c is not None:
                    c.wait()
                pltpu.async_copy(x_hbm.at[sidx(g + b + S)], rows[b],
                                 gsem[b])

        scat = []
        for b in range(S):
            w = NWIN - S + b
            wait_gather(b)
            d = pltpu.async_copy(rows[b], acc_sh.at[didx(w)],
                                 ssem[b], add=True)
            c = (pltpu.async_copy(ones, cnt_sh.at[didx(w)],
                                  csem[b], add=True)
                 if with_count else None)
            scat.append((d, c))
        for d, c in scat:
            d.wait()
            if c is not None:
                c.wait()

        plsc.subcore_barrier()

        pltpu.sync_copy(acc_sh.at[pl.ds(sid * RPS, RPS)],
                        out_hbm.at[cid, pl.ds(sid * RPS, RPS)])
        if with_count:
            pltpu.sync_copy(cnt_sh.at[pl.ds(sid * RPS, RPS)],
                            cnt_hbm.at[cid, pl.ds(sid * RPS, RPS)])

    return pl.kernel(body, out_type=out_type, mesh=_mesh,
                     scratch_types=scratch,
                     compiler_params=pltpu.CompilerParams(
                         use_tc_tiling_on_sc=False))


_sc_aggregate_cnt = _make_sc_aggregate(True)
_sc_aggregate = _make_sc_aggregate(False)


_R = 2000


def _tc_layer1(p, c, x, wl, wr, b):
    def body(p_ref, c_ref, x_ref, wl_ref, wr_ref, b_ref, o_ref, obf_ref):
        s = p_ref[0].astype(jnp.float32) + p_ref[1].astype(jnp.float32)
        cnt = (c_ref[0, :, 0:1].astype(jnp.float32)
               + c_ref[1, :, 0:1].astype(jnp.float32))
        mean = s / jnp.maximum(cnt, 1.0)
        h = (jnp.dot(mean, wl_ref[...], preferred_element_type=jnp.float32)
             + jnp.dot(x_ref[...], wr_ref[...],
                       preferred_element_type=jnp.float32)
             + b_ref[...])
        h = jnp.maximum(h, 0.0)
        o_ref[...] = h
        obf_ref[...] = h.astype(jnp.bfloat16)

    return pl.pallas_call(
        body,
        grid=(N // _R,),
        in_specs=[
            pl.BlockSpec((NC, _R, D), lambda i: (0, i, 0)),
            pl.BlockSpec((NC, _R, CW), lambda i: (0, i, 0)),
            pl.BlockSpec((_R, D), lambda i: (i, 0)),
            pl.BlockSpec((D, D), lambda i: (0, 0)),
            pl.BlockSpec((D, D), lambda i: (0, 0)),
            pl.BlockSpec((1, D), lambda i: (0, 0)),
        ],
        out_specs=[pl.BlockSpec((_R, D), lambda i: (i, 0)),
                   pl.BlockSpec((_R, D), lambda i: (i, 0))],
        out_shape=[jax.ShapeDtypeStruct((N, D), jnp.float32),
                   jax.ShapeDtypeStruct((N, D), jnp.bfloat16)],
    )(p, c, x, wl, wr, b)


def _tc_layer2(p, c, h, wl, wr, b, wlin, blin):
    def body(p_ref, c_ref, h_ref, wl_ref, wr_ref, b_ref, wo_ref, bo_ref,
             o_ref):
        s = p_ref[0].astype(jnp.float32) + p_ref[1].astype(jnp.float32)
        cnt = (c_ref[0, :, 0:1].astype(jnp.float32)
               + c_ref[1, :, 0:1].astype(jnp.float32))
        mean = s / jnp.maximum(cnt, 1.0)
        h2 = (jnp.dot(mean, wl_ref[...], preferred_element_type=jnp.float32)
              + jnp.dot(h_ref[...], wr_ref[...],
                        preferred_element_type=jnp.float32)
              + b_ref[...])
        h2 = jnp.maximum(h2, 0.0)
        o_ref[...] = (jnp.dot(h2, wo_ref[...],
                              preferred_element_type=jnp.float32)
                      + bo_ref[...])

    return pl.pallas_call(
        body,
        grid=(N // _R,),
        in_specs=[
            pl.BlockSpec((NC, _R, D), lambda i: (0, i, 0)),
            pl.BlockSpec((NC, _R, CW), lambda i: (0, i, 0)),
            pl.BlockSpec((_R, D), lambda i: (i, 0)),
            pl.BlockSpec((D, D), lambda i: (0, 0)),
            pl.BlockSpec((D, D), lambda i: (0, 0)),
            pl.BlockSpec((1, D), lambda i: (0, 0)),
            pl.BlockSpec((D, D), lambda i: (0, 0)),
            pl.BlockSpec((1, D), lambda i: (0, 0)),
        ],
        out_specs=pl.BlockSpec((_R, D), lambda i: (i, 0)),
        out_shape=jax.ShapeDtypeStruct((N, D), jnp.float32),
    )(p, c, h, wl, wr, b, wlin, blin)


def kernel(x, edge_index, W1_l, b1_l, W1_r, W2_l, b2_l, W2_r, W_lin, b_lin):
    x_bf = x.astype(jnp.bfloat16)

    p1, c1 = _sc_aggregate_cnt(x_bf, edge_index)
    h1, h1_bf = _tc_layer1(p1, c1, x, W1_l.T, W1_r.T, b1_l.reshape(1, D))
    p2 = _sc_aggregate(h1_bf, edge_index)
    out = _tc_layer2(p2, c1, h1, W2_l.T, W2_r.T, b2_l.reshape(1, D),
                     W_lin.T, b_lin.reshape(1, D))
    return out

# --- scband reference (transcript-rebuilt; emitter-appended) ---
"""Pipeline reference for scband-gnnmodel-2250562863480 (READ-ONLY COPY).

The authoritative reference and input builder live on the scoring server;
editing this copy changes nothing except your own understanding.
"""

import jax, jax.numpy as jnp
import numpy as np

N = 10000
E = 320000
D = 128
H = 128
O = 128


def setup_inputs(seed: int = 0) -> dict:
    key = jax.random.key(seed)
    ks = jax.random.split(key, 12)
    x = jax.random.normal(ks[0], (N, D), dtype=jnp.float32)
    edge_index = jax.random.randint(ks[1], (2, E), 0, N, dtype=jnp.int32)
    s = 0.05
    W1_l = jax.random.normal(ks[2], (H, D), dtype=jnp.float32) * s
    b1_l = jax.random.normal(ks[3], (H,), dtype=jnp.float32) * s
    W1_r = jax.random.normal(ks[4], (H, D), dtype=jnp.float32) * s
    W2_l = jax.random.normal(ks[5], (H, H), dtype=jnp.float32) * s
    b2_l = jax.random.normal(ks[6], (H,), dtype=jnp.float32) * s
    W2_r = jax.random.normal(ks[7], (H, H), dtype=jnp.float32) * s
    W_lin = jax.random.normal(ks[8], (O, H), dtype=jnp.float32) * s
    b_lin = jax.random.normal(ks[9], (O,), dtype=jnp.float32) * s
    return {"x": x, "edge_index": edge_index, "W1_l": W1_l, "b1_l": b1_l,
            "W1_r": W1_r, "W2_l": W2_l, "b2_l": b2_l, "W2_r": W2_r,
            "W_lin": W_lin, "b_lin": b_lin}


def sage_conv(x, edge_index, W_l, b_l, W_r):
    # PyG SAGEConv (mean aggr): out = lin_l(mean_{j in N(i)} x_j) + lin_r(x_i)
    src = edge_index[0]
    dst = edge_index[1]
    msgs = jnp.take(x, src, axis=0)
    summed = jax.ops.segment_sum(msgs, dst, num_segments=x.shape[0])
    cnt = jax.ops.segment_sum(jnp.ones((edge_index.shape[1],), dtype=x.dtype), dst,
                              num_segments=x.shape[0])
    mean = summed / jnp.clip(cnt, 1.0)[:, None]
    return mean @ W_l.T + b_l + x @ W_r.T


def reference(x, edge_index, W1_l, b1_l, W1_r, W2_l, b2_l, W2_r, W_lin, b_lin):
    h = jax.nn.relu(sage_conv(x, edge_index, W1_l, b1_l, W1_r))
    h = jax.nn.relu(sage_conv(h, edge_index, W2_l, b2_l, W2_r))
    out = h @ W_lin.T + b_lin
    return out

if __name__ == "__main__":
    import jax
    _d = setup_inputs()
    print(jax.jit(kernel)(*tuple(_d.values())))

</pallas_src>

<mosaic_0001>
#map = affine_map<(d0, d1) -> (0, 0)>
#map1 = affine_map<(d0, d1) -> (0, 0, 0)>
module attributes {stable_mosaic.version = 14 : i64} {
  func.func @body(%arg0: i32, %arg1: i32, %arg2: memref<10000x128xbf16, #tpu.memory_space<hbm>>, %arg3: memref<2x320000xi32, #tpu.memory_space<hbm>>, %arg4: memref<2x10240x128xbf16, #tpu.memory_space<hbm>>, %arg5: memref<10000xi32, #tpu.memory_space<vmem>>, %arg6: memref<10000xi32, #tpu.memory_space<vmem>>, %arg7: memref<80x32xbf16, #tpu.memory_space<vmem>>, %arg8: memref<128x128xbf16, #tpu.memory_space<vmem>>, %arg9: memref<128x32xbf16, #tpu.memory_space<vmem>>, %arg10: memref<10240x128xbf16, #tpu.memory_space<vmem_shared>>, %arg11: memref<80x128xbf16, #tpu.memory_space<vmem>>, %arg12: memref<80x128xbf16, #tpu.memory_space<vmem>>, %arg13: memref<80x128xbf16, #tpu.memory_space<vmem>>, %arg14: memref<80x128xbf16, #tpu.memory_space<vmem>>, %arg15: memref<80x128xbf16, #tpu.memory_space<vmem>>, %arg16: memref<!tpu.dma_semaphore, #tpu.memory_space<semaphore_mem>>, %arg17: memref<!tpu.dma_semaphore, #tpu.memory_space<semaphore_mem>>, %arg18: memref<!tpu.dma_semaphore, #tpu.memory_space<semaphore_mem>>, %arg19: memref<!tpu.dma_semaphore, #tpu.memory_space<semaphore_mem>>, %arg20: memref<!tpu.dma_semaphore, #tpu.memory_space<semaphore_mem>>, %arg21: memref<!tpu.dma_semaphore, #tpu.memory_space<semaphore_mem>>, %arg22: memref<!tpu.dma_semaphore, #tpu.memory_space<semaphore_mem>>, %arg23: memref<!tpu.dma_semaphore, #tpu.memory_space<semaphore_mem>>, %arg24: memref<!tpu.dma_semaphore, #tpu.memory_space<semaphore_mem>>, %arg25: memref<!tpu.dma_semaphore, #tpu.memory_space<semaphore_mem>>, %arg26: memref<!tpu.dma_semaphore, #tpu.memory_space<semaphore_mem>>, %arg27: memref<!tpu.dma_semaphore, #tpu.memory_space<semaphore_mem>>, %arg28: memref<!tpu.dma_semaphore, #tpu.memory_space<semaphore_mem>>, %arg29: memref<!tpu.dma_semaphore, #tpu.memory_space<semaphore_mem>>, %arg30: memref<!tpu.dma_semaphore, #tpu.memory_space<semaphore_mem>>) attributes {dimension_semantics = [#tpu.dimension_semantics<core_parallel>, #tpu.dimension_semantics<subcore_parallel>], iteration_bounds = array<i64: 2, 16>, scalar_prefetch = 0 : i64, scratch_operands = 26 : i64, tpu.core_type = #tpu.core_type<sc_vector_subcore>, window_params = [{transform_indices = #map}, {transform_indices = #map}, {transform_indices = #map1}]} {
    %mul3A = arith.constant 16 : i32
    %mul3A_0 = arith.muli %arg0, %mul3A : i32
    %add3A = arith.addi %mul3A_0, %arg1 : i32
    %mul3A_1 = arith.constant 10000 : i32
    %mul3A_2 = arith.muli %add3A, %mul3A_1 : i32
    %run_scoped3A = arith.constant 0 : i32
    "tpu.region"() ({
      %run_scoped3A_143 = tpu.sem_alloc : memref<!tpu.dma_semaphore, #tpu.memory_space<semaphore_mem>>
      %dma_start3A_144 = tpu.memref_slice %arg3[%run_scoped3A, %mul3A_2] : memref<2x320000xi32, #tpu.memory_space<hbm>> -> memref<1x10000xi32, #tpu.memory_space<hbm>>
      %dma_start3A_145 = tpu.memref_squeeze %dma_start3A_144 : memref<1x10000xi32, #tpu.memory_space<hbm>> -> memref<10000xi32, #tpu.memory_space<hbm>>
      %dma_start3A_146 = tpu.memref_slice %arg3[%run_scoped3A, %mul3A_2] : memref<2x320000xi32, #tpu.memory_space<hbm>> -> memref<1x10000xi32, #tpu.memory_space<hbm>>
      %dma_start3A_147 = tpu.memref_squeeze %dma_start3A_146 : memref<1x10000xi32, #tpu.memory_space<hbm>> -> memref<10000xi32, #tpu.memory_space<hbm>>
      tpu.enqueue_dma source(%dma_start3A_147 : memref<10000xi32, #tpu.memory_space<hbm>>) target(%arg5 : memref<10000xi32, #tpu.memory_space<vmem>>) target_semaphore(%run_scoped3A_143 : memref<!tpu.dma_semaphore, #tpu.memory_space<semaphore_mem>>)
      %dma_wait3A_148 = tpu.memref_slice %arg3[%run_scoped3A, %mul3A_2] : memref<2x320000xi32, #tpu.memory_space<hbm>> -> memref<1x10000xi32, #tpu.memory_space<hbm>>
      %dma_wait3A_149 = tpu.memref_squeeze %dma_wait3A_148 : memref<1x10000xi32, #tpu.memory_space<hbm>> -> memref<10000xi32, #tpu.memory_space<hbm>>
      %dma_wait3A_150 = tpu.memref_slice %arg3[%run_scoped3A, %mul3A_2] : memref<2x320000xi32, #tpu.memory_space<hbm>> -> memref<1x10000xi32, #tpu.memory_space<hbm>>
      %dma_wait3A_151 = tpu.memref_squeeze %dma_wait3A_150 : memref<1x10000xi32, #tpu.memory_space<hbm>> -> memref<10000xi32, #tpu.memory_space<hbm>>
      tpu.wait_dma2 semaphore(%run_scoped3A_143 : memref<!tpu.dma_semaphore, #tpu.memory_space<semaphore_mem>>) src(%dma_wait3A_151 : memref<10000xi32, #tpu.memory_space<hbm>>) dst(%arg5 : memref<10000xi32, #tpu.memory_space<vmem>>)
      tpu.yield
    }) : () -> ()
    %mul3A_3 = arith.constant 10000 : i32
    %mul3A_4 = arith.muli %add3A, %mul3A_3 : i32
    %run_scoped3A_5 = arith.constant 1 : i32
    "tpu.region"() ({
      %run_scoped3A_143 = tpu.sem_alloc : memref<!tpu.dma_semaphore, #tpu.memory_space<semaphore_mem>>
      %dma_start3A_144 = tpu.memref_slice %arg3[%run_scoped3A_5, %mul3A_4] : memref<2x320000xi32, #tpu.memory_space<hbm>> -> memref<1x10000xi32, #tpu.memory_space<hbm>>
      %dma_start3A_145 = tpu.memref_squeeze %dma_start3A_144 : memref<1x10000xi32, #tpu.memory_space<hbm>> -> memref<10000xi32, #tpu.memory_space<hbm>>
      %dma_start3A_146 = tpu.memref_slice %arg3[%run_scoped3A_5, %mul3A_4] : memref<2x320000xi32, #tpu.memory_space<hbm>> -> memref<1x10000xi32, #tpu.memory_space<hbm>>
      %dma_start3A_147 = tpu.memref_squeeze %dma_start3A_146 : memref<1x10000xi32, #tpu.memory_space<hbm>> -> memref<10000xi32, #tpu.memory_space<hbm>>
      tpu.enqueue_dma source(%dma_start3A_147 : memref<10000xi32, #tpu.memory_space<hbm>>) target(%arg6 : memref<10000xi32, #tpu.memory_space<vmem>>) target_semaphore(%run_scoped3A_143 : memref<!tpu.dma_semaphore, #tpu.memory_space<semaphore_mem>>)
      %dma_wait3A_148 = tpu.memref_slice %arg3[%run_scoped3A_5, %mul3A_4] : memref<2x320000xi32, #tpu.memory_space<hbm>> -> memref<1x10000xi32, #tpu.memory_space<hbm>>
      %dma_wait3A_149 = tpu.memref_squeeze %dma_wait3A_148 : memref<1x10000xi32, #tpu.memory_space<hbm>> -> memref<10000xi32, #tpu.memory_space<hbm>>
      %dma_wait3A_150 = tpu.memref_slice %arg3[%run_scoped3A_5, %mul3A_4] : memref<2x320000xi32, #tpu.memory_space<hbm>> -> memref<1x10000xi32, #tpu.memory_space<hbm>>
      %dma_wait3A_151 = tpu.memref_squeeze %dma_wait3A_150 : memref<1x10000xi32, #tpu.memory_space<hbm>> -> memref<10000xi32, #tpu.memory_space<hbm>>
      tpu.wait_dma2 semaphore(%run_scoped3A_143 : memref<!tpu.dma_semaphore, #tpu.memory_space<semaphore_mem>>) src(%dma_wait3A_151 : memref<10000xi32, #tpu.memory_space<hbm>>) dst(%arg6 : memref<10000xi32, #tpu.memory_space<vmem>>)
      tpu.yield
    }) : () -> ()
    %scan3A = arith.constant 0 : i32
    %scan3A_6 = arith.constant 64 : i32
    %scan3A_7 = arith.addi %scan3A, %scan3A_6 : i32
    %scan3A_8 = arith.constant 1 : i32
    scf.for %scan3A_143 = %scan3A to %scan3A_7 step %scan3A_8  : i32 {
      %mul3A_144 = arith.constant 2 : i32
      %mul3A_145 = arith.muli %scan3A_143, %mul3A_144 : i32
      %add3A_146 = arith.constant 0 : i32
      %add3A_147 = arith.addi %add3A_146, %mul3A_145 : i32
      %multiple_of3A = tpu.assume_multiple %add3A_147, 2 : i32
      %broadcast_in_dim3A = arith.constant 0.000000e+00 : bf16
      %broadcast_in_dim3A_148 = vector.broadcast %broadcast_in_dim3A : bf16 to vector<2x16xbf16>
      %swap3A = arith.index_cast %multiple_of3A : i32 to index
      %swap3A_149 = arith.constant 0 : index
      %swap3A_150 = tpu.vector_load %arg8[%swap3A, %swap3A_149] {strides = array<i32>} : memref<128x128xbf16, #tpu.memory_space<vmem>>, vector<2x16xbf16>,
      %swap3A_151 = vector.shape_cast %swap3A_150 : vector<2x16xbf16> to vector<2x16xbf16>
      %swap3A_152 = vector.shape_cast %broadcast_in_dim3A_148 : vector<2x16xbf16> to vector<2x16xbf16>
      tpu.vector_store %arg8[%swap3A, %swap3A_149], %swap3A_152 {strides = array<i32>} : memref<128x128xbf16, #tpu.memory_space<vmem>>, vector<2x16xbf16>,
      %broadcast_in_dim3A_153 = arith.constant 0.000000e+00 : bf16
      %broadcast_in_dim3A_154 = vector.broadcast %broadcast_in_dim3A_153 : bf16 to vector<2x16xbf16>
      %swap3A_155 = arith.index_cast %multiple_of3A : i32 to index
      %swap3A_156 = arith.constant 16 : index
      %swap3A_157 = tpu.vector_load %arg8[%swap3A_155, %swap3A_156] {strides = array<i32>} : memref<128x128xbf16, #tpu.memory_space<vmem>>, vector<2x16xbf16>,
      %swap3A_158 = vector.shape_cast %swap3A_157 : vector<2x16xbf16> to vector<2x16xbf16>
      %swap3A_159 = vector.shape_cast %broadcast_in_dim3A_154 : vector<2x16xbf16> to vector<2x16xbf16>
      tpu.vector_store %arg8[%swap3A_155, %swap3A_156], %swap3A_159 {strides = array<i32>} : memref<128x128xbf16, #tpu.memory_space<vmem>>, vector<2x16xbf16>,
      %broadcast_in_dim3A_160 = arith.constant 0.000000e+00 : bf16
      %broadcast_in_dim3A_161 = vector.broadcast %broadcast_in_dim3A_160 : bf16 to vector<2x16xbf16>
      %swap3A_162 = arith.index_cast %multiple_of3A : i32 to index
      %swap3A_163 = arith.constant 32 : index
      %swap3A_164 = tpu.vector_load %arg8[%swap3A_162, %swap3A_163] {strides = array<i32>} : memref<128x128xbf16, #tpu.memory_space<vmem>>, vector<2x16xbf16>,
      %swap3A_165 = vector.shape_cast %swap3A_164 : vector<2x16xbf16> to vector<2x16xbf16>
      %swap3A_166 = vector.shape_cast %broadcast_in_dim3A_161 : vector<2x16xbf16> to vector<2x16xbf16>
      tpu.vector_store %arg8[%swap3A_162, %swap3A_163], %swap3A_166 {strides = array<i32>} : memref<128x128xbf16, #tpu.memory_space<vmem>>, vector<2x16xbf16>,
      %broadcast_in_dim3A_167 = arith.constant 0.000000e+00 : bf16
      %broadcast_in_dim3A_168 = vector.broadcast %broadcast_in_dim3A_167 : bf16 to vector<2x16xbf16>
      %swap3A_169 = arith.index_cast %multiple_of3A : i32 to index
      %swap3A_170 = arith.constant 48 : index
      %swap3A_171 = tpu.vector_load %arg8[%swap3A_169, %swap3A_170] {strides = array<i32>} : memref<128x128xbf16, #tpu.memory_space<vmem>>, vector<2x16xbf16>,
      %swap3A_172 = vector.shape_cast %swap3A_171 : vector<2x16xbf16> to vector<2x16xbf16>
      %swap3A_173 = vector.shape_cast %broadcast_in_dim3A_168 : vector<2x16xbf16> to vector<2x16xbf16>
      tpu.vector_store %arg8[%swap3A_169, %swap3A_170], %swap3A_173 {strides = array<i32>} : memref<128x128xbf16, #tpu.memory_space<vmem>>, vector<2x16xbf16>,
      %broadcast_in_dim3A_174 = arith.constant 0.000000e+00 : bf16
      %broadcast_in_dim3A_175 = vector.broadcast %broadcast_in_dim3A_174 : bf16 to vector<2x16xbf16>
      %swap3A_176 = arith.index_cast %multiple_of3A : i32 to index
      %swap3A_177 = arith.constant 64 : index
      %swap3A_178 = tpu.vector_load %arg8[%swap3A_176, %swap3A_177] {strides = array<i32>} : memref<128x128xbf16, #tpu.memory_space<vmem>>, vector<2x16xbf16>,
      %swap3A_179 = vector.shape_cast %swap3A_178 : vector<2x16xbf16> to vector<2x16xbf16>
      %swap3A_180 = vector.shape_cast %broadcast_in_dim3A_175 : vector<2x16xbf16> to vector<2x16xbf16>
      tpu.vector_store %arg8[%swap3A_176, %swap3A_177], %swap3A_180 {strides = array<i32>} : memref<128x128xbf16, #tpu.memory_space<vmem>>, vector<2x16xbf16>,
      %broadcast_in_dim3A_181 = arith.constant 0.000000e+00 : bf16
      %broadcast_in_dim3A_182 = vector.broadcast %broadcast_in_dim3A_181 : bf16 to vector<2x16xbf16>
      %swap3A_183 = arith.index_cast %multiple_of3A : i32 to index
      %swap3A_184 = arith.constant 80 : index
      %swap3A_185 = tpu.vector_load %arg8[%swap3A_183, %swap3A_184] {strides = array<i32>} : memref<128x128xbf16, #tpu.memory_space<vmem>>, vector<2x16xbf16>,
      %swap3A_186 = vector.shape_cast %swap3A_185 : vector<2x16xbf16> to vector<2x16xbf16>
      %swap3A_187 = vector.shape_cast %broadcast_in_dim3A_182 : vector<2x16xbf16> to vector<2x16xbf16>
      tpu.vector_store %arg8[%swap3A_183, %swap3A_184], %swap3A_187 {strides = array<i32>} : memref<128x128xbf16, #tpu.memory_space<vmem>>, vector<2x16xbf16>,
      %broadcast_in_dim3A_188 = arith.constant 0.000000e+00 : bf16
      %broadcast_in_dim3A_189 = vector.broadcast %broadcast_in_dim3A_188 : bf16 to vector<2x16xbf16>
      %swap3A_190 = arith.index_cast %multiple_of3A : i32 to index
      %swap3A_191 = arith.constant 96 : index
      %swap3A_192 = tpu.vector_load %arg8[%swap3A_190, %swap3A_191] {strides = array<i32>} : memref<128x128xbf16, #tpu.memory_space<vmem>>, vector<2x16xbf16>,
      %swap3A_193 = vector.shape_cast %swap3A_192 : vector<2x16xbf16> to vector<2x16xbf16>
      %swap3A_194 = vector.shape_cast %broadcast_in_dim3A_189 : vector<2x16xbf16> to vector<2x16xbf16>
      tpu.vector_store %arg8[%swap3A_190, %swap3A_191], %swap3A_194 {strides = array<i32>} : memref<128x128xbf16, #tpu.memory_space<vmem>>, vector<2x16xbf16>,
      %broadcast_in_dim3A_195 = arith.constant 0.000000e+00 : bf16
      %broadcast_in_dim3A_196 = vector.broadcast %broadcast_in_dim3A_195 : bf16 to vector<2x16xbf16>
      %swap3A_197 = arith.index_cast %multiple_of3A : i32 to index
      %swap3A_198 = arith.constant 112 : index
      %swap3A_199 = tpu.vector_load %arg8[%swap3A_197, %swap3A_198] {strides = array<i32>} : memref<128x128xbf16, #tpu.memory_space<vmem>>, vector<2x16xbf16>,
      %swap3A_200 = vector.shape_cast %swap3A_199 : vector<2x16xbf16> to vector<2x16xbf16>
      %swap3A_201 = vector.shape_cast %broadcast_in_dim3A_196 : vector<2x16xbf16> to vector<2x16xbf16>
      tpu.vector_store %arg8[%swap3A_197, %swap3A_198], %swap3A_201 {strides = array<i32>} : memref<128x128xbf16, #tpu.memory_space<vmem>>, vector<2x16xbf16>,
      %broadcast_in_dim3A_202 = arith.constant 0.000000e+00 : bf16
      %broadcast_in_dim3A_203 = vector.broadcast %broadcast_in_dim3A_202 : bf16 to vector<2x16xbf16>
      %swap3A_204 = arith.index_cast %multiple_of3A : i32 to index
      %swap3A_205 = arith.constant 0 : index
      %swap3A_206 = tpu.vector_load %arg9[%swap3A_204, %swap3A_205] {strides = array<i32>} : memref<128x32xbf16, #tpu.memory_space<vmem>>, vector<2x16xbf16>,
      %swap3A_207 = vector.shape_cast %swap3A_206 : vector<2x16xbf16> to vector<2x16xbf16>
      %swap3A_208 = vector.shape_cast %broadcast_in_dim3A_203 : vector<2x16xbf16> to vector<2x16xbf16>
      tpu.vector_store %arg9[%swap3A_204, %swap3A_205], %swap3A_208 {strides = array<i32>} : memref<128x32xbf16, #tpu.memory_space<vmem>>, vector<2x16xbf16>,
      %broadcast_in_dim3A_209 = arith.constant 0.000000e+00 : bf16
      %broadcast_in_dim3A_210 = vector.broadcast %broadcast_in_dim3A_209 : bf16 to vector<2x16xbf16>
      %swap3A_211 = arith.index_cast %multiple_of3A : i32 to index
      %swap3A_212 = arith.constant 16 : index
      %swap3A_213 = tpu.vector_load %arg9[%swap3A_211, %swap3A_212] {strides = array<i32>} : memref<128x32xbf16, #tpu.memory_space<vmem>>, vector<2x16xbf16>,
      %swap3A_214 = vector.shape_cast %swap3A_213 : vector<2x16xbf16> to vector<2x16xbf16>
      %swap3A_215 = vector.shape_cast %broadcast_in_dim3A_210 : vector<2x16xbf16> to vector<2x16xbf16>
      tpu.vector_store %arg9[%swap3A_211, %swap3A_212], %swap3A_215 {strides = array<i32>} : memref<128x32xbf16, #tpu.memory_space<vmem>>, vector<2x16xbf16>,
    }
    %scan3A_9 = arith.constant 64 : i32
    %mul3A_10 = arith.constant 640 : i32
    %mul3A_11 = arith.muli %arg1, %mul3A_10 : i32
    %add3A_12 = arith.constant 0 : i32
    %add3A_13 = arith.addi %mul3A_11, %add3A_12 : i32
    "tpu.region"() ({
      %run_scoped3A_143 = tpu.sem_alloc : memref<!tpu.dma_semaphore, #tpu.memory_space<semaphore_mem>>
      %dma_start3A_144 = arith.constant 0 : i32
      %dma_start3A_145 = tpu.memref_slice %arg10[%add3A_13, %dma_start3A_144] : memref<10240x128xbf16, #tpu.memory_space<vmem_shared>> -> memref<128x128xbf16, #tpu.memory_space<vmem_shared>>
      %dma_start3A_146 = arith.constant 0 : i32
      %dma_start3A_147 = tpu.memref_slice %arg10[%add3A_13, %dma_start3A_146] : memref<10240x128xbf16, #tpu.memory_space<vmem_shared>> -> memref<128x128xbf16, #tpu.memory_space<vmem_shared>>
      tpu.enqueue_dma source(%arg8 : memref<128x128xbf16, #tpu.memory_space<vmem>>) target(%dma_start3A_147 : memref<128x128xbf16, #tpu.memory_space<vmem_shared>>) target_semaphore(%run_scoped3A_143 : memref<!tpu.dma_semaphore, #tpu.memory_space<semaphore_mem>>)
      %dma_wait3A_148 = arith.constant 0 : i32
      %dma_wait3A_149 = tpu.memref_slice %arg10[%add3A_13, %dma_wait3A_148] : memref<10240x128xbf16, #tpu.memory_space<vmem_shared>> -> memref<128x128xbf16, #tpu.memory_space<vmem_shared>>
      %dma_wait3A_150 = arith.constant 0 : i32
      %dma_wait3A_151 = tpu.memref_slice %arg10[%add3A_13, %dma_wait3A_150] : memref<10240x128xbf16, #tpu.memory_space<vmem_shared>> -> memref<128x128xbf16, #tpu.memory_space<vmem_shared>>
      tpu.wait_dma2 semaphore(%run_scoped3A_143 : memref<!tpu.dma_semaphore, #tpu.memory_space<semaphore_mem>>) src(%arg8 : memref<128x128xbf16, #tpu.memory_space<vmem>>) dst(%dma_wait3A_151 : memref<128x128xbf16, #tpu.memory_space<vmem_shared>>)
      tpu.yield
    }) : () -> ()
    %mul3A_14 = arith.constant 640 : i32
    %mul3A_15 = arith.muli %arg1, %mul3A_14 : i32
    %add3A_16 = arith.constant 128 : i32
    %add3A_17 = arith.addi %mul3A_15, %add3A_16 : i32
    "tpu.region"() ({
      %run_scoped3A_143 = tpu.sem_alloc : memref<!tpu.dma_semaphore, #tpu.memory_space<semaphore_mem>>
      %dma_start3A_144 = arith.constant 0 : i32
      %dma_start3A_145 = tpu.memref_slice %arg10[%add3A_17, %dma_start3A_144] : memref<10240x128xbf16, #tpu.memory_space<vmem_shared>> -> memref<128x128xbf16, #tpu.memory_space<vmem_shared>>
      %dma_start3A_146 = arith.constant 0 : i32
      %dma_start3A_147 = tpu.memref_slice %arg10[%add3A_17, %dma_start3A_146] : memref<10240x128xbf16, #tpu.memory_space<vmem_shared>> -> memref<128x128xbf16, #tpu.memory_space<vmem_shared>>
      tpu.enqueue_dma source(%arg8 : memref<128x128xbf16, #tpu.memory_space<vmem>>) target(%dma_start3A_147 : memref<128x128xbf16, #tpu.memory_space<vmem_shared>>) target_semaphore(%run_scoped3A_143 : memref<!tpu.dma_semaphore, #tpu.memory_space<semaphore_mem>>)
      %dma_wait3A_148 = arith.constant 0 : i32
      %dma_wait3A_149 = tpu.memref_slice %arg10[%add3A_17, %dma_wait3A_148] : memref<10240x128xbf16, #tpu.memory_space<vmem_shared>> -> memref<128x128xbf16, #tpu.memory_space<vmem_shared>>
      %dma_wait3A_150 = arith.constant 0 : i32
      %dma_wait3A_151 = tpu.memref_slice %arg10[%add3A_17, %dma_wait3A_150] : memref<10240x128xbf16, #tpu.memory_space<vmem_shared>> -> memref<128x128xbf16, #tpu.memory_space<vmem_shared>>
      tpu.wait_dma2 semaphore(%run_scoped3A_143 : memref<!tpu.dma_semaphore, #tpu.memory_space<semaphore_mem>>) src(%arg8 : memref<128x128xbf16, #tpu.memory_space<vmem>>) dst(%dma_wait3A_151 : memref<128x128xbf16, #tpu.memory_space<vmem_shared>>)
      tpu.yield
    }) : () -> ()
    %mul3A_18 = arith.constant 640 : i32
    %mul3A_19 = arith.muli %arg1, %mul3A_18 : i32
    %add3A_20 = arith.constant 256 : i32
    %add3A_21 = arith.addi %mul3A_19, %add3A_20 : i32
    "tpu.region"() ({
      %run_scoped3A_143 = tpu.sem_alloc : memref<!tpu.dma_semaphore, #tpu.memory_space<semaphore_mem>>
      %dma_start3A_144 = arith.constant 0 : i32
      %dma_start3A_145 = tpu.memref_slice %arg10[%add3A_21, %dma_start3A_144] : memref<10240x128xbf16, #tpu.memory_space<vmem_shared>> -> memref<128x128xbf16, #tpu.memory_space<vmem_shared>>
      %dma_start3A_146 = arith.constant 0 : i32
      %dma_start3A_147 = tpu.memref_slice %arg10[%add3A_21, %dma_start3A_146] : memref<10240x128xbf16, #tpu.memory_space<vmem_shared>> -> memref<128x128xbf16, #tpu.memory_space<vmem_shared>>
      tpu.enqueue_dma source(%arg8 : memref<128x128xbf16, #tpu.memory_space<vmem>>) target(%dma_start3A_147 : memref<128x128xbf16, #tpu.memory_space<vmem_shared>>) target_semaphore(%run_scoped3A_143 : memref<!tpu.dma_semaphore, #tpu.memory_space<semaphore_mem>>)
      %dma_wait3A_148 = arith.constant 0 : i32
      %dma_wait3A_149 = tpu.memref_slice %arg10[%add3A_21, %dma_wait3A_148] : memref<10240x128xbf16, #tpu.memory_space<vmem_shared>> -> memref<128x128xbf16, #tpu.memory_space<vmem_shared>>
      %dma_wait3A_150 = arith.constant 0 : i32
      %dma_wait3A_151 = tpu.memref_slice %arg10[%add3A_21, %dma_wait3A_150] : memref<10240x128xbf16, #tpu.memory_space<vmem_shared>> -> memref<128x128xbf16, #tpu.memory_space<vmem_shared>>
      tpu.wait_dma2 semaphore(%run_scoped3A_143 : memref<!tpu.dma_semaphore, #tpu.memory_space<semaphore_mem>>) src(%arg8 : memref<128x128xbf16, #tpu.memory_space<vmem>>) dst(%dma_wait3A_151 : memref<128x128xbf16, #tpu.memory_space<vmem_shared>>)
      tpu.yield
    }) : () -> ()
    %mul3A_22 = arith.constant 640 : i32
    %mul3A_23 = arith.muli %arg1, %mul3A_22 : i32
    %add3A_24 = arith.constant 384 : i32
    %add3A_25 = arith.addi %mul3A_23, %add3A_24 : i32
    "tpu.region"() ({
      %run_scoped3A_143 = tpu.sem_alloc : memref<!tpu.dma_semaphore, #tpu.memory_space<semaphore_mem>>
      %dma_start3A_144 = arith.constant 0 : i32
      %dma_start3A_145 = tpu.memref_slice %arg10[%add3A_25, %dma_start3A_144] : memref<10240x128xbf16, #tpu.memory_space<vmem_shared>> -> memref<128x128xbf16, #tpu.memory_space<vmem_shared>>
      %dma_start3A_146 = arith.constant 0 : i32
      %dma_start3A_147 = tpu.memref_slice %arg10[%add3A_25, %dma_start3A_146] : memref<10240x128xbf16, #tpu.memory_space<vmem_shared>> -> memref<128x128xbf16, #tpu.memory_space<vmem_shared>>
      tpu.enqueue_dma source(%arg8 : memref<128x128xbf16, #tpu.memory_space<vmem>>) target(%dma_start3A_147 : memref<128x128xbf16, #tpu.memory_space<vmem_shared>>) target_semaphore(%run_scoped3A_143 : memref<!tpu.dma_semaphore, #tpu.memory_space<semaphore_mem>>)
      %dma_wait3A_148 = arith.constant 0 : i32
      %dma_wait3A_149 = tpu.memref_slice %arg10[%add3A_25, %dma_wait3A_148] : memref<10240x128xbf16, #tpu.memory_space<vmem_shared>> -> memref<128x128xbf16, #tpu.memory_space<vmem_shared>>
      %dma_wait3A_150 = arith.constant 0 : i32
      %dma_wait3A_151 = tpu.memref_slice %arg10[%add3A_25, %dma_wait3A_150] : memref<10240x128xbf16, #tpu.memory_space<vmem_shared>> -> memref<128x128xbf16, #tpu.memory_space<vmem_shared>>
      tpu.wait_dma2 semaphore(%run_scoped3A_143 : memref<!tpu.dma_semaphore, #tpu.memory_space<semaphore_mem>>) src(%arg8 : memref<128x128xbf16, #tpu.memory_space<vmem>>) dst(%dma_wait3A_151 : memref<128x128xbf16, #tpu.memory_space<vmem_shared>>)
      tpu.yield
    }) : () -> ()
    %mul3A_26 = arith.constant 640 : i32
    %mul3A_27 = arith.muli %arg1, %mul3A_26 : i32
    %add3A_28 = arith.constant 512 : i32
    %add3A_29 = arith.addi %mul3A_27, %add3A_28 : i32
    "tpu.region"() ({
      %run_scoped3A_143 = tpu.sem_alloc : memref<!tpu.dma_semaphore, #tpu.memory_space<semaphore_mem>>
      %dma_start3A_144 = arith.constant 0 : i32
      %dma_start3A_145 = tpu.memref_slice %arg10[%add3A_29, %dma_start3A_144] : memref<10240x128xbf16, #tpu.memory_space<vmem_shared>> -> memref<128x128xbf16, #tpu.memory_space<vmem_shared>>
      %dma_start3A_146 = arith.constant 0 : i32
      %dma_start3A_147 = tpu.memref_slice %arg10[%add3A_29, %dma_start3A_146] : memref<10240x128xbf16, #tpu.memory_space<vmem_shared>> -> memref<128x128xbf16, #tpu.memory_space<vmem_shared>>
      tpu.enqueue_dma source(%arg8 : memref<128x128xbf16, #tpu.memory_space<vmem>>) target(%dma_start3A_147 : memref<128x128xbf16, #tpu.memory_space<vmem_shared>>) target_semaphore(%run_scoped3A_143 : memref<!tpu.dma_semaphore, #tpu.memory_space<semaphore_mem>>)
      %dma_wait3A_148 = arith.constant 0 : i32
      %dma_wait3A_149 = tpu.memref_slice %arg10[%add3A_29, %dma_wait3A_148] : memref<10240x128xbf16, #tpu.memory_space<vmem_shared>> -> memref<128x128xbf16, #tpu.memory_space<vmem_shared>>
      %dma_wait3A_150 = arith.constant 0 : i32
      %dma_wait3A_151 = tpu.memref_slice %arg10[%add3A_29, %dma_wait3A_150] : memref<10240x128xbf16, #tpu.memory_space<vmem_shared>> -> memref<128x128xbf16, #tpu.memory_space<vmem_shared>>
      tpu.wait_dma2 semaphore(%run_scoped3A_143 : memref<!tpu.dma_semaphore, #tpu.memory_space<semaphore_mem>>) src(%arg8 : memref<128x128xbf16, #tpu.memory_space<vmem>>) dst(%dma_wait3A_151 : memref<128x128xbf16, #tpu.memory_space<vmem_shared>>)
      tpu.yield
    }) : () -> ()
    %barrier3A = arith.constant 0 : index
    tpu.barrier barrier_id(%barrier3A)
    %dma_start3A = arith.constant 0 : i32
    %dma_start3A_30 = tpu.memref_slice %arg5[%dma_start3A] : memref<10000xi32, #tpu.memory_space<vmem>> -> memref<80xi32, #tpu.memory_space<vmem>>
    %dma_start3A_31 = arith.constant 0 : i32
    %dma_start3A_32 = arith.constant 0 : i32
    %dma_start3A_33 = tpu.memref_slice %arg2[%dma_start3A_31, %dma_start3A_32] : memref<10000x128xbf16, #tpu.memory_space<hbm>> -> memref<10000x128xbf16, #tpu.memory_space<hbm>>
    tpu.enqueue_indirect_dma source(%dma_start3A_33 : memref<10000x128xbf16, #tpu.memory_space<hbm>>) target(%arg11 : memref<80x128xbf16, #tpu.memory_space<vmem>>) offsets(%dma_start3A_30 : memref<80xi32, #tpu.memory_space<vmem>>) semaphore(%arg16 : memref<!tpu.dma_semaphore, #tpu.memory_space<semaphore_mem>>)
    %dma_start3A_34 = arith.constant 80 : i32
    %dma_start3A_35 = tpu.memref_slice %arg5[%dma_start3A_34] : memref<10000xi32, #tpu.memory_space<vmem>> -> memref<80xi32, #tpu.memory_space<vmem>>
    %dma_start3A_36 = arith.constant 0 : i32
    %dma_start3A_37 = arith.constant 0 : i32
    %dma_start3A_38 = tpu.memref_slice %arg2[%dma_start3A_36, %dma_start3A_37] : memref<10000x128xbf16, #tpu.memory_space<hbm>> -> memref<10000x128xbf16, #tpu.memory_space<hbm>>
    tpu.enqueue_indirect_dma source(%dma_start3A_38 : memref<10000x128xbf16, #tpu.memory_space<hbm>>) target(%arg12 : memref<80x128xbf16, #tpu.memory_space<vmem>>) offsets(%dma_start3A_35 : memref<80xi32, #tpu.memory_space<vmem>>) semaphore(%arg17 : memref<!tpu.dma_semaphore, #tpu.memory_space<semaphore_mem>>)
    %dma_start3A_39 = arith.constant 160 : i32
    %dma_start3A_40 = tpu.memref_slice %arg5[%dma_start3A_39] : memref<10000xi32, #tpu.memory_space<vmem>> -> memref<80xi32, #tpu.memory_space<vmem>>
    %dma_start3A_41 = arith.constant 0 : i32
    %dma_start3A_42 = arith.constant 0 : i32
    %dma_start3A_43 = tpu.memref_slice %arg2[%dma_start3A_41, %dma_start3A_42] : memref<10000x128xbf16, #tpu.memory_space<hbm>> -> memref<10000x128xbf16, #tpu.memory_space<hbm>>
    tpu.enqueue_indirect_dma source(%dma_start3A_43 : memref<10000x128xbf16, #tpu.memory_space<hbm>>) target(%arg13 : memref<80x128xbf16, #tpu.memory_space<vmem>>) offsets(%dma_start3A_40 : memref<80xi32, #tpu.memory_space<vmem>>) semaphore(%arg18 : memref<!tpu.dma_semaphore, #tpu.memory_space<semaphore_mem>>)
    %dma_start3A_44 = arith.constant 240 : i32
    %dma_start3A_45 = tpu.memref_slice %arg5[%dma_start3A_44] : memref<10000xi32, #tpu.memory_space<vmem>> -> memref<80xi32, #tpu.memory_space<vmem>>
    %dma_start3A_46 = arith.constant 0 : i32
    %dma_start3A_47 = arith.constant 0 : i32
    %dma_start3A_48 = tpu.memref_slice %arg2[%dma_start3A_46, %dma_start3A_47] : memref<10000x128xbf16, #tpu.memory_space<hbm>> -> memref<10000x128xbf16, #tpu.memory_space<hbm>>
    tpu.enqueue_indirect_dma source(%dma_start3A_48 : memref<10000x128xbf16, #tpu.memory_space<hbm>>) target(%arg14 : memref<80x128xbf16, #tpu.memory_space<vmem>>) offsets(%dma_start3A_45 : memref<80xi32, #tpu.memory_space<vmem>>) semaphore(%arg19 : memref<!tpu.dma_semaphore, #tpu.memory_space<semaphore_mem>>)
    %dma_start3A_49 = arith.constant 320 : i32
    %dma_start3A_50 = tpu.memref_slice %arg5[%dma_start3A_49] : memref<10000xi32, #tpu.memory_space<vmem>> -> memref<80xi32, #tpu.memory_space<vmem>>
    %dma_start3A_51 = arith.constant 0 : i32
    %dma_start3A_52 = arith.constant 0 : i32
    %dma_start3A_53 = tpu.memref_slice %arg2[%dma_start3A_51, %dma_start3A_52] : memref<10000x128xbf16, #tpu.memory_space<hbm>> -> memref<10000x128xbf16, #tpu.memory_space<hbm>>
    tpu.enqueue_indirect_dma source(%dma_start3A_53 : memref<10000x128xbf16, #tpu.memory_space<hbm>>) target(%arg15 : memref<80x128xbf16, #tpu.memory_space<vmem>>) offsets(%dma_start3A_50 : memref<80xi32, #tpu.memory_space<vmem>>) semaphore(%arg20 : memref<!tpu.dma_semaphore, #tpu.memory_space<semaphore_mem>>)
    %scan3A_54 = arith.constant 0 : i32
    %scan3A_55 = arith.constant 24 : i32
    %scan3A_56 = arith.addi %scan3A_54, %scan3A_55 : i32
    %scan3A_57 = arith.constant 1 : i32
    scf.for %scan3A_143 = %scan3A_54 to %scan3A_56 step %scan3A_57  : i32 {
      %mul3A_144 = arith.constant 5 : i32
      %mul3A_145 = arith.muli %scan3A_143, %mul3A_144 : i32
      %add3A_146 = arith.constant 0 : i32
      %add3A_147 = arith.addi %add3A_146, %mul3A_145 : i32
      %add3A_148 = arith.constant 0 : i32
      %add3A_149 = arith.addi %add3A_147, %add3A_148 : i32
      %dma_wait3A_150 = arith.constant 0 : i32
      %dma_wait3A_151 = arith.constant 0 : i32
      %dma_wait3A_152 = tpu.memref_slice %arg2[%dma_wait3A_150, %dma_wait3A_151] : memref<10000x128xbf16, #tpu.memory_space<hbm>> -> memref<80x128xbf16, #tpu.memory_space<hbm>>
      %dma_wait3A_153 = arith.constant 0 : i32
      %dma_wait3A_154 = arith.constant 0 : i32
      %dma_wait3A_155 = tpu.memref_slice %arg2[%dma_wait3A_153, %dma_wait3A_154] : memref<10000x128xbf16, #tpu.memory_space<hbm>> -> memref<80x128xbf16, #tpu.memory_space<hbm>>
      tpu.wait_dma2 semaphore(%arg16 : memref<!tpu.dma_semaphore, #tpu.memory_space<semaphore_mem>>) src(%dma_wait3A_155 : memref<80x128xbf16, #tpu.memory_space<hbm>>) dst(%arg11 : memref<80x128xbf16, #tpu.memory_space<vmem>>)
      %mul3A_156 = arith.constant 80 : i32
      %mul3A_157 = arith.muli %add3A_149, %mul3A_156 : i32
      %dma_start3A_158 = tpu.memref_slice %arg6[%mul3A_157] : memref<10000xi32, #tpu.memory_space<vmem>> -> memref<80xi32, #tpu.memory_space<vmem>>
      %dma_start3A_159 = arith.constant 0 : i32
      %dma_start3A_160 = arith.constant 0 : i32
      %dma_start3A_161 = tpu.memref_slice %arg10[%dma_start3A_159, %dma_start3A_160] : memref<10240x128xbf16, #tpu.memory_space<vmem_shared>> -> memref<10240x128xbf16, #tpu.memory_space<vmem_shared>>
      tpu.enqueue_indirect_dma source(%arg11 : memref<80x128xbf16, #tpu.memory_space<vmem>>) target(%dma_start3A_161 : memref<10240x128xbf16, #tpu.memory_space<vmem_shared>>) offsets(%dma_start3A_158 : memref<80xi32, #tpu.memory_space<vmem>>) semaphore(%arg21 : memref<!tpu.dma_semaphore, #tpu.memory_space<semaphore_mem>>) {add = true}
      %add3A_162 = arith.constant 1 : i32
      %add3A_163 = arith.addi %add3A_147, %add3A_162 : i32
      %dma_wait3A_164 = arith.constant 0 : i32
      %dma_wait3A_165 = arith.constant 0 : i32
      %dma_wait3A_166 = tpu.memref_slice %arg2[%dma_wait3A_164, %dma_wait3A_165] : memref<10000x128xbf16, #tpu.memory_space<hbm>> -> memref<80x128xbf16, #tpu.memory_space<hbm>>
      %dma_wait3A_167 = arith.constant 0 : i32
      %dma_wait3A_168 = arith.constant 0 : i32
      %dma_wait3A_169 = tpu.memref_slice %arg2[%dma_wait3A_167, %dma_wait3A_168] : memref<10000x128xbf16, #tpu.memory_space<hbm>> -> memref<80x128xbf16, #tpu.memory_space<hbm>>
      tpu.wait_dma2 semaphore(%arg17 : memref<!tpu.dma_semaphore, #tpu.memory_space<semaphore_mem>>) src(%dma_wait3A_169 : memref<80x128xbf16, #tpu.memory_space<hbm>>) dst(%arg12 : memref<80x128xbf16, #tpu.memory_space<vmem>>)
      %mul3A_170 = arith.constant 80 : i32
      %mul3A_171 = arith.muli %add3A_163, %mul3A_170 : i32
      %dma_start3A_172 = tpu.memref_slice %arg6[%mul3A_171] : memref<10000xi32, #tpu.memory_space<vmem>> -> memref<80xi32, #tpu.memory_space<vmem>>
      %dma_start3A_173 = arith.constant 0 : i32
      %dma_start3A_174 = arith.constant 0 : i32
      %dma_start3A_175 = tpu.memref_slice %arg10[%dma_start3A_173, %dma_start3A_174] : memref<10240x128xbf16, #tpu.memory_space<vmem_shared>> -> memref<10240x128xbf16, #tpu.memory_space<vmem_shared>>
      tpu.enqueue_indirect_dma source(%arg12 : memref<80x128xbf16, #tpu.memory_space<vmem>>) target(%dma_start3A_175 : memref<10240x128xbf16, #tpu.memory_space<vmem_shared>>) offsets(%dma_start3A_172 : memref<80xi32, #tpu.memory_space<vmem>>) semaphore(%arg22 : memref<!tpu.dma_semaphore, #tpu.memory_space<semaphore_mem>>) {add = true}
      %add3A_176 = arith.constant 2 : i32
      %add3A_177 = arith.addi %add3A_147, %add3A_176 : i32
      %dma_wait3A_178 = arith.constant 0 : i32
      %dma_wait3A_179 = arith.constant 0 : i32
      %dma_wait3A_180 = tpu.memref_slice %arg2[%dma_wait3A_178, %dma_wait3A_179] : memref<10000x128xbf16, #tpu.memory_space<hbm>> -> memref<80x128xbf16, #tpu.memory_space<hbm>>
      %dma_wait3A_181 = arith.constant 0 : i32
      %dma_wait3A_182 = arith.constant 0 : i32
      %dma_wait3A_183 = tpu.memref_slice %arg2[%dma_wait3A_181, %dma_wait3A_182] : memref<10000x128xbf16, #tpu.memory_space<hbm>> -> memref<80x128xbf16, #tpu.memory_space<hbm>>
      tpu.wait_dma2 semaphore(%arg18 : memref<!tpu.dma_semaphore, #tpu.memory_space<semaphore_mem>>) src(%dma_wait3A_183 : memref<80x128xbf16, #tpu.memory_space<hbm>>) dst(%arg13 : memref<80x128xbf16, #tpu.memory_space<vmem>>)
      %mul3A_184 = arith.constant 80 : i32
      %mul3A_185 = arith.muli %add3A_177, %mul3A_184 : i32
      %dma_start3A_186 = tpu.memref_slice %arg6[%mul3A_185] : memref<10000xi32, #tpu.memory_space<vmem>> -> memref<80xi32, #tpu.memory_space<vmem>>
      %dma_start3A_187 = arith.constant 0 : i32
      %dma_start3A_188 = arith.constant 0 : i32
      %dma_start3A_189 = tpu.memref_slice %arg10[%dma_start3A_187, %dma_start3A_188] : memref<10240x128xbf16, #tpu.memory_space<vmem_shared>> -> memref<10240x128xbf16, #tpu.memory_space<vmem_shared>>
      tpu.enqueue_indirect_dma source(%arg13 : memref<80x128xbf16, #tpu.memory_space<vmem>>) target(%dma_start3A_189 : memref<10240x128xbf16, #tpu.memory_space<vmem_shared>>) offsets(%dma_start3A_186 : memref<80xi32, #tpu.memory_space<vmem>>) semaphore(%arg23 : memref<!tpu.dma_semaphore, #tpu.memory_space<semaphore_mem>>) {add = true}
      %add3A_190 = arith.constant 3 : i32
      %add3A_191 = arith.addi %add3A_147, %add3A_190 : i32
      %dma_wait3A_192 = arith.constant 0 : i32
      %dma_wait3A_193 = arith.constant 0 : i32
      %dma_wait3A_194 = tpu.memref_slice %arg2[%dma_wait3A_192, %dma_wait3A_193] : memref<10000x128xbf16, #tpu.memory_space<hbm>> -> memref<80x128xbf16, #tpu.memory_space<hbm>>
      %dma_wait3A_195 = arith.constant 0 : i32
      %dma_wait3A_196 = arith.constant 0 : i32
      %dma_wait3A_197 = tpu.memref_slice %arg2[%dma_wait3A_195, %dma_wait3A_196] : memref<10000x128xbf16, #tpu.memory_space<hbm>> -> memref<80x128xbf16, #tpu.memory_space<hbm>>
      tpu.wait_dma2 semaphore(%arg19 : memref<!tpu.dma_semaphore, #tpu.memory_space<semaphore_mem>>) src(%dma_wait3A_197 : memref<80x128xbf16, #tpu.memory_space<hbm>>) dst(%arg14 : memref<80x128xbf16, #tpu.memory_space<vmem>>)
      %mul3A_198 = arith.constant 80 : i32
      %mul3A_199 = arith.muli %add3A_191, %mul3A_198 : i32
      %dma_start3A_200 = tpu.memref_slice %arg6[%mul3A_199] : memref<10000xi32, #tpu.memory_space<vmem>> -> memref<80xi32, #tpu.memory_space<vmem>>
      %dma_start3A_201 = arith.constant 0 : i32
      %dma_start3A_202 = arith.constant 0 : i32
      %dma_start3A_203 = tpu.memref_slice %arg10[%dma_start3A_201, %dma_start3A_202] : memref<10240x128xbf16, #tpu.memory_space<vmem_shared>> -> memref<10240x128xbf16, #tpu.memory_space<vmem_shared>>
      tpu.enqueue_indirect_dma source(%arg14 : memref<80x128xbf16, #tpu.memory_space<vmem>>) target(%dma_start3A_203 : memref<10240x128xbf16, #tpu.memory_space<vmem_shared>>) offsets(%dma_start3A_200 : memref<80xi32, #tpu.memory_space<vmem>>) semaphore(%arg24 : memref<!tpu.dma_semaphore, #tpu.memory_space<semaphore_mem>>) {add = true}
      %add3A_204 = arith.constant 4 : i32
      %add3A_205 = arith.addi %add3A_147, %add3A_204 : i32
      %dma_wait3A_206 = arith.constant 0 : i32
      %dma_wait3A_207 = arith.constant 0 : i32
      %dma_wait3A_208 = tpu.memref_slice %arg2[%dma_wait3A_206, %dma_wait3A_207] : memref<10000x128xbf16, #tpu.memory_space<hbm>> -> memref<80x128xbf16, #tpu.memory_space<hbm>>
      %dma_wait3A_209 = arith.constant 0 : i32
      %dma_wait3A_210 = arith.constant 0 : i32
      %dma_wait3A_211 = tpu.memref_slice %arg2[%dma_wait3A_209, %dma_wait3A_210] : memref<10000x128xbf16, #tpu.memory_space<hbm>> -> memref<80x128xbf16, #tpu.memory_space<hbm>>
      tpu.wait_dma2 semaphore(%arg20 : memref<!tpu.dma_semaphore, #tpu.memory_space<semaphore_mem>>) src(%dma_wait3A_211 : memref<80x128xbf16, #tpu.memory_space<hbm>>) dst(%arg15 : memref<80x128xbf16, #tpu.memory_space<vmem>>)
      %mul3A_212 = arith.constant 80 : i32
      %mul3A_213 = arith.muli %add3A_205, %mul3A_212 : i32
      %dma_start3A_214 = tpu.memref_slice %arg6[%mul3A_213] : memref<10000xi32, #tpu.memory_space<vmem>> -> memref<80xi32, #tpu.memory_space<vmem>>
      %dma_start3A_215 = arith.constant 0 : i32
      %dma_start3A_216 = arith.constant 0 : i32
      %dma_start3A_217 = tpu.memref_slice %arg10[%dma_start3A_215, %dma_start3A_216] : memref<10240x128xbf16, #tpu.memory_space<vmem_shared>> -> memref<10240x128xbf16, #tpu.memory_space<vmem_shared>>
      tpu.enqueue_indirect_dma source(%arg15 : memref<80x128xbf16, #tpu.memory_space<vmem>>) target(%dma_start3A_217 : memref<10240x128xbf16, #tpu.memory_space<vmem_shared>>) offsets(%dma_start3A_214 : memref<80xi32, #tpu.memory_space<vmem>>) semaphore(%arg25 : memref<!tpu.dma_semaphore, #tpu.memory_space<semaphore_mem>>) {add = true}
      %dma_wait3A_218 = tpu.memref_slice %arg6[%mul3A_157] : memref<10000xi32, #tpu.memory_space<vmem>> -> memref<80xi32, #tpu.memory_space<vmem>>
      %dma_wait3A_219 = arith.constant 0 : i32
      %dma_wait3A_220 = arith.constant 0 : i32
      %dma_wait3A_221 = tpu.memref_slice %arg10[%dma_wait3A_219, %dma_wait3A_220] : memref<10240x128xbf16, #tpu.memory_space<vmem_shared>> -> memref<10240x128xbf16, #tpu.memory_space<vmem_shared>>
      tpu.wait_indirect_dma semaphore(%arg21 : memref<!tpu.dma_semaphore, #tpu.memory_space<semaphore_mem>>) src(%arg11 : memref<80x128xbf16, #tpu.memory_space<vmem>>) dst(%dma_wait3A_221 : memref<10240x128xbf16, #tpu.memory_space<vmem_shared>>)
      %add3A_222 = arith.constant 0 : i32
      %add3A_223 = arith.addi %add3A_147, %add3A_222 : i32
      %add3A_224 = arith.constant 5 : i32
      %add3A_225 = arith.addi %add3A_223, %add3A_224 : i32
      %mul3A_226 = arith.constant 80 : i32
      %mul3A_227 = arith.muli %add3A_225, %mul3A_226 : i32
      %dma_start3A_228 = tpu.memref_slice %arg5[%mul3A_227] : memref<10000xi32, #tpu.memory_space<vmem>> -> memref<80xi32, #tpu.memory_space<vmem>>
      %dma_start3A_229 = arith.constant 0 : i32
      %dma_start3A_230 = arith.constant 0 : i32
      %dma_start3A_231 = tpu.memref_slice %arg2[%dma_start3A_229, %dma_start3A_230] : memref<10000x128xbf16, #tpu.memory_space<hbm>> -> memref<10000x128xbf16, #tpu.memory_space<hbm>>
      tpu.enqueue_indirect_dma source(%dma_start3A_231 : memref<10000x128xbf16, #tpu.memory_space<hbm>>) target(%arg11 : memref<80x128xbf16, #tpu.memory_space<vmem>>) offsets(%dma_start3A_228 : memref<80xi32, #tpu.memory_space<vmem>>) semaphore(%arg16 : memref<!tpu.dma_semaphore, #tpu.memory_space<semaphore_mem>>)
      %dma_wait3A_232 = tpu.memref_slice %arg6[%mul3A_171] : memref<10000xi32, #tpu.memory_space<vmem>> -> memref<80xi32, #tpu.memory_space<vmem>>
      %dma_wait3A_233 = arith.constant 0 : i32
      %dma_wait3A_234 = arith.constant 0 : i32
      %dma_wait3A_235 = tpu.memref_slice %arg10[%dma_wait3A_233, %dma_wait3A_234] : memref<10240x128xbf16, #tpu.memory_space<vmem_shared>> -> memref<10240x128xbf16, #tpu.memory_space<vmem_shared>>
      tpu.wait_indirect_dma semaphore(%arg22 : memref<!tpu.dma_semaphore, #tpu.memory_space<semaphore_mem>>) src(%arg12 : memref<80x128xbf16, #tpu.memory_space<vmem>>) dst(%dma_wait3A_235 : memref<10240x128xbf16, #tpu.memory_space<vmem_shared>>)
      %add3A_236 = arith.constant 1 : i32
      %add3A_237 = arith.addi %add3A_147, %add3A_236 : i32
      %add3A_238 = arith.constant 5 : i32
      %add3A_239 = arith.addi %add3A_237, %add3A_238 : i32
      %mul3A_240 = arith.constant 80 : i32
      %mul3A_241 = arith.muli %add3A_239, %mul3A_240 : i32
      %dma_start3A_242 = tpu.memref_slice %arg5[%mul3A_241] : memref<10000xi32, #tpu.memory_space<vmem>> -> memref<80xi32, #tpu.memory_space<vmem>>
      %dma_start3A_243 = arith.constant 0 : i32
      %dma_start3A_244 = arith.constant 0 : i32
      %dma_start3A_245 = tpu.memref_slice %arg2[%dma_start3A_243, %dma_start3A_244] : memref<10000x128xbf16, #tpu.memory_space<hbm>> -> memref<10000x128xbf16, #tpu.memory_space<hbm>>
      tpu.enqueue_indirect_dma source(%dma_start3A_245 : memref<10000x128xbf16, #tpu.memory_space<hbm>>) target(%arg12 : memref<80x128xbf16, #tpu.memory_space<vmem>>) offsets(%dma_start3A_242 : memref<80xi32, #tpu.memory_space<vmem>>) semaphore(%arg17 : memref<!tpu.dma_semaphore, #tpu.memory_space<semaphore_mem>>)
      %dma_wait3A_246 = tpu.memref_slice %arg6[%mul3A_185] : memref<10000xi32, #tpu.memory_space<vmem>> -> memref<80xi32, #tpu.memory_space<vmem>>
      %dma_wait3A_247 = arith.constant 0 : i32
      %dma_wait3A_248 = arith.constant 0 : i32
      %dma_wait3A_249 = tpu.memref_slice %arg10[%dma_wait3A_247, %dma_wait3A_248] : memref<10240x128xbf16, #tpu.memory_space<vmem_shared>> -> memref<10240x128xbf16, #tpu.memory_space<vmem_shared>>
      tpu.wait_indirect_dma semaphore(%arg23 : memref<!tpu.dma_semaphore, #tpu.memory_space<semaphore_mem>>) src(%arg13 : memref<80x128xbf16, #tpu.memory_space<vmem>>) dst(%dma_wait3A_249 : memref<10240x128xbf16, #tpu.memory_space<vmem_shared>>)
      %add3A_250 = arith.constant 2 : i32
      %add3A_251 = arith.addi %add3A_147, %add3A_250 : i32
      %add3A_252 = arith.constant 5 : i32
      %add3A_253 = arith.addi %add3A_251, %add3A_252 : i32
      %mul3A_254 = arith.constant 80 : i32
      %mul3A_255 = arith.muli %add3A_253, %mul3A_254 : i32
      %dma_start3A_256 = tpu.memref_slice %arg5[%mul3A_255] : memref<10000xi32, #tpu.memory_space<vmem>> -> memref<80xi32, #tpu.memory_space<vmem>>
      %dma_start3A_257 = arith.constant 0 : i32
      %dma_start3A_258 = arith.constant 0 : i32
      %dma_start3A_259 = tpu.memref_slice %arg2[%dma_start3A_257, %dma_start3A_258] : memref<10000x128xbf16, #tpu.memory_space<hbm>> -> memref<10000x128xbf16, #tpu.memory_space<hbm>>
      tpu.enqueue_indirect_dma source(%dma_start3A_259 : memref<10000x128xbf16, #tpu.memory_space<hbm>>) target(%arg13 : memref<80x128xbf16, #tpu.memory_space<vmem>>) offsets(%dma_start3A_256 : memref<80xi32, #tpu.memory_space<vmem>>) semaphore(%arg18 : memref<!tpu.dma_semaphore, #tpu.memory_space<semaphore_mem>>)
      %dma_wait3A_260 = tpu.memref_slice %arg6[%mul3A_199] : memref<10000xi32, #tpu.memory_space<vmem>> -> memref<80xi32, #tpu.memory_space<vmem>>
      %dma_wait3A_261 = arith.constant 0 : i32
      %dma_wait3A_262 = arith.constant 0 : i32
      %dma_wait3A_263 = tpu.memref_slice %arg10[%dma_wait3A_261, %dma_wait3A_262] : memref<10240x128xbf16, #tpu.memory_space<vmem_shared>> -> memref<10240x128xbf16, #tpu.memory_space<vmem_shared>>
      tpu.wait_indirect_dma semaphore(%arg24 : memref<!tpu.dma_semaphore, #tpu.memory_space<semaphore_mem>>) src(%arg14 : memref<80x128xbf16, #tpu.memory_space<vmem>>) dst(%dma_wait3A_263 : memref<10240x128xbf16, #tpu.memory_space<vmem_shared>>)
      %add3A_264 = arith.constant 3 : i32
      %add3A_265 = arith.addi %add3A_147, %add3A_264 : i32
      %add3A_266 = arith.constant 5 : i32
      %add3A_267 = arith.addi %add3A_265, %add3A_266 : i32
      %mul3A_268 = arith.constant 80 : i32
      %mul3A_269 = arith.muli %add3A_267, %mul3A_268 : i32
      %dma_start3A_270 = tpu.memref_slice %arg5[%mul3A_269] : memref<10000xi32, #tpu.memory_space<vmem>> -> memref<80xi32, #tpu.memory_space<vmem>>
      %dma_start3A_271 = arith.constant 0 : i32
      %dma_start3A_272 = arith.constant 0 : i32
      %dma_start3A_273 = tpu.memref_slice %arg2[%dma_start3A_271, %dma_start3A_272] : memref<10000x128xbf16, #tpu.memory_space<hbm>> -> memref<10000x128xbf16, #tpu.memory_space<hbm>>
      tpu.enqueue_indirect_dma source(%dma_start3A_273 : memref<10000x128xbf16, #tpu.memory_space<hbm>>) target(%arg14 : memref<80x128xbf16, #tpu.memory_space<vmem>>) offsets(%dma_start3A_270 : memref<80xi32, #tpu.memory_space<vmem>>) semaphore(%arg19 : memref<!tpu.dma_semaphore, #tpu.memory_space<semaphore_mem>>)
      %dma_wait3A_274 = tpu.memref_slice %arg6[%mul3A_213] : memref<10000xi32, #tpu.memory_space<vmem>> -> memref<80xi32, #tpu.memory_space<vmem>>
      %dma_wait3A_275 = arith.constant 0 : i32
      %dma_wait3A_276 = arith.constant 0 : i32
      %dma_wait3A_277 = tpu.memref_slice %arg10[%dma_wait3A_275, %dma_wait3A_276] : memref<10240x128xbf16, #tpu.memory_space<vmem_shared>> -> memref<10240x128xbf16, #tpu.memory_space<vmem_shared>>
      tpu.wait_indirect_dma semaphore(%arg25 : memref<!tpu.dma_semaphore, #tpu.memory_space<semaphore_mem>>) src(%arg15 : memref<80x128xbf16, #tpu.memory_space<vmem>>) dst(%dma_wait3A_277 : memref<10240x128xbf16, #tpu.memory_space<vmem_shared>>)
      %add3A_278 = arith.constant 4 : i32
      %add3A_279 = arith.addi %add3A_147, %add3A_278 : i32
      %add3A_280 = arith.constant 5 : i32
      %add3A_281 = arith.addi %add3A_279, %add3A_280 : i32
      %mul3A_282 = arith.constant 80 : i32
      %mul3A_283 = arith.muli %add3A_281, %mul3A_282 : i32
      %dma_start3A_284 = tpu.memref_slice %arg5[%mul3A_283] : memref<10000xi32, #tpu.memory_space<vmem>> -> memref<80xi32, #tpu.memory_space<vmem>>
      %dma_start3A_285 = arith.constant 0 : i32
      %dma_start3A_286 = arith.constant 0 : i32
      %dma_start3A_287 = tpu.memref_slice %arg2[%dma_start3A_285, %dma_start3A_286] : memref<10000x128xbf16, #tpu.memory_space<hbm>> -> memref<10000x128xbf16, #tpu.memory_space<hbm>>
      tpu.enqueue_indirect_dma source(%dma_start3A_287 : memref<10000x128xbf16, #tpu.memory_space<hbm>>) target(%arg15 : memref<80x128xbf16, #tpu.memory_space<vmem>>) offsets(%dma_start3A_284 : memref<80xi32, #tpu.memory_space<vmem>>) semaphore(%arg20 : memref<!tpu.dma_semaphore, #tpu.memory_space<semaphore_mem>>)
    }
    %scan3A_58 = arith.constant 24 : i32
    %dma_wait3A = arith.constant 0 : i32
    %dma_wait3A_59 = arith.constant 0 : i32
    %dma_wait3A_60 = tpu.memref_slice %arg2[%dma_wait3A, %dma_wait3A_59] : memref<10000x128xbf16, #tpu.memory_space<hbm>> -> memref<80x128xbf16, #tpu.memory_space<hbm>>
    %dma_wait3A_61 = arith.constant 0 : i32
    %dma_wait3A_62 = arith.constant 0 : i32
    %dma_wait3A_63 = tpu.memref_slice %arg2[%dma_wait3A_61, %dma_wait3A_62] : memref<10000x128xbf16, #tpu.memory_space<hbm>> -> memref<80x128xbf16, #tpu.memory_space<hbm>>
    tpu.wait_dma2 semaphore(%arg16 : memref<!tpu.dma_semaphore, #tpu.memory_space<semaphore_mem>>) src(%dma_wait3A_63 : memref<80x128xbf16, #tpu.memory_space<hbm>>) dst(%arg11 : memref<80x128xbf16, #tpu.memory_space<vmem>>)
    %dma_start3A_64 = arith.constant 9600 : i32
    %dma_start3A_65 = tpu.memref_slice %arg6[%dma_start3A_64] : memref<10000xi32, #tpu.memory_space<vmem>> -> memref<80xi32, #tpu.memory_space<vmem>>
    %dma_start3A_66 = arith.constant 0 : i32
    %dma_start3A_67 = arith.constant 0 : i32
    %dma_start3A_68 = tpu.memref_slice %arg10[%dma_start3A_66, %dma_start3A_67] : memref<10240x128xbf16, #tpu.memory_space<vmem_shared>> -> memref<10240x128xbf16, #tpu.memory_space<vmem_shared>>
    tpu.enqueue_indirect_dma source(%arg11 : memref<80x128xbf16, #tpu.memory_space<vmem>>) target(%dma_start3A_68 : memref<10240x128xbf16, #tpu.memory_space<vmem_shared>>) offsets(%dma_start3A_65 : memref<80xi32, #tpu.memory_space<vmem>>) semaphore(%arg21 : memref<!tpu.dma_semaphore, #tpu.memory_space<semaphore_mem>>) {add = true}
    %dma_wait3A_69 = arith.constant 0 : i32
    %dma_wait3A_70 = arith.constant 0 : i32
    %dma_wait3A_71 = tpu.memref_slice %arg2[%dma_wait3A_69, %dma_wait3A_70] : memref<10000x128xbf16, #tpu.memory_space<hbm>> -> memref<80x128xbf16, #tpu.memory_space<hbm>>
    %dma_wait3A_72 = arith.constant 0 : i32
    %dma_wait3A_73 = arith.constant 0 : i32
    %dma_wait3A_74 = tpu.memref_slice %arg2[%dma_wait3A_72, %dma_wait3A_73] : memref<10000x128xbf16, #tpu.memory_space<hbm>> -> memref<80x128xbf16, #tpu.memory_space<hbm>>
    tpu.wait_dma2 semaphore(%arg17 : memref<!tpu.dma_semaphore, #tpu.memory_space<semaphore_mem>>) src(%dma_wait3A_74 : memref<80x128xbf16, #tpu.memory_space<hbm>>) dst(%arg12 : memref<80x128xbf16, #tpu.memory_space<vmem>>)
    %dma_start3A_75 = arith.constant 9680 : i32
    %dma_start3A_76 = tpu.memref_slice %arg6[%dma_start3A_75] : memref<10000xi32, #tpu.memory_space<vmem>> -> memref<80xi32, #tpu.memory_space<vmem>>
    %dma_start3A_77 = arith.constant 0 : i32
    %dma_start3A_78 = arith.constant 0 : i32
    %dma_start3A_79 = tpu.memref_slice %arg10[%dma_start3A_77, %dma_start3A_78] : memref<10240x128xbf16, #tpu.memory_space<vmem_shared>> -> memref<10240x128xbf16, #tpu.memory_space<vmem_shared>>
    tpu.enqueue_indirect_dma source(%arg12 : memref<80x128xbf16, #tpu.memory_space<vmem>>) target(%dma_start3A_79 : memref<10240x128xbf16, #tpu.memory_space<vmem_shared>>) offsets(%dma_start3A_76 : memref<80xi32, #tpu.memory_space<vmem>>) semaphore(%arg22 : memref<!tpu.dma_semaphore, #tpu.memory_space<semaphore_mem>>) {add = true}
    %dma_wait3A_80 = arith.constant 0 : i32
    %dma_wait3A_81 = arith.constant 0 : i32
    %dma_wait3A_82 = tpu.memref_slice %arg2[%dma_wait3A_80, %dma_wait3A_81] : memref<10000x128xbf16, #tpu.memory_space<hbm>> -> memref<80x128xbf16, #tpu.memory_space<hbm>>
    %dma_wait3A_83 = arith.constant 0 : i32
    %dma_wait3A_84 = arith.constant 0 : i32
    %dma_wait3A_85 = tpu.memref_slice %arg2[%dma_wait3A_83, %dma_wait3A_84] : memref<10000x128xbf16, #tpu.memory_space<hbm>> -> memref<80x128xbf16, #tpu.memory_space<hbm>>
    tpu.wait_dma2 semaphore(%arg18 : memref<!tpu.dma_semaphore, #tpu.memory_space<semaphore_mem>>) src(%dma_wait3A_85 : memref<80x128xbf16, #tpu.memory_space<hbm>>) dst(%arg13 : memref<80x128xbf16, #tpu.memory_space<vmem>>)
    %dma_start3A_86 = arith.constant 9760 : i32
    %dma_start3A_87 = tpu.memref_slice %arg6[%dma_start3A_86] : memref<10000xi32, #tpu.memory_space<vmem>> -> memref<80xi32, #tpu.memory_space<vmem>>
    %dma_start3A_88 = arith.constant 0 : i32
    %dma_start3A_89 = arith.constant 0 : i32
    %dma_start3A_90 = tpu.memref_slice %arg10[%dma_start3A_88, %dma_start3A_89] : memref<10240x128xbf16, #tpu.memory_space<vmem_shared>> -> memref<10240x128xbf16, #tpu.memory_space<vmem_shared>>
    tpu.enqueue_indirect_dma source(%arg13 : memref<80x128xbf16, #tpu.memory_space<vmem>>) target(%dma_start3A_90 : memref<10240x128xbf16, #tpu.memory_space<vmem_shared>>) offsets(%dma_start3A_87 : memref<80xi32, #tpu.memory_space<vmem>>) semaphore(%arg23 : memref<!tpu.dma_semaphore, #tpu.memory_space<semaphore_mem>>) {add = true}
    %dma_wait3A_91 = arith.constant 0 : i32
    %dma_wait3A_92 = arith.constant 0 : i32
    %dma_wait3A_93 = tpu.memref_slice %arg2[%dma_wait3A_91, %dma_wait3A_92] : memref<10000x128xbf16, #tpu.memory_space<hbm>> -> memref<80x128xbf16, #tpu.memory_space<hbm>>
    %dma_wait3A_94 = arith.constant 0 : i32
    %dma_wait3A_95 = arith.constant 0 : i32
    %dma_wait3A_96 = tpu.memref_slice %arg2[%dma_wait3A_94, %dma_wait3A_95] : memref<10000x128xbf16, #tpu.memory_space<hbm>> -> memref<80x128xbf16, #tpu.memory_space<hbm>>
    tpu.wait_dma2 semaphore(%arg19 : memref<!tpu.dma_semaphore, #tpu.memory_space<semaphore_mem>>) src(%dma_wait3A_96 : memref<80x128xbf16, #tpu.memory_space<hbm>>) dst(%arg14 : memref<80x128xbf16, #tpu.memory_space<vmem>>)
    %dma_start3A_97 = arith.constant 9840 : i32
    %dma_start3A_98 = tpu.memref_slice %arg6[%dma_start3A_97] : memref<10000xi32, #tpu.memory_space<vmem>> -> memref<80xi32, #tpu.memory_space<vmem>>
    %dma_start3A_99 = arith.constant 0 : i32
    %dma_start3A_100 = arith.constant 0 : i32
    %dma_start3A_101 = tpu.memref_slice %arg10[%dma_start3A_99, %dma_start3A_100] : memref<10240x128xbf16, #tpu.memory_space<vmem_shared>> -> memref<10240x128xbf16, #tpu.memory_space<vmem_shared>>
    tpu.enqueue_indirect_dma source(%arg14 : memref<80x128xbf16, #tpu.memory_space<vmem>>) target(%dma_start3A_101 : memref<10240x128xbf16, #tpu.memory_space<vmem_shared>>) offsets(%dma_start3A_98 : memref<80xi32, #tpu.memory_space<vmem>>) semaphore(%arg24 : memref<!tpu.dma_semaphore, #tpu.memory_space<semaphore_mem>>) {add = true}
    %dma_wait3A_102 = arith.constant 0 : i32
    %dma_wait3A_103 = arith.constant 0 : i32
    %dma_wait3A_104 = tpu.memref_slice %arg2[%dma_wait3A_102, %dma_wait3A_103] : memref<10000x128xbf16, #tpu.memory_space<hbm>> -> memref<80x128xbf16, #tpu.memory_space<hbm>>
    %dma_wait3A_105 = arith.constant 0 : i32
    %dma_wait3A_106 = arith.constant 0 : i32
    %dma_wait3A_107 = tpu.memref_slice %arg2[%dma_wait3A_105, %dma_wait3A_106] : memref<10000x128xbf16, #tpu.memory_space<hbm>> -> memref<80x128xbf16, #tpu.memory_space<hbm>>
    tpu.wait_dma2 semaphore(%arg20 : memref<!tpu.dma_semaphore, #tpu.memory_space<semaphore_mem>>) src(%dma_wait3A_107 : memref<80x128xbf16, #tpu.memory_space<hbm>>) dst(%arg15 : memref<80x128xbf16, #tpu.memory_space<vmem>>)
    %dma_start3A_108 = arith.constant 9920 : i32
    %dma_start3A_109 = tpu.memref_slice %arg6[%dma_start3A_108] : memref<10000xi32, #tpu.memory_space<vmem>> -> memref<80xi32, #tpu.memory_space<vmem>>
    %dma_start3A_110 = arith.constant 0 : i32
    %dma_start3A_111 = arith.constant 0 : i32
    %dma_start3A_112 = tpu.memref_slice %arg10[%dma_start3A_110, %dma_start3A_111] : memref<10240x128xbf16, #tpu.memory_space<vmem_shared>> -> memref<10240x128xbf16, #tpu.memory_space<vmem_shared>>
    tpu.enqueue_indirect_dma source(%arg15 : memref<80x128xbf16, #tpu.memory_space<vmem>>) target(%dma_start3A_112 : memref<10240x128xbf16, #tpu.memory_space<vmem_shared>>) offsets(%dma_start3A_109 : memref<80xi32, #tpu.memory_space<vmem>>) semaphore(%arg25 : memref<!tpu.dma_semaphore, #tpu.memory_space<semaphore_mem>>) {add = true}
    %dma_wait3A_113 = arith.constant 9600 : i32
    %dma_wait3A_114 = tpu.memref_slice %arg6[%dma_wait3A_113] : memref<10000xi32, #tpu.memory_space<vmem>> -> memref<80xi32, #tpu.memory_space<vmem>>
    %dma_wait3A_115 = arith.constant 0 : i32
    %dma_wait3A_116 = arith.constant 0 : i32
    %dma_wait3A_117 = tpu.memref_slice %arg10[%dma_wait3A_115, %dma_wait3A_116] : memref<10240x128xbf16, #tpu.memory_space<vmem_shared>> -> memref<10240x128xbf16, #tpu.memory_space<vmem_shared>>
    tpu.wait_indirect_dma semaphore(%arg21 : memref<!tpu.dma_semaphore, #tpu.memory_space<semaphore_mem>>) src(%arg11 : memref<80x128xbf16, #tpu.memory_space<vmem>>) dst(%dma_wait3A_117 : memref<10240x128xbf16, #tpu.memory_space<vmem_shared>>)
    %dma_wait3A_118 = arith.constant 9680 : i32
    %dma_wait3A_119 = tpu.memref_slice %arg6[%dma_wait3A_118] : memref<10000xi32, #tpu.memory_space<vmem>> -> memref<80xi32, #tpu.memory_space<vmem>>
    %dma_wait3A_120 = arith.constant 0 : i32
    %dma_wait3A_121 = arith.constant 0 : i32
    %dma_wait3A_122 = tpu.memref_slice %arg10[%dma_wait3A_120, %dma_wait3A_121] : memref<10240x128xbf16, #tpu.memory_space<vmem_shared>> -> memref<10240x128xbf16, #tpu.memory_space<vmem_shared>>
    tpu.wait_indirect_dma semaphore(%arg22 : memref<!tpu.dma_semaphore, #tpu.memory_space<semaphore_mem>>) src(%arg12 : memref<80x128xbf16, #tpu.memory_space<vmem>>) dst(%dma_wait3A_122 : memref<10240x128xbf16, #tpu.memory_space<vmem_shared>>)
    %dma_wait3A_123 = arith.constant 9760 : i32
    %dma_wait3A_124 = tpu.memref_slice %arg6[%dma_wait3A_123] : memref<10000xi32, #tpu.memory_space<vmem>> -> memref<80xi32, #tpu.memory_space<vmem>>
    %dma_wait3A_125 = arith.constant 0 : i32
    %dma_wait3A_126 = arith.constant 0 : i32
    %dma_wait3A_127 = tpu.memref_slice %arg10[%dma_wait3A_125, %dma_wait3A_126] : memref<10240x128xbf16, #tpu.memory_space<vmem_shared>> -> memref<10240x128xbf16, #tpu.memory_space<vmem_shared>>
    tpu.wait_indirect_dma semaphore(%arg23 : memref<!tpu.dma_semaphore, #tpu.memory_space<semaphore_mem>>) src(%arg13 : memref<80x128xbf16, #tpu.memory_space<vmem>>) dst(%dma_wait3A_127 : memref<10240x128xbf16, #tpu.memory_space<vmem_shared>>)
    %dma_wait3A_128 = arith.constant 9840 : i32
    %dma_wait3A_129 = tpu.memref_slice %arg6[%dma_wait3A_128] : memref<10000xi32, #tpu.memory_space<vmem>> -> memref<80xi32, #tpu.memory_space<vmem>>
    %dma_wait3A_130 = arith.constant 0 : i32
    %dma_wait3A_131 = arith.constant 0 : i32
    %dma_wait3A_132 = tpu.memref_slice %arg10[%dma_wait3A_130, %dma_wait3A_131] : memref<10240x128xbf16, #tpu.memory_space<vmem_shared>> -> memref<10240x128xbf16, #tpu.memory_space<vmem_shared>>
    tpu.wait_indirect_dma semaphore(%arg24 : memref<!tpu.dma_semaphore, #tpu.memory_space<semaphore_mem>>) src(%arg14 : memref<80x128xbf16, #tpu.memory_space<vmem>>) dst(%dma_wait3A_132 : memref<10240x128xbf16, #tpu.memory_space<vmem_shared>>)
    %dma_wait3A_133 = arith.constant 9920 : i32
    %dma_wait3A_134 = tpu.memref_slice %arg6[%dma_wait3A_133] : memref<10000xi32, #tpu.memory_space<vmem>> -> memref<80xi32, #tpu.memory_space<vmem>>
    %dma_wait3A_135 = arith.constant 0 : i32
    %dma_wait3A_136 = arith.constant 0 : i32
    %dma_wait3A_137 = tpu.memref_slice %arg10[%dma_wait3A_135, %dma_wait3A_136] : memref<10240x128xbf16, #tpu.memory_space<vmem_shared>> -> memref<10240x128xbf16, #tpu.memory_space<vmem_shared>>
    tpu.wait_indirect_dma semaphore(%arg25 : memref<!tpu.dma_semaphore, #tpu.memory_space<semaphore_mem>>) src(%arg15 : memref<80x128xbf16, #tpu.memory_space<vmem>>) dst(%dma_wait3A_137 : memref<10240x128xbf16, #tpu.memory_space<vmem_shared>>)
    %barrier3A_138 = arith.constant 0 : index
    tpu.barrier barrier_id(%barrier3A_138)
    %mul3A_139 = arith.constant 640 : i32
    %mul3A_140 = arith.muli %arg1, %mul3A_139 : i32
    %mul3A_141 = arith.constant 640 : i32
    %mul3A_142 = arith.muli %arg1, %mul3A_141 : i32
    "tpu.region"() ({
      %run_scoped3A_143 = tpu.sem_alloc : memref<!tpu.dma_semaphore, #tpu.memory_space<semaphore_mem>>
      %dma_start3A_144 = arith.constant 0 : i32
      %dma_start3A_145 = tpu.memref_slice %arg4[%arg0, %mul3A_142, %dma_start3A_144] : memref<2x10240x128xbf16, #tpu.memory_space<hbm>> -> memref<1x640x128xbf16, #tpu.memory_space<hbm>>
      %dma_start3A_146 = tpu.memref_squeeze %dma_start3A_145 : memref<1x640x128xbf16, #tpu.memory_space<hbm>> -> memref<640x128xbf16, #tpu.memory_space<hbm>>
      %dma_start3A_147 = arith.constant 0 : i32
      %dma_start3A_148 = tpu.memref_slice %arg10[%mul3A_140, %dma_start3A_147] : memref<10240x128xbf16, #tpu.memory_space<vmem_shared>> -> memref<640x128xbf16, #tpu.memory_space<vmem_shared>>
      tpu.enqueue_dma source(%dma_start3A_148 : memref<640x128xbf16, #tpu.memory_space<vmem_shared>>) target(%dma_start3A_146 : memref<640x128xbf16, #tpu.memory_space<hbm>>) target_semaphore(%run_scoped3A_143 : memref<!tpu.dma_semaphore, #tpu.memory_space<semaphore_mem>>)
      %dma_wait3A_149 = arith.constant 0 : i32
      %dma_wait3A_150 = tpu.memref_slice %arg4[%arg0, %mul3A_142, %dma_wait3A_149] : memref<2x10240x128xbf16, #tpu.memory_space<hbm>> -> memref<1x640x128xbf16, #tpu.memory_space<hbm>>
      %dma_wait3A_151 = tpu.memref_squeeze %dma_wait3A_150 : memref<1x640x128xbf16, #tpu.memory_space<hbm>> -> memref<640x128xbf16, #tpu.memory_space<hbm>>
      %dma_wait3A_152 = arith.constant 0 : i32
      %dma_wait3A_153 = tpu.memref_slice %arg10[%mul3A_140, %dma_wait3A_152] : memref<10240x128xbf16, #tpu.memory_space<vmem_shared>> -> memref<640x128xbf16, #tpu.memory_space<vmem_shared>>
      tpu.wait_dma2 semaphore(%run_scoped3A_143 : memref<!tpu.dma_semaphore, #tpu.memory_space<semaphore_mem>>) src(%dma_wait3A_153 : memref<640x128xbf16, #tpu.memory_space<vmem_shared>>) dst(%dma_wait3A_151 : memref<640x128xbf16, #tpu.memory_space<hbm>>)
      tpu.yield
    }) : () -> ()
    return
  }
}

#map = affine_map<(d0, d1) -> (0, 0)>
#map1 = affine_map<(d0, d1) -> (0, 0, 0)>
module attributes {stable_mosaic.version = 14 : i64} {
  func.func @body(%arg0: i32, %arg1: i32, %arg2: memref<10000x128xbf16, #tpu.memory_space<hbm>>, %arg3: memref<2x320000xi32, #tpu.memory_space<hbm>>, %arg4: memref<2x10240x128xbf16, #tpu.memory_space<hbm>>, %arg5: memref<2x10240x32xbf16, #tpu.memory_space<hbm>>, %arg6: memref<10000xi32, #tpu.memory_space<vmem>>, %arg7: memref<10000xi32, #tpu.memory_space<vmem>>, %arg8: memref<80x32xbf16, #tpu.memory_space<vmem>>, %arg9: memref<128x128xbf16, #tpu.memory_space<vmem>>, %arg10: memref<128x32xbf16, #tpu.memory_space<vmem>>, %arg11: memref<10240x128xbf16, #tpu.memory_space<vmem_shared>>, %arg12: memref<10240x32xbf16, #tpu.memory_space<vmem_shared>>, %arg13: memref<80x128xbf16, #tpu.memory_space<vmem>>, %arg14: memref<80x128xbf16, #tpu.memory_space<vmem>>, %arg15: memref<80x128xbf16, #tpu.memory_space<vmem>>, %arg16: memref<80x128xbf16, #tpu.memory_space<vmem>>, %arg17: memref<80x128xbf16, #tpu.memory_space<vmem>>, %arg18: memref<!tpu.dma_semaphore, #tpu.memory_space<semaphore_mem>>, %arg19: memref<!tpu.dma_semaphore, #tpu.memory_space<semaphore_mem>>, %arg20: memref<!tpu.dma_semaphore, #tpu.memory_space<semaphore_mem>>, %arg21: memref<!tpu.dma_semaphore, #tpu.memory_space<semaphore_mem>>, %arg22: memref<!tpu.dma_semaphore, #tpu.memory_space<semaphore_mem>>, %arg23: memref<!tpu.dma_semaphore, #tpu.memory_space<semaphore_mem>>, %arg24: memref<!tpu.dma_semaphore, #tpu.memory_space<semaphore_mem>>, %arg25: memref<!tpu.dma_semaphore, #tpu.memory_space<semaphore_mem>>, %arg26: memref<!tpu.dma_semaphore, #tpu.memory_space<semaphore_mem>>, %arg27: memref<!tpu.dma_semaphore, #tpu.memory_space<semaphore_mem>>, %arg28: memref<!tpu.dma_semaphore, #tpu.memory_space<semaphore_mem>>, %arg29: memref<!tpu.dma_semaphore, #tpu.memory_space<semaphore_mem>>, %arg30: memref<!tpu.dma_semaphore, #tpu.memory_space<semaphore_mem>>, %arg31: memref<!tpu.dma_semaphore, #tpu.memory_space<semaphore_mem>>, %arg32: memref<!tpu.dma_semaphore, #tpu.memory_space<semaphore_mem>>) attributes {dimension_semantics = [#tpu.dimension_semantics<core_parallel>, #tpu.dimension_semantics<subcore_parallel>], iteration_bounds = array<i64: 2, 16>, scalar_prefetch = 0 : i64, scratch_operands = 27 : i64, tpu.core_type = #tpu.core_type<sc_vector_subcore>, window_params = [{transform_indices = #map}, {transform_indices = #map}, {transform_indices = #map1}, {transform_indices = #map1}]} {
    %mul3A = arith.constant 16 : i32
    %mul3A_0 = arith.muli %arg0, %mul3A : i32
    %add3A = arith.addi %mul3A_0, %arg1 : i32
    %mul3A_1 = arith.constant 10000 : i32
    %mul3A_2 = arith.muli %add3A, %mul3A_1 : i32
    %run_scoped3A = arith.constant 0 : i32
    "tpu.region"() ({
      %run_scoped3A_202 = tpu.sem_alloc : memref<!tpu.dma_semaphore, #tpu.memory_space<semaphore_mem>>
      %dma_start3A_203 = tpu.memref_slice %arg3[%run_scoped3A, %mul3A_2] : memref<2x320000xi32, #tpu.memory_space<hbm>> -> memref<1x10000xi32, #tpu.memory_space<hbm>>
      %dma_start3A_204 = tpu.memref_squeeze %dma_start3A_203 : memref<1x10000xi32, #tpu.memory_space<hbm>> -> memref<10000xi32, #tpu.memory_space<hbm>>
      %dma_start3A_205 = tpu.memref_slice %arg3[%run_scoped3A, %mul3A_2] : memref<2x320000xi32, #tpu.memory_space<hbm>> -> memref<1x10000xi32, #tpu.memory_space<hbm>>
      %dma_start3A_206 = tpu.memref_squeeze %dma_start3A_205 : memref<1x10000xi32, #tpu.memory_space<hbm>> -> memref<10000xi32, #tpu.memory_space<hbm>>
      tpu.enqueue_dma source(%dma_start3A_206 : memref<10000xi32, #tpu.memory_space<hbm>>) target(%arg6 : memref<10000xi32, #tpu.memory_space<vmem>>) target_semaphore(%run_scoped3A_202 : memref<!tpu.dma_semaphore, #tpu.memory_space<semaphore_mem>>)
      %dma_wait3A_207 = tpu.memref_slice %arg3[%run_scoped3A, %mul3A_2] : memref<2x320000xi32, #tpu.memory_space<hbm>> -> memref<1x10000xi32, #tpu.memory_space<hbm>>
      %dma_wait3A_208 = tpu.memref_squeeze %dma_wait3A_207 : memref<1x10000xi32, #tpu.memory_space<hbm>> -> memref<10000xi32, #tpu.memory_space<hbm>>
      %dma_wait3A_209 = tpu.memref_slice %arg3[%run_scoped3A, %mul3A_2] : memref<2x320000xi32, #tpu.memory_space<hbm>> -> memref<1x10000xi32, #tpu.memory_space<hbm>>
      %dma_wait3A_210 = tpu.memref_squeeze %dma_wait3A_209 : memref<1x10000xi32, #tpu.memory_space<hbm>> -> memref<10000xi32, #tpu.memory_space<hbm>>
      tpu.wait_dma2 semaphore(%run_scoped3A_202 : memref<!tpu.dma_semaphore, #tpu.memory_space<semaphore_mem>>) src(%dma_wait3A_210 : memref<10000xi32, #tpu.memory_space<hbm>>) dst(%arg6 : memref<10000xi32, #tpu.memory_space<vmem>>)
      tpu.yield
    }) : () -> ()
    %mul3A_3 = arith.constant 10000 : i32
    %mul3A_4 = arith.muli %add3A, %mul3A_3 : i32
    %run_scoped3A_5 = arith.constant 1 : i32
    "tpu.region"() ({
      %run_scoped3A_202 = tpu.sem_alloc : memref<!tpu.dma_semaphore, #tpu.memory_space<semaphore_mem>>
      %dma_start3A_203 = tpu.memref_slice %arg3[%run_scoped3A_5, %mul3A_4] : memref<2x320000xi32, #tpu.memory_space<hbm>> -> memref<1x10000xi32, #tpu.memory_space<hbm>>
      %dma_start3A_204 = tpu.memref_squeeze %dma_start3A_203 : memref<1x10000xi32, #tpu.memory_space<hbm>> -> memref<10000xi32, #tpu.memory_space<hbm>>
      %dma_start3A_205 = tpu.memref_slice %arg3[%run_scoped3A_5, %mul3A_4] : memref<2x320000xi32, #tpu.memory_space<hbm>> -> memref<1x10000xi32, #tpu.memory_space<hbm>>
      %dma_start3A_206 = tpu.memref_squeeze %dma_start3A_205 : memref<1x10000xi32, #tpu.memory_space<hbm>> -> memref<10000xi32, #tpu.memory_space<hbm>>
      tpu.enqueue_dma source(%dma_start3A_206 : memref<10000xi32, #tpu.memory_space<hbm>>) target(%arg7 : memref<10000xi32, #tpu.memory_space<vmem>>) target_semaphore(%run_scoped3A_202 : memref<!tpu.dma_semaphore, #tpu.memory_space<semaphore_mem>>)
      %dma_wait3A_207 = tpu.memref_slice %arg3[%run_scoped3A_5, %mul3A_4] : memref<2x320000xi32, #tpu.memory_space<hbm>> -> memref<1x10000xi32, #tpu.memory_space<hbm>>
      %dma_wait3A_208 = tpu.memref_squeeze %dma_wait3A_207 : memref<1x10000xi32, #tpu.memory_space<hbm>> -> memref<10000xi32, #tpu.memory_space<hbm>>
      %dma_wait3A_209 = tpu.memref_slice %arg3[%run_scoped3A_5, %mul3A_4] : memref<2x320000xi32, #tpu.memory_space<hbm>> -> memref<1x10000xi32, #tpu.memory_space<hbm>>
      %dma_wait3A_210 = tpu.memref_squeeze %dma_wait3A_209 : memref<1x10000xi32, #tpu.memory_space<hbm>> -> memref<10000xi32, #tpu.memory_space<hbm>>
      tpu.wait_dma2 semaphore(%run_scoped3A_202 : memref<!tpu.dma_semaphore, #tpu.memory_space<semaphore_mem>>) src(%dma_wait3A_210 : memref<10000xi32, #tpu.memory_space<hbm>>) dst(%arg7 : memref<10000xi32, #tpu.memory_space<vmem>>)
      tpu.yield
    }) : () -> ()
    %scan3A = arith.constant 0 : i32
    %scan3A_6 = arith.constant 64 : i32
    %scan3A_7 = arith.addi %scan3A, %scan3A_6 : i32
    %scan3A_8 = arith.constant 1 : i32
    scf.for %scan3A_202 = %scan3A to %scan3A_7 step %scan3A_8  : i32 {
      %mul3A_203 = arith.constant 2 : i32
      %mul3A_204 = arith.muli %scan3A_202, %mul3A_203 : i32
      %add3A_205 = arith.constant 0 : i32
      %add3A_206 = arith.addi %add3A_205, %mul3A_204 : i32
      %multiple_of3A = tpu.assume_multiple %add3A_206, 2 : i32
      %broadcast_in_dim3A = arith.constant 0.000000e+00 : bf16
      %broadcast_in_dim3A_207 = vector.broadcast %broadcast_in_dim3A : bf16 to vector<2x16xbf16>
      %swap3A = arith.index_cast %multiple_of3A : i32 to index
      %swap3A_208 = arith.constant 0 : index
      %swap3A_209 = tpu.vector_load %arg9[%swap3A, %swap3A_208] {strides = array<i32>} : memref<128x128xbf16, #tpu.memory_space<vmem>>, vector<2x16xbf16>,
      %swap3A_210 = vector.shape_cast %swap3A_209 : vector<2x16xbf16> to vector<2x16xbf16>
      %swap3A_211 = vector.shape_cast %broadcast_in_dim3A_207 : vector<2x16xbf16> to vector<2x16xbf16>
      tpu.vector_store %arg9[%swap3A, %swap3A_208], %swap3A_211 {strides = array<i32>} : memref<128x128xbf16, #tpu.memory_space<vmem>>, vector<2x16xbf16>,
      %broadcast_in_dim3A_212 = arith.constant 0.000000e+00 : bf16
      %broadcast_in_dim3A_213 = vector.broadcast %broadcast_in_dim3A_212 : bf16 to vector<2x16xbf16>
      %swap3A_214 = arith.index_cast %multiple_of3A : i32 to index
      %swap3A_215 = arith.constant 16 : index
      %swap3A_216 = tpu.vector_load %arg9[%swap3A_214, %swap3A_215] {strides = array<i32>} : memref<128x128xbf16, #tpu.memory_space<vmem>>, vector<2x16xbf16>,
      %swap3A_217 = vector.shape_cast %swap3A_216 : vector<2x16xbf16> to vector<2x16xbf16>
      %swap3A_218 = vector.shape_cast %broadcast_in_dim3A_213 : vector<2x16xbf16> to vector<2x16xbf16>
      tpu.vector_store %arg9[%swap3A_214, %swap3A_215], %swap3A_218 {strides = array<i32>} : memref<128x128xbf16, #tpu.memory_space<vmem>>, vector<2x16xbf16>,
      %broadcast_in_dim3A_219 = arith.constant 0.000000e+00 : bf16
      %broadcast_in_dim3A_220 = vector.broadcast %broadcast_in_dim3A_219 : bf16 to vector<2x16xbf16>
      %swap3A_221 = arith.index_cast %multiple_of3A : i32 to index
      %swap3A_222 = arith.constant 32 : index
      %swap3A_223 = tpu.vector_load %arg9[%swap3A_221, %swap3A_222] {strides = array<i32>} : memref<128x128xbf16, #tpu.memory_space<vmem>>, vector<2x16xbf16>,
      %swap3A_224 = vector.shape_cast %swap3A_223 : vector<2x16xbf16> to vector<2x16xbf16>
      %swap3A_225 = vector.shape_cast %broadcast_in_dim3A_220 : vector<2x16xbf16> to vector<2x16xbf16>
      tpu.vector_store %arg9[%swap3A_221, %swap3A_222], %swap3A_225 {strides = array<i32>} : memref<128x128xbf16, #tpu.memory_space<vmem>>, vector<2x16xbf16>,
      %broadcast_in_dim3A_226 = arith.constant 0.000000e+00 : bf16
      %broadcast_in_dim3A_227 = vector.broadcast %broadcast_in_dim3A_226 : bf16 to vector<2x16xbf16>
      %swap3A_228 = arith.index_cast %multiple_of3A : i32 to index
      %swap3A_229 = arith.constant 48 : index
      %swap3A_230 = tpu.vector_load %arg9[%swap3A_228, %swap3A_229] {strides = array<i32>} : memref<128x128xbf16, #tpu.memory_space<vmem>>, vector<2x16xbf16>,
      %swap3A_231 = vector.shape_cast %swap3A_230 : vector<2x16xbf16> to vector<2x16xbf16>
      %swap3A_232 = vector.shape_cast %broadcast_in_dim3A_227 : vector<2x16xbf16> to vector<2x16xbf16>
      tpu.vector_store %arg9[%swap3A_228, %swap3A_229], %swap3A_232 {strides = array<i32>} : memref<128x128xbf16, #tpu.memory_space<vmem>>, vector<2x16xbf16>,
      %broadcast_in_dim3A_233 = arith.constant 0.000000e+00 : bf16
      %broadcast_in_dim3A_234 = vector.broadcast %broadcast_in_dim3A_233 : bf16 to vector<2x16xbf16>
      %swap3A_235 = arith.index_cast %multiple_of3A : i32 to index
      %swap3A_236 = arith.constant 64 : index
      %swap3A_237 = tpu.vector_load %arg9[%swap3A_235, %swap3A_236] {strides = array<i32>} : memref<128x128xbf16, #tpu.memory_space<vmem>>, vector<2x16xbf16>,
      %swap3A_238 = vector.shape_cast %swap3A_237 : vector<2x16xbf16> to vector<2x16xbf16>
      %swap3A_239 = vector.shape_cast %broadcast_in_dim3A_234 : vector<2x16xbf16> to vector<2x16xbf16>
      tpu.vector_store %arg9[%swap3A_235, %swap3A_236], %swap3A_239 {strides = array<i32>} : memref<128x128xbf16, #tpu.memory_space<vmem>>, vector<2x16xbf16>,
      %broadcast_in_dim3A_240 = arith.constant 0.000000e+00 : bf16
      %broadcast_in_dim3A_241 = vector.broadcast %broadcast_in_dim3A_240 : bf16 to vector<2x16xbf16>
      %swap3A_242 = arith.index_cast %multiple_of3A : i32 to index
      %swap3A_243 = arith.constant 80 : index
      %swap3A_244 = tpu.vector_load %arg9[%swap3A_242, %swap3A_243] {strides = array<i32>} : memref<128x128xbf16, #tpu.memory_space<vmem>>, vector<2x16xbf16>,
      %swap3A_245 = vector.shape_cast %swap3A_244 : vector<2x16xbf16> to vector<2x16xbf16>
      %swap3A_246 = vector.shape_cast %broadcast_in_dim3A_241 : vector<2x16xbf16> to vector<2x16xbf16>
      tpu.vector_store %arg9[%swap3A_242, %swap3A_243], %swap3A_246 {strides = array<i32>} : memref<128x128xbf16, #tpu.memory_space<vmem>>, vector<2x16xbf16>,
      %broadcast_in_dim3A_247 = arith.constant 0.000000e+00 : bf16
      %broadcast_in_dim3A_248 = vector.broadcast %broadcast_in_dim3A_247 : bf16 to vector<2x16xbf16>
      %swap3A_249 = arith.index_cast %multiple_of3A : i32 to index
      %swap3A_250 = arith.constant 96 : index
      %swap3A_251 = tpu.vector_load %arg9[%swap3A_249, %swap3A_250] {strides = array<i32>} : memref<128x128xbf16, #tpu.memory_space<vmem>>, vector<2x16xbf16>,
      %swap3A_252 = vector.shape_cast %swap3A_251 : vector<2x16xbf16> to vector<2x16xbf16>
      %swap3A_253 = vector.shape_cast %broadcast_in_dim3A_248 : vector<2x16xbf16> to vector<2x16xbf16>
      tpu.vector_store %arg9[%swap3A_249, %swap3A_250], %swap3A_253 {strides = array<i32>} : memref<128x128xbf16, #tpu.memory_space<vmem>>, vector<2x16xbf16>,
      %broadcast_in_dim3A_254 = arith.constant 0.000000e+00 : bf16
      %broadcast_in_dim3A_255 = vector.broadcast %broadcast_in_dim3A_254 : bf16 to vector<2x16xbf16>
      %swap3A_256 = arith.index_cast %multiple_of3A : i32 to index
      %swap3A_257 = arith.constant 112 : index
      %swap3A_258 = tpu.vector_load %arg9[%swap3A_256, %swap3A_257] {strides = array<i32>} : memref<128x128xbf16, #tpu.memory_space<vmem>>, vector<2x16xbf16>,
      %swap3A_259 = vector.shape_cast %swap3A_258 : vector<2x16xbf16> to vector<2x16xbf16>
      %swap3A_260 = vector.shape_cast %broadcast_in_dim3A_255 : vector<2x16xbf16> to vector<2x16xbf16>
      tpu.vector_store %arg9[%swap3A_256, %swap3A_257], %swap3A_260 {strides = array<i32>} : memref<128x128xbf16, #tpu.memory_space<vmem>>, vector<2x16xbf16>,
      %broadcast_in_dim3A_261 = arith.constant 0.000000e+00 : bf16
      %broadcast_in_dim3A_262 = vector.broadcast %broadcast_in_dim3A_261 : bf16 to vector<2x16xbf16>
      %swap3A_263 = arith.index_cast %multiple_of3A : i32 to index
      %swap3A_264 = arith.constant 0 : index
      %swap3A_265 = tpu.vector_load %arg10[%swap3A_263, %swap3A_264] {strides = array<i32>} : memref<128x32xbf16, #tpu.memory_space<vmem>>, vector<2x16xbf16>,
      %swap3A_266 = vector.shape_cast %swap3A_265 : vector<2x16xbf16> to vector<2x16xbf16>
      %swap3A_267 = vector.shape_cast %broadcast_in_dim3A_262 : vector<2x16xbf16> to vector<2x16xbf16>
      tpu.vector_store %arg10[%swap3A_263, %swap3A_264], %swap3A_267 {strides = array<i32>} : memref<128x32xbf16, #tpu.memory_space<vmem>>, vector<2x16xbf16>,
      %broadcast_in_dim3A_268 = arith.constant 0.000000e+00 : bf16
      %broadcast_in_dim3A_269 = vector.broadcast %broadcast_in_dim3A_268 : bf16 to vector<2x16xbf16>
      %swap3A_270 = arith.index_cast %multiple_of3A : i32 to index
      %swap3A_271 = arith.constant 16 : index
      %swap3A_272 = tpu.vector_load %arg10[%swap3A_270, %swap3A_271] {strides = array<i32>} : memref<128x32xbf16, #tpu.memory_space<vmem>>, vector<2x16xbf16>,
      %swap3A_273 = vector.shape_cast %swap3A_272 : vector<2x16xbf16> to vector<2x16xbf16>
      %swap3A_274 = vector.shape_cast %broadcast_in_dim3A_269 : vector<2x16xbf16> to vector<2x16xbf16>
      tpu.vector_store %arg10[%swap3A_270, %swap3A_271], %swap3A_274 {strides = array<i32>} : memref<128x32xbf16, #tpu.memory_space<vmem>>, vector<2x16xbf16>,
    }
    %scan3A_9 = arith.constant 64 : i32
    %scan3A_10 = arith.constant 0 : i32
    %scan3A_11 = arith.constant 40 : i32
    %scan3A_12 = arith.addi %scan3A_10, %scan3A_11 : i32
    %scan3A_13 = arith.constant 1 : i32
    scf.for %scan3A_202 = %scan3A_10 to %scan3A_12 step %scan3A_13  : i32 {
      %mul3A_203 = arith.constant 2 : i32
      %mul3A_204 = arith.muli %scan3A_202, %mul3A_203 : i32
      %add3A_205 = arith.constant 0 : i32
      %add3A_206 = arith.addi %add3A_205, %mul3A_204 : i32
      %multiple_of3A = tpu.assume_multiple %add3A_206, 2 : i32
      %broadcast_in_dim3A = arith.constant 1.000000e+00 : bf16
      %broadcast_in_dim3A_207 = vector.broadcast %broadcast_in_dim3A : bf16 to vector<2x16xbf16>
      %swap3A = arith.index_cast %multiple_of3A : i32 to index
      %swap3A_208 = arith.constant 0 : index
      %swap3A_209 = tpu.vector_load %arg8[%swap3A, %swap3A_208] {strides = array<i32>} : memref<80x32xbf16, #tpu.memory_space<vmem>>, vector<2x16xbf16>,
      %swap3A_210 = vector.shape_cast %swap3A_209 : vector<2x16xbf16> to vector<2x16xbf16>
      %swap3A_211 = vector.shape_cast %broadcast_in_dim3A_207 : vector<2x16xbf16> to vector<2x16xbf16>
      tpu.vector_store %arg8[%swap3A, %swap3A_208], %swap3A_211 {strides = array<i32>} : memref<80x32xbf16, #tpu.memory_space<vmem>>, vector<2x16xbf16>,
      %broadcast_in_dim3A_212 = arith.constant 1.000000e+00 : bf16
      %broadcast_in_dim3A_213 = vector.broadcast %broadcast_in_dim3A_212 : bf16 to vector<2x16xbf16>
      %swap3A_214 = arith.index_cast %multiple_of3A : i32 to index
      %swap3A_215 = arith.constant 16 : index
      %swap3A_216 = tpu.vector_load %arg8[%swap3A_214, %swap3A_215] {strides = array<i32>} : memref<80x32xbf16, #tpu.memory_space<vmem>>, vector<2x16xbf16>,
      %swap3A_217 = vector.shape_cast %swap3A_216 : vector<2x16xbf16> to vector<2x16xbf16>
      %swap3A_218 = vector.shape_cast %broadcast_in_dim3A_213 : vector<2x16xbf16> to vector<2x16xbf16>
      tpu.vector_store %arg8[%swap3A_214, %swap3A_215], %swap3A_218 {strides = array<i32>} : memref<80x32xbf16, #tpu.memory_space<vmem>>, vector<2x16xbf16>,
    }
    %scan3A_14 = arith.constant 40 : i32
    %mul3A_15 = arith.constant 640 : i32
    %mul3A_16 = arith.muli %arg1, %mul3A_15 : i32
    %add3A_17 = arith.constant 0 : i32
    %add3A_18 = arith.addi %mul3A_16, %add3A_17 : i32
    "tpu.region"() ({
      %run_scoped3A_202 = tpu.sem_alloc : memref<!tpu.dma_semaphore, #tpu.memory_space<semaphore_mem>>
      %dma_start3A_203 = arith.constant 0 : i32
      %dma_start3A_204 = tpu.memref_slice %arg11[%add3A_18, %dma_start3A_203] : memref<10240x128xbf16, #tpu.memory_space<vmem_shared>> -> memref<128x128xbf16, #tpu.memory_space<vmem_shared>>
      %dma_start3A_205 = arith.constant 0 : i32
      %dma_start3A_206 = tpu.memref_slice %arg11[%add3A_18, %dma_start3A_205] : memref<10240x128xbf16, #tpu.memory_space<vmem_shared>> -> memref<128x128xbf16, #tpu.memory_space<vmem_shared>>
      tpu.enqueue_dma source(%arg9 : memref<128x128xbf16, #tpu.memory_space<vmem>>) target(%dma_start3A_206 : memref<128x128xbf16, #tpu.memory_space<vmem_shared>>) target_semaphore(%run_scoped3A_202 : memref<!tpu.dma_semaphore, #tpu.memory_space<semaphore_mem>>)
      %dma_wait3A_207 = arith.constant 0 : i32
      %dma_wait3A_208 = tpu.memref_slice %arg11[%add3A_18, %dma_wait3A_207] : memref<10240x128xbf16, #tpu.memory_space<vmem_shared>> -> memref<128x128xbf16, #tpu.memory_space<vmem_shared>>
      %dma_wait3A_209 = arith.constant 0 : i32
      %dma_wait3A_210 = tpu.memref_slice %arg11[%add3A_18, %dma_wait3A_209] : memref<10240x128xbf16, #tpu.memory_space<vmem_shared>> -> memref<128x128xbf16, #tpu.memory_space<vmem_shared>>
      tpu.wait_dma2 semaphore(%run_scoped3A_202 : memref<!tpu.dma_semaphore, #tpu.memory_space<semaphore_mem>>) src(%arg9 : memref<128x128xbf16, #tpu.memory_space<vmem>>) dst(%dma_wait3A_210 : memref<128x128xbf16, #tpu.memory_space<vmem_shared>>)
      tpu.yield
    }) : () -> ()
    "tpu.region"() ({
      %run_scoped3A_202 = tpu.sem_alloc : memref<!tpu.dma_semaphore, #tpu.memory_space<semaphore_mem>>
      %dma_start3A_203 = arith.constant 0 : i32
      %dma_start3A_204 = tpu.memref_slice %arg12[%add3A_18, %dma_start3A_203] : memref<10240x32xbf16, #tpu.memory_space<vmem_shared>> -> memref<128x32xbf16, #tpu.memory_space<vmem_shared>>
      %dma_start3A_205 = arith.constant 0 : i32
      %dma_start3A_206 = tpu.memref_slice %arg12[%add3A_18, %dma_start3A_205] : memref<10240x32xbf16, #tpu.memory_space<vmem_shared>> -> memref<128x32xbf16, #tpu.memory_space<vmem_shared>>
      tpu.enqueue_dma source(%arg10 : memref<128x32xbf16, #tpu.memory_space<vmem>>) target(%dma_start3A_206 : memref<128x32xbf16, #tpu.memory_space<vmem_shared>>) target_semaphore(%run_scoped3A_202 : memref<!tpu.dma_semaphore, #tpu.memory_space<semaphore_mem>>)
      %dma_wait3A_207 = arith.constant 0 : i32
      %dma_wait3A_208 = tpu.memref_slice %arg12[%add3A_18, %dma_wait3A_207] : memref<10240x32xbf16, #tpu.memory_space<vmem_shared>> -> memref<128x32xbf16, #tpu.memory_space<vmem_shared>>
      %dma_wait3A_209 = arith.constant 0 : i32
      %dma_wait3A_210 = tpu.memref_slice %arg12[%add3A_18, %dma_wait3A_209] : memref<10240x32xbf16, #tpu.memory_space<vmem_shared>> -> memref<128x32xbf16, #tpu.memory_space<vmem_shared>>
      tpu.wait_dma2 semaphore(%run_scoped3A_202 : memref<!tpu.dma_semaphore, #tpu.memory_space<semaphore_mem>>) src(%arg10 : memref<128x32xbf16, #tpu.memory_space<vmem>>) dst(%dma_wait3A_210 : memref<128x32xbf16, #tpu.memory_space<vmem_shared>>)
      tpu.yield
    }) : () -> ()
    %mul3A_19 = arith.constant 640 : i32
    %mul3A_20 = arith.muli %arg1, %mul3A_19 : i32
    %add3A_21 = arith.constant 128 : i32
    %add3A_22 = arith.addi %mul3A_20, %add3A_21 : i32
    "tpu.region"() ({
      %run_scoped3A_202 = tpu.sem_alloc : memref<!tpu.dma_semaphore, #tpu.memory_space<semaphore_mem>>
      %dma_start3A_203 = arith.constant 0 : i32
      %dma_start3A_204 = tpu.memref_slice %arg11[%add3A_22, %dma_start3A_203] : memref<10240x128xbf16, #tpu.memory_space<vmem_shared>> -> memref<128x128xbf16, #tpu.memory_space<vmem_shared>>
      %dma_start3A_205 = arith.constant 0 : i32
      %dma_start3A_206 = tpu.memref_slice %arg11[%add3A_22, %dma_start3A_205] : memref<10240x128xbf16, #tpu.memory_space<vmem_shared>> -> memref<128x128xbf16, #tpu.memory_space<vmem_shared>>
      tpu.enqueue_dma source(%arg9 : memref<128x128xbf16, #tpu.memory_space<vmem>>) target(%dma_start3A_206 : memref<128x128xbf16, #tpu.memory_space<vmem_shared>>) target_semaphore(%run_scoped3A_202 : memref<!tpu.dma_semaphore, #tpu.memory_space<semaphore_mem>>)
      %dma_wait3A_207 = arith.constant 0 : i32
      %dma_wait3A_208 = tpu.memref_slice %arg11[%add3A_22, %dma_wait3A_207] : memref<10240x128xbf16, #tpu.memory_space<vmem_shared>> -> memref<128x128xbf16, #tpu.memory_space<vmem_shared>>
      %dma_wait3A_209 = arith.constant 0 : i32
      %dma_wait3A_210 = tpu.memref_slice %arg11[%add3A_22, %dma_wait3A_209] : memref<10240x128xbf16, #tpu.memory_space<vmem_shared>> -> memref<128x128xbf16, #tpu.memory_space<vmem_shared>>
      tpu.wait_dma2 semaphore(%run_scoped3A_202 : memref<!tpu.dma_semaphore, #tpu.memory_space<semaphore_mem>>) src(%arg9 : memref<128x128xbf16, #tpu.memory_space<vmem>>) dst(%dma_wait3A_210 : memref<128x128xbf16, #tpu.memory_space<vmem_shared>>)
      tpu.yield
    }) : () -> ()
    "tpu.region"() ({
      %run_scoped3A_202 = tpu.sem_alloc : memref<!tpu.dma_semaphore, #tpu.memory_space<semaphore_mem>>
      %dma_start3A_203 = arith.constant 0 : i32
      %dma_start3A_204 = tpu.memref_slice %arg12[%add3A_22, %dma_start3A_203] : memref<10240x32xbf16, #tpu.memory_space<vmem_shared>> -> memref<128x32xbf16, #tpu.memory_space<vmem_shared>>
      %dma_start3A_205 = arith.constant 0 : i32
      %dma_start3A_206 = tpu.memref_slice %arg12[%add3A_22, %dma_start3A_205] : memref<10240x32xbf16, #tpu.memory_space<vmem_shared>> -> memref<128x32xbf16, #tpu.memory_space<vmem_shared>>
      tpu.enqueue_dma source(%arg10 : memref<128x32xbf16, #tpu.memory_space<vmem>>) target(%dma_start3A_206 : memref<128x32xbf16, #tpu.memory_space<vmem_shared>>) target_semaphore(%run_scoped3A_202 : memref<!tpu.dma_semaphore, #tpu.memory_space<semaphore_mem>>)
      %dma_wait3A_207 = arith.constant 0 : i32
      %dma_wait3A_208 = tpu.memref_slice %arg12[%add3A_22, %dma_wait3A_207] : memref<10240x32xbf16, #tpu.memory_space<vmem_shared>> -> memref<128x32xbf16, #tpu.memory_space<vmem_shared>>
      %dma_wait3A_209 = arith.constant 0 : i32
      %dma_wait3A_210 = tpu.memref_slice %arg12[%add3A_22, %dma_wait3A_209] : memref<10240x32xbf16, #tpu.memory_space<vmem_shared>> -> memref<128x32xbf16, #tpu.memory_space<vmem_shared>>
      tpu.wait_dma2 semaphore(%run_scoped3A_202 : memref<!tpu.dma_semaphore, #tpu.memory_space<semaphore_mem>>) src(%arg10 : memref<128x32xbf16, #tpu.memory_space<vmem>>) dst(%dma_wait3A_210 : memref<128x32xbf16, #tpu.memory_space<vmem_shared>>)
      tpu.yield
    }) : () -> ()
    %mul3A_23 = arith.constant 640 : i32
    %mul3A_24 = arith.muli %arg1, %mul3A_23 : i32
    %add3A_25 = arith.constant 256 : i32
    %add3A_26 = arith.addi %mul3A_24, %add3A_25 : i32
    "tpu.region"() ({
      %run_scoped3A_202 = tpu.sem_alloc : memref<!tpu.dma_semaphore, #tpu.memory_space<semaphore_mem>>
      %dma_start3A_203 = arith.constant 0 : i32
      %dma_start3A_204 = tpu.memref_slice %arg11[%add3A_26, %dma_start3A_203] : memref<10240x128xbf16, #tpu.memory_space<vmem_shared>> -> memref<128x128xbf16, #tpu.memory_space<vmem_shared>>
      %dma_start3A_205 = arith.constant 0 : i32
      %dma_start3A_206 = tpu.memref_slice %arg11[%add3A_26, %dma_start3A_205] : memref<10240x128xbf16, #tpu.memory_space<vmem_shared>> -> memref<128x128xbf16, #tpu.memory_space<vmem_shared>>
      tpu.enqueue_dma source(%arg9 : memref<128x128xbf16, #tpu.memory_space<vmem>>) target(%dma_start3A_206 : memref<128x128xbf16, #tpu.memory_space<vmem_shared>>) target_semaphore(%run_scoped3A_202 : memref<!tpu.dma_semaphore, #tpu.memory_space<semaphore_mem>>)
      %dma_wait3A_207 = arith.constant 0 : i32
      %dma_wait3A_208 = tpu.memref_slice %arg11[%add3A_26, %dma_wait3A_207] : memref<10240x128xbf16, #tpu.memory_space<vmem_shared>> -> memref<128x128xbf16, #tpu.memory_space<vmem_shared>>
      %dma_wait3A_209 = arith.constant 0 : i32
      %dma_wait3A_210 = tpu.memref_slice %arg11[%add3A_26, %dma_wait3A_209] : memref<10240x128xbf16, #tpu.memory_space<vmem_shared>> -> memref<128x128xbf16, #tpu.memory_space<vmem_shared>>
      tpu.wait_dma2 semaphore(%run_scoped3A_202 : memref<!tpu.dma_semaphore, #tpu.memory_space<semaphore_mem>>) src(%arg9 : memref<128x128xbf16, #tpu.memory_space<vmem>>) dst(%dma_wait3A_210 : memref<128x128xbf16, #tpu.memory_space<vmem_shared>>)
      tpu.yield
    }) : () -> ()
    "tpu.region"() ({
      %run_scoped3A_202 = tpu.sem_alloc : memref<!tpu.dma_semaphore, #tpu.memory_space<semaphore_mem>>
      %dma_start3A_203 = arith.constant 0 : i32
      %dma_start3A_204 = tpu.memref_slice %arg12[%add3A_26, %dma_start3A_203] : memref<10240x32xbf16, #tpu.memory_space<vmem_shared>> -> memref<128x32xbf16, #tpu.memory_space<vmem_shared>>
      %dma_start3A_205 = arith.constant 0 : i32
      %dma_start3A_206 = tpu.memref_slice %arg12[%add3A_26, %dma_start3A_205] : memref<10240x32xbf16, #tpu.memory_space<vmem_shared>> -> memref<128x32xbf16, #tpu.memory_space<vmem_shared>>
      tpu.enqueue_dma source(%arg10 : memref<128x32xbf16, #tpu.memory_space<vmem>>) target(%dma_start3A_206 : memref<128x32xbf16, #tpu.memory_space<vmem_shared>>) target_semaphore(%run_scoped3A_202 : memref<!tpu.dma_semaphore, #tpu.memory_space<semaphore_mem>>)
      %dma_wait3A_207 = arith.constant 0 : i32
      %dma_wait3A_208 = tpu.memref_slice %arg12[%add3A_26, %dma_wait3A_207] : memref<10240x32xbf16, #tpu.memory_space<vmem_shared>> -> memref<128x32xbf16, #tpu.memory_space<vmem_shared>>
      %dma_wait3A_209 = arith.constant 0 : i32
      %dma_wait3A_210 = tpu.memref_slice %arg12[%add3A_26, %dma_wait3A_209] : memref<10240x32xbf16, #tpu.memory_space<vmem_shared>> -> memref<128x32xbf16, #tpu.memory_space<vmem_shared>>
      tpu.wait_dma2 semaphore(%run_scoped3A_202 : memref<!tpu.dma_semaphore, #tpu.memory_space<semaphore_mem>>) src(%arg10 : memref<128x32xbf16, #tpu.memory_space<vmem>>) dst(%dma_wait3A_210 : memref<128x32xbf16, #tpu.memory_space<vmem_shared>>)
      tpu.yield
    }) : () -> ()
    %mul3A_27 = arith.constant 640 : i32
    %mul3A_28 = arith.muli %arg1, %mul3A_27 : i32
    %add3A_29 = arith.constant 384 : i32
    %add3A_30 = arith.addi %mul3A_28, %add3A_29 : i32
    "tpu.region"() ({
      %run_scoped3A_202 = tpu.sem_alloc : memref<!tpu.dma_semaphore, #tpu.memory_space<semaphore_mem>>
      %dma_start3A_203 = arith.constant 0 : i32
      %dma_start3A_204 = tpu.memref_slice %arg11[%add3A_30, %dma_start3A_203] : memref<10240x128xbf16, #tpu.memory_space<vmem_shared>> -> memref<128x128xbf16, #tpu.memory_space<vmem_shared>>
      %dma_start3A_205 = arith.constant 0 : i32
      %dma_start3A_206 = tpu.memref_slice %arg11[%add3A_30, %dma_start3A_205] : memref<10240x128xbf16, #tpu.memory_space<vmem_shared>> -> memref<128x128xbf16, #tpu.memory_space<vmem_shared>>
      tpu.enqueue_dma source(%arg9 : memref<128x128xbf16, #tpu.memory_space<vmem>>) target(%dma_start3A_206 : memref<128x128xbf16, #tpu.memory_space<vmem_shared>>) target_semaphore(%run_scoped3A_202 : memref<!tpu.dma_semaphore, #tpu.memory_space<semaphore_mem>>)
      %dma_wait3A_207 = arith.constant 0 : i32
      %dma_wait3A_208 = tpu.memref_slice %arg11[%add3A_30, %dma_wait3A_207] : memref<10240x128xbf16, #tpu.memory_space<vmem_shared>> -> memref<128x128xbf16, #tpu.memory_space<vmem_shared>>
      %dma_wait3A_209 = arith.constant 0 : i32
      %dma_wait3A_210 = tpu.memref_slice %arg11[%add3A_30, %dma_wait3A_209] : memref<10240x128xbf16, #tpu.memory_space<vmem_shared>> -> memref<128x128xbf16, #tpu.memory_space<vmem_shared>>
      tpu.wait_dma2 semaphore(%run_scoped3A_202 : memref<!tpu.dma_semaphore, #tpu.memory_space<semaphore_mem>>) src(%arg9 : memref<128x128xbf16, #tpu.memory_space<vmem>>) dst(%dma_wait3A_210 : memref<128x128xbf16, #tpu.memory_space<vmem_shared>>)
      tpu.yield
    }) : () -> ()
    "tpu.region"() ({
      %run_scoped3A_202 = tpu.sem_alloc : memref<!tpu.dma_semaphore, #tpu.memory_space<semaphore_mem>>
      %dma_start3A_203 = arith.constant 0 : i32
      %dma_start3A_204 = tpu.memref_slice %arg12[%add3A_30, %dma_start3A_203] : memref<10240x32xbf16, #tpu.memory_space<vmem_shared>> -> memref<128x32xbf16, #tpu.memory_space<vmem_shared>>
      %dma_start3A_205 = arith.constant 0 : i32
      %dma_start3A_206 = tpu.memref_slice %arg12[%add3A_30, %dma_start3A_205] : memref<10240x32xbf16, #tpu.memory_space<vmem_shared>> -> memref<128x32xbf16, #tpu.memory_space<vmem_shared>>
      tpu.enqueue_dma source(%arg10 : memref<128x32xbf16, #tpu.memory_space<vmem>>) target(%dma_start3A_206 : memref<128x32xbf16, #tpu.memory_space<vmem_shared>>) target_semaphore(%run_scoped3A_202 : memref<!tpu.dma_semaphore, #tpu.memory_space<semaphore_mem>>)
      %dma_wait3A_207 = arith.constant 0 : i32
      %dma_wait3A_208 = tpu.memref_slice %arg12[%add3A_30, %dma_wait3A_207] : memref<10240x32xbf16, #tpu.memory_space<vmem_shared>> -> memref<128x32xbf16, #tpu.memory_space<vmem_shared>>
      %dma_wait3A_209 = arith.constant 0 : i32
      %dma_wait3A_210 = tpu.memref_slice %arg12[%add3A_30, %dma_wait3A_209] : memref<10240x32xbf16, #tpu.memory_space<vmem_shared>> -> memref<128x32xbf16, #tpu.memory_space<vmem_shared>>
      tpu.wait_dma2 semaphore(%run_scoped3A_202 : memref<!tpu.dma_semaphore, #tpu.memory_space<semaphore_mem>>) src(%arg10 : memref<128x32xbf16, #tpu.memory_space<vmem>>) dst(%dma_wait3A_210 : memref<128x32xbf16, #tpu.memory_space<vmem_shared>>)
      tpu.yield
    }) : () -> ()
    %mul3A_31 = arith.constant 640 : i32
    %mul3A_32 = arith.muli %arg1, %mul3A_31 : i32
    %add3A_33 = arith.constant 512 : i32
    %add3A_34 = arith.addi %mul3A_32, %add3A_33 : i32
    "tpu.region"() ({
      %run_scoped3A_202 = tpu.sem_alloc : memref<!tpu.dma_semaphore, #tpu.memory_space<semaphore_mem>>
      %dma_start3A_203 = arith.constant 0 : i32
      %dma_start3A_204 = tpu.memref_slice %arg11[%add3A_34, %dma_start3A_203] : memref<10240x128xbf16, #tpu.memory_space<vmem_shared>> -> memref<128x128xbf16, #tpu.memory_space<vmem_shared>>
      %dma_start3A_205 = arith.constant 0 : i32
      %dma_start3A_206 = tpu.memref_slice %arg11[%add3A_34, %dma_start3A_205] : memref<10240x128xbf16, #tpu.memory_space<vmem_shared>> -> memref<128x128xbf16, #tpu.memory_space<vmem_shared>>
      tpu.enqueue_dma source(%arg9 : memref<128x128xbf16, #tpu.memory_space<vmem>>) target(%dma_start3A_206 : memref<128x128xbf16, #tpu.memory_space<vmem_shared>>) target_semaphore(%run_scoped3A_202 : memref<!tpu.dma_semaphore, #tpu.memory_space<semaphore_mem>>)
      %dma_wait3A_207 = arith.constant 0 : i32
      %dma_wait3A_208 = tpu.memref_slice %arg11[%add3A_34, %dma_wait3A_207] : memref<10240x128xbf16, #tpu.memory_space<vmem_shared>> -> memref<128x128xbf16, #tpu.memory_space<vmem_shared>>
      %dma_wait3A_209 = arith.constant 0 : i32
      %dma_wait3A_210 = tpu.memref_slice %arg11[%add3A_34, %dma_wait3A_209] : memref<10240x128xbf16, #tpu.memory_space<vmem_shared>> -> memref<128x128xbf16, #tpu.memory_space<vmem_shared>>
      tpu.wait_dma2 semaphore(%run_scoped3A_202 : memref<!tpu.dma_semaphore, #tpu.memory_space<semaphore_mem>>) src(%arg9 : memref<128x128xbf16, #tpu.memory_space<vmem>>) dst(%dma_wait3A_210 : memref<128x128xbf16, #tpu.memory_space<vmem_shared>>)
      tpu.yield
    }) : () -> ()
    "tpu.region"() ({
      %run_scoped3A_202 = tpu.sem_alloc : memref<!tpu.dma_semaphore, #tpu.memory_space<semaphore_mem>>
      %dma_start3A_203 = arith.constant 0 : i32
      %dma_start3A_204 = tpu.memref_slice %arg12[%add3A_34, %dma_start3A_203] : memref<10240x32xbf16, #tpu.memory_space<vmem_shared>> -> memref<128x32xbf16, #tpu.memory_space<vmem_shared>>
      %dma_start3A_205 = arith.constant 0 : i32
      %dma_start3A_206 = tpu.memref_slice %arg12[%add3A_34, %dma_start3A_205] : memref<10240x32xbf16, #tpu.memory_space<vmem_shared>> -> memref<128x32xbf16, #tpu.memory_space<vmem_shared>>
      tpu.enqueue_dma source(%arg10 : memref<128x32xbf16, #tpu.memory_space<vmem>>) target(%dma_start3A_206 : memref<128x32xbf16, #tpu.memory_space<vmem_shared>>) target_semaphore(%run_scoped3A_202 : memref<!tpu.dma_semaphore, #tpu.memory_space<semaphore_mem>>)
      %dma_wait3A_207 = arith.constant 0 : i32
      %dma_wait3A_208 = tpu.memref_slice %arg12[%add3A_34, %dma_wait3A_207] : memref<10240x32xbf16, #tpu.memory_space<vmem_shared>> -> memref<128x32xbf16, #tpu.memory_space<vmem_shared>>
      %dma_wait3A_209 = arith.constant 0 : i32
      %dma_wait3A_210 = tpu.memref_slice %arg12[%add3A_34, %dma_wait3A_209] : memref<10240x32xbf16, #tpu.memory_space<vmem_shared>> -> memref<128x32xbf16, #tpu.memory_space<vmem_shared>>
      tpu.wait_dma2 semaphore(%run_scoped3A_202 : memref<!tpu.dma_semaphore, #tpu.memory_space<semaphore_mem>>) src(%arg10 : memref<128x32xbf16, #tpu.memory_space<vmem>>) dst(%dma_wait3A_210 : memref<128x32xbf16, #tpu.memory_space<vmem_shared>>)
      tpu.yield
    }) : () -> ()
    %barrier3A = arith.constant 0 : index
    tpu.barrier barrier_id(%barrier3A)
    %dma_start3A = arith.constant 0 : i32
    %dma_start3A_35 = tpu.memref_slice %arg6[%dma_start3A] : memref<10000xi32, #tpu.memory_space<vmem>> -> memref<80xi32, #tpu.memory_space<vmem>>
    %dma_start3A_36 = arith.constant 0 : i32
    %dma_start3A_37 = arith.constant 0 : i32
    %dma_start3A_38 = tpu.memref_slice %arg2[%dma_start3A_36, %dma_start3A_37] : memref<10000x128xbf16, #tpu.memory_space<hbm>> -> memref<10000x128xbf16, #tpu.memory_space<hbm>>
    tpu.enqueue_indirect_dma source(%dma_start3A_38 : memref<10000x128xbf16, #tpu.memory_space<hbm>>) target(%arg13 : memref<80x128xbf16, #tpu.memory_space<vmem>>) offsets(%dma_start3A_35 : memref<80xi32, #tpu.memory_space<vmem>>) semaphore(%arg18 : memref<!tpu.dma_semaphore, #tpu.memory_space<semaphore_mem>>)
    %dma_start3A_39 = arith.constant 80 : i32
    %dma_start3A_40 = tpu.memref_slice %arg6[%dma_start3A_39] : memref<10000xi32, #tpu.memory_space<vmem>> -> memref<80xi32, #tpu.memory_space<vmem>>
    %dma_start3A_41 = arith.constant 0 : i32
    %dma_start3A_42 = arith.constant 0 : i32
    %dma_start3A_43 = tpu.memref_slice %arg2[%dma_start3A_41, %dma_start3A_42] : memref<10000x128xbf16, #tpu.memory_space<hbm>> -> memref<10000x128xbf16, #tpu.memory_space<hbm>>
    tpu.enqueue_indirect_dma source(%dma_start3A_43 : memref<10000x128xbf16, #tpu.memory_space<hbm>>) target(%arg14 : memref<80x128xbf16, #tpu.memory_space<vmem>>) offsets(%dma_start3A_40 : memref<80xi32, #tpu.memory_space<vmem>>) semaphore(%arg19 : memref<!tpu.dma_semaphore, #tpu.memory_space<semaphore_mem>>)
    %dma_start3A_44 = arith.constant 160 : i32
    %dma_start3A_45 = tpu.memref_slice %arg6[%dma_start3A_44] : memref<10000xi32, #tpu.memory_space<vmem>> -> memref<80xi32, #tpu.memory_space<vmem>>
    %dma_start3A_46 = arith.constant 0 : i32
    %dma_start3A_47 = arith.constant 0 : i32
    %dma_start3A_48 = tpu.memref_slice %arg2[%dma_start3A_46, %dma_start3A_47] : memref<10000x128xbf16, #tpu.memory_space<hbm>> -> memref<10000x128xbf16, #tpu.memory_space<hbm>>
    tpu.enqueue_indirect_dma source(%dma_start3A_48 : memref<10000x128xbf16, #tpu.memory_space<hbm>>) target(%arg15 : memref<80x128xbf16, #tpu.memory_space<vmem>>) offsets(%dma_start3A_45 : memref<80xi32, #tpu.memory_space<vmem>>) semaphore(%arg20 : memref<!tpu.dma_semaphore, #tpu.memory_space<semaphore_mem>>)
    %dma_start3A_49 = arith.constant 240 : i32
    %dma_start3A_50 = tpu.memref_slice %arg6[%dma_start3A_49] : memref<10000xi32, #tpu.memory_space<vmem>> -> memref<80xi32, #tpu.memory_space<vmem>>
    %dma_start3A_51 = arith.constant 0 : i32
    %dma_start3A_52 = arith.constant 0 : i32
    %dma_start3A_53 = tpu.memref_slice %arg2[%dma_start3A_51, %dma_start3A_52] : memref<10000x128xbf16, #tpu.memory_space<hbm>> -> memref<10000x128xbf16, #tpu.memory_space<hbm>>
    tpu.enqueue_indirect_dma source(%dma_start3A_53 : memref<10000x128xbf16, #tpu.memory_space<hbm>>) target(%arg16 : memref<80x128xbf16, #tpu.memory_space<vmem>>) offsets(%dma_start3A_50 : memref<80xi32, #tpu.memory_space<vmem>>) semaphore(%arg21 : memref<!tpu.dma_semaphore, #tpu.memory_space<semaphore_mem>>)
    %dma_start3A_54 = arith.constant 320 : i32
    %dma_start3A_55 = tpu.memref_slice %arg6[%dma_start3A_54] : memref<10000xi32, #tpu.memory_space<vmem>> -> memref<80xi32, #tpu.memory_space<vmem>>
    %dma_start3A_56 = arith.constant 0 : i32
    %dma_start3A_57 = arith.constant 0 : i32
    %dma_start3A_58 = tpu.memref_slice %arg2[%dma_start3A_56, %dma_start3A_57] : memref<10000x128xbf16, #tpu.memory_space<hbm>> -> memref<10000x128xbf16, #tpu.memory_space<hbm>>
    tpu.enqueue_indirect_dma source(%dma_start3A_58 : memref<10000x128xbf16, #tpu.memory_space<hbm>>) target(%arg17 : memref<80x128xbf16, #tpu.memory_space<vmem>>) offsets(%dma_start3A_55 : memref<80xi32, #tpu.memory_space<vmem>>) semaphore(%arg22 : memref<!tpu.dma_semaphore, #tpu.memory_space<semaphore_mem>>)
    %scan3A_59 = arith.constant 0 : i32
    %scan3A_60 = arith.constant 24 : i32
    %scan3A_61 = arith.addi %scan3A_59, %scan3A_60 : i32
    %scan3A_62 = arith.constant 1 : i32
    scf.for %scan3A_202 = %scan3A_59 to %scan3A_61 step %scan3A_62  : i32 {
      %mul3A_203 = arith.constant 5 : i32
      %mul3A_204 = arith.muli %scan3A_202, %mul3A_203 : i32
      %add3A_205 = arith.constant 0 : i32
      %add3A_206 = arith.addi %add3A_205, %mul3A_204 : i32
      %add3A_207 = arith.constant 0 : i32
      %add3A_208 = arith.addi %add3A_206, %add3A_207 : i32
      %dma_wait3A_209 = arith.constant 0 : i32
      %dma_wait3A_210 = arith.constant 0 : i32
      %dma_wait3A_211 = tpu.memref_slice %arg2[%dma_wait3A_209, %dma_wait3A_210] : memref<10000x128xbf16, #tpu.memory_space<hbm>> -> memref<80x128xbf16, #tpu.memory_space<hbm>>
      %dma_wait3A_212 = arith.constant 0 : i32
      %dma_wait3A_213 = arith.constant 0 : i32
      %dma_wait3A_214 = tpu.memref_slice %arg2[%dma_wait3A_212, %dma_wait3A_213] : memref<10000x128xbf16, #tpu.memory_space<hbm>> -> memref<80x128xbf16, #tpu.memory_space<hbm>>
      tpu.wait_dma2 semaphore(%arg18 : memref<!tpu.dma_semaphore, #tpu.memory_space<semaphore_mem>>) src(%dma_wait3A_214 : memref<80x128xbf16, #tpu.memory_space<hbm>>) dst(%arg13 : memref<80x128xbf16, #tpu.memory_space<vmem>>)
      %mul3A_215 = arith.constant 80 : i32
      %mul3A_216 = arith.muli %add3A_208, %mul3A_215 : i32
      %dma_start3A_217 = tpu.memref_slice %arg7[%mul3A_216] : memref<10000xi32, #tpu.memory_space<vmem>> -> memref<80xi32, #tpu.memory_space<vmem>>
      %dma_start3A_218 = arith.constant 0 : i32
      %dma_start3A_219 = arith.constant 0 : i32
      %dma_start3A_220 = tpu.memref_slice %arg11[%dma_start3A_218, %dma_start3A_219] : memref<10240x128xbf16, #tpu.memory_space<vmem_shared>> -> memref<10240x128xbf16, #tpu.memory_space<vmem_shared>>
      tpu.enqueue_indirect_dma source(%arg13 : memref<80x128xbf16, #tpu.memory_space<vmem>>) target(%dma_start3A_220 : memref<10240x128xbf16, #tpu.memory_space<vmem_shared>>) offsets(%dma_start3A_217 : memref<80xi32, #tpu.memory_space<vmem>>) semaphore(%arg23 : memref<!tpu.dma_semaphore, #tpu.memory_space<semaphore_mem>>) {add = true}
      %mul3A_221 = arith.constant 80 : i32
      %mul3A_222 = arith.muli %add3A_208, %mul3A_221 : i32
      %dma_start3A_223 = tpu.memref_slice %arg7[%mul3A_222] : memref<10000xi32, #tpu.memory_space<vmem>> -> memref<80xi32, #tpu.memory_space<vmem>>
      %dma_start3A_224 = arith.constant 0 : i32
      %dma_start3A_225 = arith.constant 0 : i32
      %dma_start3A_226 = tpu.memref_slice %arg12[%dma_start3A_224, %dma_start3A_225] : memref<10240x32xbf16, #tpu.memory_space<vmem_shared>> -> memref<10240x32xbf16, #tpu.memory_space<vmem_shared>>
      tpu.enqueue_indirect_dma source(%arg8 : memref<80x32xbf16, #tpu.memory_space<vmem>>) target(%dma_start3A_226 : memref<10240x32xbf16, #tpu.memory_space<vmem_shared>>) offsets(%dma_start3A_223 : memref<80xi32, #tpu.memory_space<vmem>>) semaphore(%arg28 : memref<!tpu.dma_semaphore, #tpu.memory_space<semaphore_mem>>) {add = true}
      %add3A_227 = arith.constant 1 : i32
      %add3A_228 = arith.addi %add3A_206, %add3A_227 : i32
      %dma_wait3A_229 = arith.constant 0 : i32
      %dma_wait3A_230 = arith.constant 0 : i32
      %dma_wait3A_231 = tpu.memref_slice %arg2[%dma_wait3A_229, %dma_wait3A_230] : memref<10000x128xbf16, #tpu.memory_space<hbm>> -> memref<80x128xbf16, #tpu.memory_space<hbm>>
      %dma_wait3A_232 = arith.constant 0 : i32
      %dma_wait3A_233 = arith.constant 0 : i32
      %dma_wait3A_234 = tpu.memref_slice %arg2[%dma_wait3A_232, %dma_wait3A_233] : memref<10000x128xbf16, #tpu.memory_space<hbm>> -> memref<80x128xbf16, #tpu.memory_space<hbm>>
      tpu.wait_dma2 semaphore(%arg19 : memref<!tpu.dma_semaphore, #tpu.memory_space<semaphore_mem>>) src(%dma_wait3A_234 : memref<80x128xbf16, #tpu.memory_space<hbm>>) dst(%arg14 : memref<80x128xbf16, #tpu.memory_space<vmem>>)
      %mul3A_235 = arith.constant 80 : i32
      %mul3A_236 = arith.muli %add3A_228, %mul3A_235 : i32
      %dma_start3A_237 = tpu.memref_slice %arg7[%mul3A_236] : memref<10000xi32, #tpu.memory_space<vmem>> -> memref<80xi32, #tpu.memory_space<vmem>>
      %dma_start3A_238 = arith.constant 0 : i32
      %dma_start3A_239 = arith.constant 0 : i32
      %dma_start3A_240 = tpu.memref_slice %arg11[%dma_start3A_238, %dma_start3A_239] : memref<10240x128xbf16, #tpu.memory_space<vmem_shared>> -> memref<10240x128xbf16, #tpu.memory_space<vmem_shared>>
      tpu.enqueue_indirect_dma source(%arg14 : memref<80x128xbf16, #tpu.memory_space<vmem>>) target(%dma_start3A_240 : memref<10240x128xbf16, #tpu.memory_space<vmem_shared>>) offsets(%dma_start3A_237 : memref<80xi32, #tpu.memory_space<vmem>>) semaphore(%arg24 : memref<!tpu.dma_semaphore, #tpu.memory_space<semaphore_mem>>) {add = true}
      %mul3A_241 = arith.constant 80 : i32
      %mul3A_242 = arith.muli %add3A_228, %mul3A_241 : i32
      %dma_start3A_243 = tpu.memref_slice %arg7[%mul3A_242] : memref<10000xi32, #tpu.memory_space<vmem>> -> memref<80xi32, #tpu.memory_space<vmem>>
      %dma_start3A_244 = arith.constant 0 : i32
      %dma_start3A_245 = arith.constant 0 : i32
      %dma_start3A_246 = tpu.memref_slice %arg12[%dma_start3A_244, %dma_start3A_245] : memref<10240x32xbf16, #tpu.memory_space<vmem_shared>> -> memref<10240x32xbf16, #tpu.memory_space<vmem_shared>>
      tpu.enqueue_indirect_dma source(%arg8 : memref<80x32xbf16, #tpu.memory_space<vmem>>) target(%dma_start3A_246 : memref<10240x32xbf16, #tpu.memory_space<vmem_shared>>) offsets(%dma_start3A_243 : memref<80xi32, #tpu.memory_space<vmem>>) semaphore(%arg29 : memref<!tpu.dma_semaphore, #tpu.memory_space<semaphore_mem>>) {add = true}
      %add3A_247 = arith.constant 2 : i32
      %add3A_248 = arith.addi %add3A_206, %add3A_247 : i32
      %dma_wait3A_249 = arith.constant 0 : i32
      %dma_wait3A_250 = arith.constant 0 : i32
      %dma_wait3A_251 = tpu.memref_slice %arg2[%dma_wait3A_249, %dma_wait3A_250] : memref<10000x128xbf16, #tpu.memory_space<hbm>> -> memref<80x128xbf16, #tpu.memory_space<hbm>>
      %dma_wait3A_252 = arith.constant 0 : i32
      %dma_wait3A_253 = arith.constant 0 : i32
      %dma_wait3A_254 = tpu.memref_slice %arg2[%dma_wait3A_252, %dma_wait3A_253] : memref<10000x128xbf16, #tpu.memory_space<hbm>> -> memref<80x128xbf16, #tpu.memory_space<hbm>>
      tpu.wait_dma2 semaphore(%arg20 : memref<!tpu.dma_semaphore, #tpu.memory_space<semaphore_mem>>) src(%dma_wait3A_254 : memref<80x128xbf16, #tpu.memory_space<hbm>>) dst(%arg15 : memref<80x128xbf16, #tpu.memory_space<vmem>>)
      %mul3A_255 = arith.constant 80 : i32
      %mul3A_256 = arith.muli %add3A_248, %mul3A_255 : i32
      %dma_start3A_257 = tpu.memref_slice %arg7[%mul3A_256] : memref<10000xi32, #tpu.memory_space<vmem>> -> memref<80xi32, #tpu.memory_space<vmem>>
      %dma_start3A_258 = arith.constant 0 : i32
      %dma_start3A_259 = arith.constant 0 : i32
      %dma_start3A_260 = tpu.memref_slice %arg11[%dma_start3A_258, %dma_start3A_259] : memref<10240x128xbf16, #tpu.memory_space<vmem_shared>> -> memref<10240x128xbf16, #tpu.memory_space<vmem_shared>>
      tpu.enqueue_indirect_dma source(%arg15 : memref<80x128xbf16, #tpu.memory_space<vmem>>) target(%dma_start3A_260 : memref<10240x128xbf16, #tpu.memory_space<vmem_shared>>) offsets(%dma_start3A_257 : memref<80xi32, #tpu.memory_space<vmem>>) semaphore(%arg25 : memref<!tpu.dma_semaphore, #tpu.memory_space<semaphore_mem>>) {add = true}
      %mul3A_261 = arith.constant 80 : i32
      %mul3A_262 = arith.muli %add3A_248, %mul3A_261 : i32
      %dma_start3A_263 = tpu.memref_slice %arg7[%mul3A_262] : memref<10000xi32, #tpu.memory_space<vmem>> -> memref<80xi32, #tpu.memory_space<vmem>>
      %dma_start3A_264 = arith.constant 0 : i32
      %dma_start3A_265 = arith.constant 0 : i32
      %dma_start3A_266 = tpu.memref_slice %arg12[%dma_start3A_264, %dma_start3A_265] : memref<10240x32xbf16, #tpu.memory_space<vmem_shared>> -> memref<10240x32xbf16, #tpu.memory_space<vmem_shared>>
      tpu.enqueue_indirect_dma source(%arg8 : memref<80x32xbf16, #tpu.memory_space<vmem>>) target(%dma_start3A_266 : memref<10240x32xbf16, #tpu.memory_space<vmem_shared>>) offsets(%dma_start3A_263 : memref<80xi32, #tpu.memory_space<vmem>>) semaphore(%arg30 : memref<!tpu.dma_semaphore, #tpu.memory_space<semaphore_mem>>) {add = true}
      %add3A_267 = arith.constant 3 : i32
      %add3A_268 = arith.addi %add3A_206, %add3A_267 : i32
      %dma_wait3A_269 = arith.constant 0 : i32
      %dma_wait3A_270 = arith.constant 0 : i32
      %dma_wait3A_271 = tpu.memref_slice %arg2[%dma_wait3A_269, %dma_wait3A_270] : memref<10000x128xbf16, #tpu.memory_space<hbm>> -> memref<80x128xbf16, #tpu.memory_space<hbm>>
      %dma_wait3A_272 = arith.constant 0 : i32
      %dma_wait3A_273 = arith.constant 0 : i32
      %dma_wait3A_274 = tpu.memref_slice %arg2[%dma_wait3A_272, %dma_wait3A_273] : memref<10000x128xbf16, #tpu.memory_space<hbm>> -> memref<80x128xbf16, #tpu.memory_space<hbm>>
      tpu.wait_dma2 semaphore(%arg21 : memref<!tpu.dma_semaphore, #tpu.memory_space<semaphore_mem>>) src(%dma_wait3A_274 : memref<80x128xbf16, #tpu.memory_space<hbm>>) dst(%arg16 : memref<80x128xbf16, #tpu.memory_space<vmem>>)
      %mul3A_275 = arith.constant 80 : i32
      %mul3A_276 = arith.muli %add3A_268, %mul3A_275 : i32
      %dma_start3A_277 = tpu.memref_slice %arg7[%mul3A_276] : memref<10000xi32, #tpu.memory_space<vmem>> -> memref<80xi32, #tpu.memory_space<vmem>>
      %dma_start3A_278 = arith.constant 0 : i32
      %dma_start3A_279 = arith.constant 0 : i32
      %dma_start3A_280 = tpu.memref_slice %arg11[%dma_start3A_278, %dma_start3A_279] : memref<10240x128xbf16, #tpu.memory_space<vmem_shared>> -> memref<10240x128xbf16, #tpu.memory_space<vmem_shared>>
      tpu.enqueue_indirect_dma source(%arg16 : memref<80x128xbf16, #tpu.memory_space<vmem>>) target(%dma_start3A_280 : memref<10240x128xbf16, #tpu.memory_space<vmem_shared>>) offsets(%dma_start3A_277 : memref<80xi32, #tpu.memory_space<vmem>>) semaphore(%arg26 : memref<!tpu.dma_semaphore, #tpu.memory_space<semaphore_mem>>) {add = true}
      %mul3A_281 = arith.constant 80 : i32
      %mul3A_282 = arith.muli %add3A_268, %mul3A_281 : i32
      %dma_start3A_283 = tpu.memref_slice %arg7[%mul3A_282] : memref<10000xi32, #tpu.memory_space<vmem>> -> memref<80xi32, #tpu.memory_space<vmem>>
      %dma_start3A_284 = arith.constant 0 : i32
      %dma_start3A_285 = arith.constant 0 : i32
      %dma_start3A_286 = tpu.memref_slice %arg12[%dma_start3A_284, %dma_start3A_285] : memref<10240x32xbf16, #tpu.memory_space<vmem_shared>> -> memref<10240x32xbf16, #tpu.memory_space<vmem_shared>>
      tpu.enqueue_indirect_dma source(%arg8 : memref<80x32xbf16, #tpu.memory_space<vmem>>) target(%dma_start3A_286 : memref<10240x32xbf16, #tpu.memory_space<vmem_shared>>) offsets(%dma_start3A_283 : memref<80xi32, #tpu.memory_space<vmem>>) semaphore(%arg31 : memref<!tpu.dma_semaphore, #tpu.memory_space<semaphore_mem>>) {add = true}
      %add3A_287 = arith.constant 4 : i32
      %add3A_288 = arith.addi %add3A_206, %add3A_287 : i32
      %dma_wait3A_289 = arith.constant 0 : i32
      %dma_wait3A_290 = arith.constant 0 : i32
      %dma_wait3A_291 = tpu.memref_slice %arg2[%dma_wait3A_289, %dma_wait3A_290] : memref<10000x128xbf16, #tpu.memory_space<hbm>> -> memref<80x128xbf16, #tpu.memory_space<hbm>>
      %dma_wait3A_292 = arith.constant 0 : i32
      %dma_wait3A_293 = arith.constant 0 : i32
      %dma_wait3A_294 = tpu.memref_slice %arg2[%dma_wait3A_292, %dma_wait3A_293] : memref<10000x128xbf16, #tpu.memory_space<hbm>> -> memref<80x128xbf16, #tpu.memory_space<hbm>>
      tpu.wait_dma2 semaphore(%arg22 : memref<!tpu.dma_semaphore, #tpu.memory_space<semaphore_mem>>) src(%dma_wait3A_294 : memref<80x128xbf16, #tpu.memory_space<hbm>>) dst(%arg17 : memref<80x128xbf16, #tpu.memory_space<vmem>>)
      %mul3A_295 = arith.constant 80 : i32
      %mul3A_296 = arith.muli %add3A_288, %mul3A_295 : i32
      %dma_start3A_297 = tpu.memref_slice %arg7[%mul3A_296] : memref<10000xi32, #tpu.memory_space<vmem>> -> memref<80xi32, #tpu.memory_space<vmem>>
      %dma_start3A_298 = arith.constant 0 : i32
      %dma_start3A_299 = arith.constant 0 : i32
      %dma_start3A_300 = tpu.memref_slice %arg11[%dma_start3A_298, %dma_start3A_299] : memref<10240x128xbf16, #tpu.memory_space<vmem_shared>> -> memref<10240x128xbf16, #tpu.memory_space<vmem_shared>>
      tpu.enqueue_indirect_dma source(%arg17 : memref<80x128xbf16, #tpu.memory_space<vmem>>) target(%dma_start3A_300 : memref<10240x128xbf16, #tpu.memory_space<vmem_shared>>) offsets(%dma_start3A_297 : memref<80xi32, #tpu.memory_space<vmem>>) semaphore(%arg27 : memref<!tpu.dma_semaphore, #tpu.memory_space<semaphore_mem>>) {add = true}
      %mul3A_301 = arith.constant 80 : i32
      %mul3A_302 = arith.muli %add3A_288, %mul3A_301 : i32
      %dma_start3A_303 = tpu.memref_slice %arg7[%mul3A_302] : memref<10000xi32, #tpu.memory_space<vmem>> -> memref<80xi32, #tpu.memory_space<vmem>>
      %dma_start3A_304 = arith.constant 0 : i32
      %dma_start3A_305 = arith.constant 0 : i32
      %dma_start3A_306 = tpu.memref_slice %arg12[%dma_start3A_304, %dma_start3A_305] : memref<10240x32xbf16, #tpu.memory_space<vmem_shared>> -> memref<10240x32xbf16, #tpu.memory_space<vmem_shared>>
      tpu.enqueue_indirect_dma source(%arg8 : memref<80x32xbf16, #tpu.memory_space<vmem>>) target(%dma_start3A_306 : memref<10240x32xbf16, #tpu.memory_space<vmem_shared>>) offsets(%dma_start3A_303 : memref<80xi32, #tpu.memory_space<vmem>>) semaphore(%arg32 : memref<!tpu.dma_semaphore, #tpu.memory_space<semaphore_mem>>) {add = true}
      %dma_wait3A_307 = tpu.memref_slice %arg7[%mul3A_216] : memref<10000xi32, #tpu.memory_space<vmem>> -> memref<80xi32, #tpu.memory_space<vmem>>
      %dma_wait3A_308 = arith.constant 0 : i32
      %dma_wait3A_309 = arith.constant 0 : i32
      %dma_wait3A_310 = tpu.memref_slice %arg11[%dma_wait3A_308, %dma_wait3A_309] : memref<10240x128xbf16, #tpu.memory_space<vmem_shared>> -> memref<10240x128xbf16, #tpu.memory_space<vmem_shared>>
      tpu.wait_indirect_dma semaphore(%arg23 : memref<!tpu.dma_semaphore, #tpu.memory_space<semaphore_mem>>) src(%arg13 : memref<80x128xbf16, #tpu.memory_space<vmem>>) dst(%dma_wait3A_310 : memref<10240x128xbf16, #tpu.memory_space<vmem_shared>>)
      %dma_wait3A_311 = tpu.memref_slice %arg7[%mul3A_222] : memref<10000xi32, #tpu.memory_space<vmem>> -> memref<80xi32, #tpu.memory_space<vmem>>
      %dma_wait3A_312 = arith.constant 0 : i32
      %dma_wait3A_313 = arith.constant 0 : i32
      %dma_wait3A_314 = tpu.memref_slice %arg12[%dma_wait3A_312, %dma_wait3A_313] : memref<10240x32xbf16, #tpu.memory_space<vmem_shared>> -> memref<10240x32xbf16, #tpu.memory_space<vmem_shared>>
      tpu.wait_indirect_dma semaphore(%arg28 : memref<!tpu.dma_semaphore, #tpu.memory_space<semaphore_mem>>) src(%arg8 : memref<80x32xbf16, #tpu.memory_space<vmem>>) dst(%dma_wait3A_314 : memref<10240x32xbf16, #tpu.memory_space<vmem_shared>>)
      %add3A_315 = arith.constant 0 : i32
      %add3A_316 = arith.addi %add3A_206, %add3A_315 : i32
      %add3A_317 = arith.constant 5 : i32
      %add3A_318 = arith.addi %add3A_316, %add3A_317 : i32
      %mul3A_319 = arith.constant 80 : i32
      %mul3A_320 = arith.muli %add3A_318, %mul3A_319 : i32
      %dma_start3A_321 = tpu.memref_slice %arg6[%mul3A_320] : memref<10000xi32, #tpu.memory_space<vmem>> -> memref<80xi32, #tpu.memory_space<vmem>>
      %dma_start3A_322 = arith.constant 0 : i32
      %dma_start3A_323 = arith.constant 0 : i32
      %dma_start3A_324 = tpu.memref_slice %arg2[%dma_start3A_322, %dma_start3A_323] : memref<10000x128xbf16, #tpu.memory_space<hbm>> -> memref<10000x128xbf16, #tpu.memory_space<hbm>>
      tpu.enqueue_indirect_dma source(%dma_start3A_324 : memref<10000x128xbf16, #tpu.memory_space<hbm>>) target(%arg13 : memref<80x128xbf16, #tpu.memory_space<vmem>>) offsets(%dma_start3A_321 : memref<80xi32, #tpu.memory_space<vmem>>) semaphore(%arg18 : memref<!tpu.dma_semaphore, #tpu.memory_space<semaphore_mem>>)
      %dma_wait3A_325 = tpu.memref_slice %arg7[%mul3A_236] : memref<10000xi32, #tpu.memory_space<vmem>> -> memref<80xi32, #tpu.memory_space<vmem>>
      %dma_wait3A_326 = arith.constant 0 : i32
      %dma_wait3A_327 = arith.constant 0 : i32
      %dma_wait3A_328 = tpu.memref_slice %arg11[%dma_wait3A_326, %dma_wait3A_327] : memref<10240x128xbf16, #tpu.memory_space<vmem_shared>> -> memref<10240x128xbf16, #tpu.memory_space<vmem_shared>>
      tpu.wait_indirect_dma semaphore(%arg24 : memref<!tpu.dma_semaphore, #tpu.memory_space<semaphore_mem>>) src(%arg14 : memref<80x128xbf16, #tpu.memory_space<vmem>>) dst(%dma_wait3A_328 : memref<10240x128xbf16, #tpu.memory_space<vmem_shared>>)
      %dma_wait3A_329 = tpu.memref_slice %arg7[%mul3A_242] : memref<10000xi32, #tpu.memory_space<vmem>> -> memref<80xi32, #tpu.memory_space<vmem>>
      %dma_wait3A_330 = arith.constant 0 : i32
      %dma_wait3A_331 = arith.constant 0 : i32
      %dma_wait3A_332 = tpu.memref_slice %arg12[%dma_wait3A_330, %dma_wait3A_331] : memref<10240x32xbf16, #tpu.memory_space<vmem_shared>> -> memref<10240x32xbf16, #tpu.memory_space<vmem_shared>>
      tpu.wait_indirect_dma semaphore(%arg29 : memref<!tpu.dma_semaphore, #tpu.memory_space<semaphore_mem>>) src(%arg8 : memref<80x32xbf16, #tpu.memory_space<vmem>>) dst(%dma_wait3A_332 : memref<10240x32xbf16, #tpu.memory_space<vmem_shared>>)
      %add3A_333 = arith.constant 1 : i32
      %add3A_334 = arith.addi %add3A_206, %add3A_333 : i32
      %add3A_335 = arith.constant 5 : i32
      %add3A_336 = arith.addi %add3A_334, %add3A_335 : i32
      %mul3A_337 = arith.constant 80 : i32
      %mul3A_338 = arith.muli %add3A_336, %mul3A_337 : i32
      %dma_start3A_339 = tpu.memref_slice %arg6[%mul3A_338] : memref<10000xi32, #tpu.memory_space<vmem>> -> memref<80xi32, #tpu.memory_space<vmem>>
      %dma_start3A_340 = arith.constant 0 : i32
      %dma_start3A_341 = arith.constant 0 : i32
      %dma_start3A_342 = tpu.memref_slice %arg2[%dma_start3A_340, %dma_start3A_341] : memref<10000x128xbf16, #tpu.memory_space<hbm>> -> memref<10000x128xbf16, #tpu.memory_space<hbm>>
      tpu.enqueue_indirect_dma source(%dma_start3A_342 : memref<10000x128xbf16, #tpu.memory_space<hbm>>) target(%arg14 : memref<80x128xbf16, #tpu.memory_space<vmem>>) offsets(%dma_start3A_339 : memref<80xi32, #tpu.memory_space<vmem>>) semaphore(%arg19 : memref<!tpu.dma_semaphore, #tpu.memory_space<semaphore_mem>>)
      %dma_wait3A_343 = tpu.memref_slice %arg7[%mul3A_256] : memref<10000xi32, #tpu.memory_space<vmem>> -> memref<80xi32, #tpu.memory_space<vmem>>
      %dma_wait3A_344 = arith.constant 0 : i32
      %dma_wait3A_345 = arith.constant 0 : i32
      %dma_wait3A_346 = tpu.memref_slice %arg11[%dma_wait3A_344, %dma_wait3A_345] : memref<10240x128xbf16, #tpu.memory_space<vmem_shared>> -> memref<10240x128xbf16, #tpu.memory_space<vmem_shared>>
      tpu.wait_indirect_dma semaphore(%arg25 : memref<!tpu.dma_semaphore, #tpu.memory_space<semaphore_mem>>) src(%arg15 : memref<80x128xbf16, #tpu.memory_space<vmem>>) dst(%dma_wait3A_346 : memref<10240x128xbf16, #tpu.memory_space<vmem_shared>>)
      %dma_wait3A_347 = tpu.memref_slice %arg7[%mul3A_262] : memref<10000xi32, #tpu.memory_space<vmem>> -> memref<80xi32, #tpu.memory_space<vmem>>
      %dma_wait3A_348 = arith.constant 0 : i32
      %dma_wait3A_349 = arith.constant 0 : i32
      %dma_wait3A_350 = tpu.memref_slice %arg12[%dma_wait3A_348, %dma_wait3A_349] : memref<10240x32xbf16, #tpu.memory_space<vmem_shared>> -> memref<10240x32xbf16, #tpu.memory_space<vmem_shared>>
      tpu.wait_indirect_dma semaphore(%arg30 : memref<!tpu.dma_semaphore, #tpu.memory_space<semaphore_mem>>) src(%arg8 : memref<80x32xbf16, #tpu.memory_space<vmem>>) dst(%dma_wait3A_350 : memref<10240x32xbf16, #tpu.memory_space<vmem_shared>>)
      %add3A_351 = arith.constant 2 : i32
      %add3A_352 = arith.addi %add3A_206, %add3A_351 : i32
      %add3A_353 = arith.constant 5 : i32
      %add3A_354 = arith.addi %add3A_352, %add3A_353 : i32
      %mul3A_355 = arith.constant 80 : i32
      %mul3A_356 = arith.muli %add3A_354, %mul3A_355 : i32
      %dma_start3A_357 = tpu.memref_slice %arg6[%mul3A_356] : memref<10000xi32, #tpu.memory_space<vmem>> -> memref<80xi32, #tpu.memory_space<vmem>>
      %dma_start3A_358 = arith.constant 0 : i32
      %dma_start3A_359 = arith.constant 0 : i32
      %dma_start3A_360 = tpu.memref_slice %arg2[%dma_start3A_358, %dma_start3A_359] : memref<10000x128xbf16, #tpu.memory_space<hbm>> -> memref<10000x128xbf16, #tpu.memory_space<hbm>>
      tpu.enqueue_indirect_dma source(%dma_start3A_360 : memref<10000x128xbf16, #tpu.memory_space<hbm>>) target(%arg15 : memref<80x128xbf16, #tpu.memory_space<vmem>>) offsets(%dma_start3A_357 : memref<80xi32, #tpu.memory_space<vmem>>) semaphore(%arg20 : memref<!tpu.dma_semaphore, #tpu.memory_space<semaphore_mem>>)
      %dma_wait3A_361 = tpu.memref_slice %arg7[%mul3A_276] : memref<10000xi32, #tpu.memory_space<vmem>> -> memref<80xi32, #tpu.memory_space<vmem>>
      %dma_wait3A_362 = arith.constant 0 : i32
      %dma_wait3A_363 = arith.constant 0 : i32
      %dma_wait3A_364 = tpu.memref_slice %arg11[%dma_wait3A_362, %dma_wait3A_363] : memref<10240x128xbf16, #tpu.memory_space<vmem_shared>> -> memref<10240x128xbf16, #tpu.memory_space<vmem_shared>>
      tpu.wait_indirect_dma semaphore(%arg26 : memref<!tpu.dma_semaphore, #tpu.memory_space<semaphore_mem>>) src(%arg16 : memref<80x128xbf16, #tpu.memory_space<vmem>>) dst(%dma_wait3A_364 : memref<10240x128xbf16, #tpu.memory_space<vmem_shared>>)
      %dma_wait3A_365 = tpu.memref_slice %arg7[%mul3A_282] : memref<10000xi32, #tpu.memory_space<vmem>> -> memref<80xi32, #tpu.memory_space<vmem>>
      %dma_wait3A_366 = arith.constant 0 : i32
      %dma_wait3A_367 = arith.constant 0 : i32
      %dma_wait3A_368 = tpu.memref_slice %arg12[%dma_wait3A_366, %dma_wait3A_367] : memref<10240x32xbf16, #tpu.memory_space<vmem_shared>> -> memref<10240x32xbf16, #tpu.memory_space<vmem_shared>>
      tpu.wait_indirect_dma semaphore(%arg31 : memref<!tpu.dma_semaphore, #tpu.memory_space<semaphore_mem>>) src(%arg8 : memref<80x32xbf16, #tpu.memory_space<vmem>>) dst(%dma_wait3A_368 : memref<10240x32xbf16, #tpu.memory_space<vmem_shared>>)
      %add3A_369 = arith.constant 3 : i32
      %add3A_370 = arith.addi %add3A_206, %add3A_369 : i32
      %add3A_371 = arith.constant 5 : i32
      %add3A_372 = arith.addi %add3A_370, %add3A_371 : i32
      %mul3A_373 = arith.constant 80 : i32
      %mul3A_374 = arith.muli %add3A_372, %mul3A_373 : i32
      %dma_start3A_375 = tpu.memref_slice %arg6[%mul3A_374] : memref<10000xi32, #tpu.memory_space<vmem>> -> memref<80xi32, #tpu.memory_space<vmem>>
      %dma_start3A_376 = arith.constant 0 : i32
      %dma_start3A_377 = arith.constant 0 : i32
      %dma_start3A_378 = tpu.memref_slice %arg2[%dma_start3A_376, %dma_start3A_377] : memref<10000x128xbf16, #tpu.memory_space<hbm>> -> memref<10000x128xbf16, #tpu.memory_space<hbm>>
      tpu.enqueue_indirect_dma source(%dma_start3A_378 : memref<10000x128xbf16, #tpu.memory_space<hbm>>) target(%arg16 : memref<80x128xbf16, #tpu.memory_space<vmem>>) offsets(%dma_start3A_375 : memref<80xi32, #tpu.memory_space<vmem>>) semaphore(%arg21 : memref<!tpu.dma_semaphore, #tpu.memory_space<semaphore_mem>>)
      %dma_wait3A_379 = tpu.memref_slice %arg7[%mul3A_296] : memref<10000xi32, #tpu.memory_space<vmem>> -> memref<80xi32, #tpu.memory_space<vmem>>
      %dma_wait3A_380 = arith.constant 0 : i32
      %dma_wait3A_381 = arith.constant 0 : i32
      %dma_wait3A_382 = tpu.memref_slice %arg11[%dma_wait3A_380, %dma_wait3A_381] : memref<10240x128xbf16, #tpu.memory_space<vmem_shared>> -> memref<10240x128xbf16, #tpu.memory_space<vmem_shared>>
      tpu.wait_indirect_dma semaphore(%arg27 : memref<!tpu.dma_semaphore, #tpu.memory_space<semaphore_mem>>) src(%arg17 : memref<80x128xbf16, #tpu.memory_space<vmem>>) dst(%dma_wait3A_382 : memref<10240x128xbf16, #tpu.memory_space<vmem_shared>>)
      %dma_wait3A_383 = tpu.memref_slice %arg7[%mul3A_302] : memref<10000xi32, #tpu.memory_space<vmem>> -> memref<80xi32, #tpu.memory_space<vmem>>
      %dma_wait3A_384 = arith.constant 0 : i32
      %dma_wait3A_385 = arith.constant 0 : i32
      %dma_wait3A_386 = tpu.memref_slice %arg12[%dma_wait3A_384, %dma_wait3A_385] : memref<10240x32xbf16, #tpu.memory_space<vmem_shared>> -> memref<10240x32xbf16, #tpu.memory_space<vmem_shared>>
      tpu.wait_indirect_dma semaphore(%arg32 : memref<!tpu.dma_semaphore, #tpu.memory_space<semaphore_mem>>) src(%arg8 : memref<80x32xbf16, #tpu.memory_space<vmem>>) dst(%dma_wait3A_386 : memref<10240x32xbf16, #tpu.memory_space<vmem_shared>>)
      %add3A_387 = arith.constant 4 : i32
      %add3A_388 = arith.addi %add3A_206, %add3A_387 : i32
      %add3A_389 = arith.constant 5 : i32
      %add3A_390 = arith.addi %add3A_388, %add3A_389 : i32
      %mul3A_391 = arith.constant 80 : i32
      %mul3A_392 = arith.muli %add3A_390, %mul3A_391 : i32
      %dma_start3A_393 = tpu.memref_slice %arg6[%mul3A_392] : memref<10000xi32, #tpu.memory_space<vmem>> -> memref<80xi32, #tpu.memory_space<vmem>>
      %dma_start3A_394 = arith.constant 0 : i32
      %dma_start3A_395 = arith.constant 0 : i32
      %dma_start3A_396 = tpu.memref_slice %arg2[%dma_start3A_394, %dma_start3A_395] : memref<10000x128xbf16, #tpu.memory_space<hbm>> -> memref<10000x128xbf16, #tpu.memory_space<hbm>>
      tpu.enqueue_indirect_dma source(%dma_start3A_396 : memref<10000x128xbf16, #tpu.memory_space<hbm>>) target(%arg17 : memref<80x128xbf16, #tpu.memory_space<vmem>>) offsets(%dma_start3A_393 : memref<80xi32, #tpu.memory_space<vmem>>) semaphore(%arg22 : memref<!tpu.dma_semaphore, #tpu.memory_space<semaphore_mem>>)
    }
    %scan3A_63 = arith.constant 24 : i32
    %dma_wait3A = arith.constant 0 : i32
    %dma_wait3A_64 = arith.constant 0 : i32
    %dma_wait3A_65 = tpu.memref_slice %arg2[%dma_wait3A, %dma_wait3A_64] : memref<10000x128xbf16, #tpu.memory_space<hbm>> -> memref<80x128xbf16, #tpu.memory_space<hbm>>
    %dma_wait3A_66 = arith.constant 0 : i32
    %dma_wait3A_67 = arith.constant 0 : i32
    %dma_wait3A_68 = tpu.memref_slice %arg2[%dma_wait3A_66, %dma_wait3A_67] : memref<10000x128xbf16, #tpu.memory_space<hbm>> -> memref<80x128xbf16, #tpu.memory_space<hbm>>
    tpu.wait_dma2 semaphore(%arg18 : memref<!tpu.dma_semaphore, #tpu.memory_space<semaphore_mem>>) src(%dma_wait3A_68 : memref<80x128xbf16, #tpu.memory_space<hbm>>) dst(%arg13 : memref<80x128xbf16, #tpu.memory_space<vmem>>)
    %dma_start3A_69 = arith.constant 9600 : i32
    %dma_start3A_70 = tpu.memref_slice %arg7[%dma_start3A_69] : memref<10000xi32, #tpu.memory_space<vmem>> -> memref<80xi32, #tpu.memory_space<vmem>>
    %dma_start3A_71 = arith.constant 0 : i32
    %dma_start3A_72 = arith.constant 0 : i32
    %dma_start3A_73 = tpu.memref_slice %arg11[%dma_start3A_71, %dma_start3A_72] : memref<10240x128xbf16, #tpu.memory_space<vmem_shared>> -> memref<10240x128xbf16, #tpu.memory_space<vmem_shared>>
    tpu.enqueue_indirect_dma source(%arg13 : memref<80x128xbf16, #tpu.memory_space<vmem>>) target(%dma_start3A_73 : memref<10240x128xbf16, #tpu.memory_space<vmem_shared>>) offsets(%dma_start3A_70 : memref<80xi32, #tpu.memory_space<vmem>>) semaphore(%arg23 : memref<!tpu.dma_semaphore, #tpu.memory_space<semaphore_mem>>) {add = true}
    %dma_start3A_74 = arith.constant 9600 : i32
    %dma_start3A_75 = tpu.memref_slice %arg7[%dma_start3A_74] : memref<10000xi32, #tpu.memory_space<vmem>> -> memref<80xi32, #tpu.memory_space<vmem>>
    %dma_start3A_76 = arith.constant 0 : i32
    %dma_start3A_77 = arith.constant 0 : i32
    %dma_start3A_78 = tpu.memref_slice %arg12[%dma_start3A_76, %dma_start3A_77] : memref<10240x32xbf16, #tpu.memory_space<vmem_shared>> -> memref<10240x32xbf16, #tpu.memory_space<vmem_shared>>
    tpu.enqueue_indirect_dma source(%arg8 : memref<80x32xbf16, #tpu.memory_space<vmem>>) target(%dma_start3A_78 : memref<10240x32xbf16, #tpu.memory_space<vmem_shared>>) offsets(%dma_start3A_75 : memref<80xi32, #tpu.memory_space<vmem>>) semaphore(%arg28 : memref<!tpu.dma_semaphore, #tpu.memory_space<semaphore_mem>>) {add = true}
    %dma_wait3A_79 = arith.constant 0 : i32
    %dma_wait3A_80 = arith.constant 0 : i32
    %dma_wait3A_81 = tpu.memref_slice %arg2[%dma_wait3A_79, %dma_wait3A_80] : memref<10000x128xbf16, #tpu.memory_space<hbm>> -> memref<80x128xbf16, #tpu.memory_space<hbm>>
    %dma_wait3A_82 = arith.constant 0 : i32
    %dma_wait3A_83 = arith.constant 0 : i32
    %dma_wait3A_84 = tpu.memref_slice %arg2[%dma_wait3A_82, %dma_wait3A_83] : memref<10000x128xbf16, #tpu.memory_space<hbm>> -> memref<80x128xbf16, #tpu.memory_space<hbm>>
    tpu.wait_dma2 semaphore(%arg19 : memref<!tpu.dma_semaphore, #tpu.memory_space<semaphore_mem>>) src(%dma_wait3A_84 : memref<80x128xbf16, #tpu.memory_space<hbm>>) dst(%arg14 : memref<80x128xbf16, #tpu.memory_space<vmem>>)
    %dma_start3A_85 = arith.constant 9680 : i32
    %dma_start3A_86 = tpu.memref_slice %arg7[%dma_start3A_85] : memref<10000xi32, #tpu.memory_space<vmem>> -> memref<80xi32, #tpu.memory_space<vmem>>
    %dma_start3A_87 = arith.constant 0 : i32
    %dma_start3A_88 = arith.constant 0 : i32
    %dma_start3A_89 = tpu.memref_slice %arg11[%dma_start3A_87, %dma_start3A_88] : memref<10240x128xbf16, #tpu.memory_space<vmem_shared>> -> memref<10240x128xbf16, #tpu.memory_space<vmem_shared>>
    tpu.enqueue_indirect_dma source(%arg14 : memref<80x128xbf16, #tpu.memory_space<vmem>>) target(%dma_start3A_89 : memref<10240x128xbf16, #tpu.memory_space<vmem_shared>>) offsets(%dma_start3A_86 : memref<80xi32, #tpu.memory_space<vmem>>) semaphore(%arg24 : memref<!tpu.dma_semaphore, #tpu.memory_space<semaphore_mem>>) {add = true}
    %dma_start3A_90 = arith.constant 9680 : i32
    %dma_start3A_91 = tpu.memref_slice %arg7[%dma_start3A_90] : memref<10000xi32, #tpu.memory_space<vmem>> -> memref<80xi32, #tpu.memory_space<vmem>>
    %dma_start3A_92 = arith.constant 0 : i32
    %dma_start3A_93 = arith.constant 0 : i32
    %dma_start3A_94 = tpu.memref_slice %arg12[%dma_start3A_92, %dma_start3A_93] : memref<10240x32xbf16, #tpu.memory_space<vmem_shared>> -> memref<10240x32xbf16, #tpu.memory_space<vmem_shared>>
    tpu.enqueue_indirect_dma source(%arg8 : memref<80x32xbf16, #tpu.memory_space<vmem>>) target(%dma_start3A_94 : memref<10240x32xbf16, #tpu.memory_space<vmem_shared>>) offsets(%dma_start3A_91 : memref<80xi32, #tpu.memory_space<vmem>>) semaphore(%arg29 : memref<!tpu.dma_semaphore, #tpu.memory_space<semaphore_mem>>) {add = true}
    %dma_wait3A_95 = arith.constant 0 : i32
    %dma_wait3A_96 = arith.constant 0 : i32
    %dma_wait3A_97 = tpu.memref_slice %arg2[%dma_wait3A_95, %dma_wait3A_96] : memref<10000x128xbf16, #tpu.memory_space<hbm>> -> memref<80x128xbf16, #tpu.memory_space<hbm>>
    %dma_wait3A_98 = arith.constant 0 : i32
    %dma_wait3A_99 = arith.constant 0 : i32
    %dma_wait3A_100 = tpu.memref_slice %arg2[%dma_wait3A_98, %dma_wait3A_99] : memref<10000x128xbf16, #tpu.memory_space<hbm>> -> memref<80x128xbf16, #tpu.memory_space<hbm>>
    tpu.wait_dma2 semaphore(%arg20 : memref<!tpu.dma_semaphore, #tpu.memory_space<semaphore_mem>>) src(%dma_wait3A_100 : memref<80x128xbf16, #tpu.memory_space<hbm>>) dst(%arg15 : memref<80x128xbf16, #tpu.memory_space<vmem>>)
    %dma_start3A_101 = arith.constant 9760 : i32
    %dma_start3A_102 = tpu.memref_slice %arg7[%dma_start3A_101] : memref<10000xi32, #tpu.memory_space<vmem>> -> memref<80xi32, #tpu.memory_space<vmem>>
    %dma_start3A_103 = arith.constant 0 : i32
    %dma_start3A_104 = arith.constant 0 : i32
    %dma_start3A_105 = tpu.memref_slice %arg11[%dma_start3A_103, %dma_start3A_104] : memref<10240x128xbf16, #tpu.memory_space<vmem_shared>> -> memref<10240x128xbf16, #tpu.memory_space<vmem_shared>>
    tpu.enqueue_indirect_dma source(%arg15 : memref<80x128xbf16, #tpu.memory_space<vmem>>) target(%dma_start3A_105 : memref<10240x128xbf16, #tpu.memory_space<vmem_shared>>) offsets(%dma_start3A_102 : memref<80xi32, #tpu.memory_space<vmem>>) semaphore(%arg25 : memref<!tpu.dma_semaphore, #tpu.memory_space<semaphore_mem>>) {add = true}
    %dma_start3A_106 = arith.constant 9760 : i32
    %dma_start3A_107 = tpu.memref_slice %arg7[%dma_start3A_106] : memref<10000xi32, #tpu.memory_space<vmem>> -> memref<80xi32, #tpu.memory_space<vmem>>
    %dma_start3A_108 = arith.constant 0 : i32
    %dma_start3A_109 = arith.constant 0 : i32
    %dma_start3A_110 = tpu.memref_slice %arg12[%dma_start3A_108, %dma_start3A_109] : memref<10240x32xbf16, #tpu.memory_space<vmem_shared>> -> memref<10240x32xbf16, #tpu.memory_space<vmem_shared>>
    tpu.enqueue_indirect_dma source(%arg8 : memref<80x32xbf16, #tpu.memory_space<vmem>>) target(%dma_start3A_110 : memref<10240x32xbf16, #tpu.memory_space<vmem_shared>>) offsets(%dma_start3A_107 : memref<80xi32, #tpu.memory_space<vmem>>) semaphore(%arg30 : memref<!tpu.dma_semaphore, #tpu.memory_space<semaphore_mem>>) {add = true}
    %dma_wait3A_111 = arith.constant 0 : i32
    %dma_wait3A_112 = arith.constant 0 : i32
    %dma_wait3A_113 = tpu.memref_slice %arg2[%dma_wait3A_111, %dma_wait3A_112] : memref<10000x128xbf16, #tpu.memory_space<hbm>> -> memref<80x128xbf16, #tpu.memory_space<hbm>>
    %dma_wait3A_114 = arith.constant 0 : i32
    %dma_wait3A_115 = arith.constant 0 : i32
    %dma_wait3A_116 = tpu.memref_slice %arg2[%dma_wait3A_114, %dma_wait3A_115] : memref<10000x128xbf16, #tpu.memory_space<hbm>> -> memref<80x128xbf16, #tpu.memory_space<hbm>>
    tpu.wait_dma2 semaphore(%arg21 : memref<!tpu.dma_semaphore, #tpu.memory_space<semaphore_mem>>) src(%dma_wait3A_116 : memref<80x128xbf16, #tpu.memory_space<hbm>>) dst(%arg16 : memref<80x128xbf16, #tpu.memory_space<vmem>>)
    %dma_start3A_117 = arith.constant 9840 : i32
    %dma_start3A_118 = tpu.memref_slice %arg7[%dma_start3A_117] : memref<10000xi32, #tpu.memory_space<vmem>> -> memref<80xi32, #tpu.memory_space<vmem>>
    %dma_start3A_119 = arith.constant 0 : i32
    %dma_start3A_120 = arith.constant 0 : i32
    %dma_start3A_121 = tpu.memref_slice %arg11[%dma_start3A_119, %dma_start3A_120] : memref<10240x128xbf16, #tpu.memory_space<vmem_shared>> -> memref<10240x128xbf16, #tpu.memory_space<vmem_shared>>
    tpu.enqueue_indirect_dma source(%arg16 : memref<80x128xbf16, #tpu.memory_space<vmem>>) target(%dma_start3A_121 : memref<10240x128xbf16, #tpu.memory_space<vmem_shared>>) offsets(%dma_start3A_118 : memref<80xi32, #tpu.memory_space<vmem>>) semaphore(%arg26 : memref<!tpu.dma_semaphore, #tpu.memory_space<semaphore_mem>>) {add = true}
    %dma_start3A_122 = arith.constant 9840 : i32
    %dma_start3A_123 = tpu.memref_slice %arg7[%dma_start3A_122] : memref<10000xi32, #tpu.memory_space<vmem>> -> memref<80xi32, #tpu.memory_space<vmem>>
    %dma_start3A_124 = arith.constant 0 : i32
    %dma_start3A_125 = arith.constant 0 : i32
    %dma_start3A_126 = tpu.memref_slice %arg12[%dma_start3A_124, %dma_start3A_125] : memref<10240x32xbf16, #tpu.memory_space<vmem_shared>> -> memref<10240x32xbf16, #tpu.memory_space<vmem_shared>>
    tpu.enqueue_indirect_dma source(%arg8 : memref<80x32xbf16, #tpu.memory_space<vmem>>) target(%dma_start3A_126 : memref<10240x32xbf16, #tpu.memory_space<vmem_shared>>) offsets(%dma_start3A_123 : memref<80xi32, #tpu.memory_space<vmem>>) semaphore(%arg31 : memref<!tpu.dma_semaphore, #tpu.memory_space<semaphore_mem>>) {add = true}
    %dma_wait3A_127 = arith.constant 0 : i32
    %dma_wait3A_128 = arith.constant 0 : i32
    %dma_wait3A_129 = tpu.memref_slice %arg2[%dma_wait3A_127, %dma_wait3A_128] : memref<10000x128xbf16, #tpu.memory_space<hbm>> -> memref<80x128xbf16, #tpu.memory_space<hbm>>
    %dma_wait3A_130 = arith.constant 0 : i32
    %dma_wait3A_131 = arith.constant 0 : i32
    %dma_wait3A_132 = tpu.memref_slice %arg2[%dma_wait3A_130, %dma_wait3A_131] : memref<10000x128xbf16, #tpu.memory_space<hbm>> -> memref<80x128xbf16, #tpu.memory_space<hbm>>
    tpu.wait_dma2 semaphore(%arg22 : memref<!tpu.dma_semaphore, #tpu.memory_space<semaphore_mem>>) src(%dma_wait3A_132 : memref<80x128xbf16, #tpu.memory_space<hbm>>) dst(%arg17 : memref<80x128xbf16, #tpu.memory_space<vmem>>)
    %dma_start3A_133 = arith.constant 9920 : i32
    %dma_start3A_134 = tpu.memref_slice %arg7[%dma_start3A_133] : memref<10000xi32, #tpu.memory_space<vmem>> -> memref<80xi32, #tpu.memory_space<vmem>>
    %dma_start3A_135 = arith.constant 0 : i32
    %dma_start3A_136 = arith.constant 0 : i32
    %dma_start3A_137 = tpu.memref_slice %arg11[%dma_start3A_135, %dma_start3A_136] : memref<10240x128xbf16, #tpu.memory_space<vmem_shared>> -> memref<10240x128xbf16, #tpu.memory_space<vmem_shared>>
    tpu.enqueue_indirect_dma source(%arg17 : memref<80x128xbf16, #tpu.memory_space<vmem>>) target(%dma_start3A_137 : memref<10240x128xbf16, #tpu.memory_space<vmem_shared>>) offsets(%dma_start3A_134 : memref<80xi32, #tpu.memory_space<vmem>>) semaphore(%arg27 : memref<!tpu.dma_semaphore, #tpu.memory_space<semaphore_mem>>) {add = true}
    %dma_start3A_138 = arith.constant 9920 : i32
    %dma_start3A_139 = tpu.memref_slice %arg7[%dma_start3A_138] : memref<10000xi32, #tpu.memory_space<vmem>> -> memref<80xi32, #tpu.memory_space<vmem>>
    %dma_start3A_140 = arith.constant 0 : i32
    %dma_start3A_141 = arith.constant 0 : i32
    %dma_start3A_142 = tpu.memref_slice %arg12[%dma_start3A_140, %dma_start3A_141] : memref<10240x32xbf16, #tpu.memory_space<vmem_shared>> -> memref<10240x32xbf16, #tpu.memory_space<vmem_shared>>
    tpu.enqueue_indirect_dma source(%arg8 : memref<80x32xbf16, #tpu.memory_space<vmem>>) target(%dma_start3A_142 : memref<10240x32xbf16, #tpu.memory_space<vmem_shared>>) offsets(%dma_start3A_139 : memref<80xi32, #tpu.memory_space<vmem>>) semaphore(%arg32 : memref<!tpu.dma_semaphore, #tpu.memory_space<semaphore_mem>>) {add = true}
    %dma_wait3A_143 = arith.constant 9600 : i32
    %dma_wait3A_144 = tpu.memref_slice %arg7[%dma_wait3A_143] : memref<10000xi32, #tpu.memory_space<vmem>> -> memref<80xi32, #tpu.memory_space<vmem>>
    %dma_wait3A_145 = arith.constant 0 : i32
    %dma_wait3A_146 = arith.constant 0 : i32
    %dma_wait3A_147 = tpu.memref_slice %arg11[%dma_wait3A_145, %dma_wait3A_146] : memref<10240x128xbf16, #tpu.memory_space<vmem_shared>> -> memref<10240x128xbf16, #tpu.memory_space<vmem_shared>>
    tpu.wait_indirect_dma semaphore(%arg23 : memref<!tpu.dma_semaphore, #tpu.memory_space<semaphore_mem>>) src(%arg13 : memref<80x128xbf16, #tpu.memory_space<vmem>>) dst(%dma_wait3A_147 : memref<10240x128xbf16, #tpu.memory_space<vmem_shared>>)
    %dma_wait3A_148 = arith.constant 9600 : i32
    %dma_wait3A_149 = tpu.memref_slice %arg7[%dma_wait3A_148] : memref<10000xi32, #tpu.memory_space<vmem>> -> memref<80xi32, #tpu.memory_space<vmem>>
    %dma_wait3A_150 = arith.constant 0 : i32
    %dma_wait3A_151 = arith.constant 0 : i32
    %dma_wait3A_152 = tpu.memref_slice %arg12[%dma_wait3A_150, %dma_wait3A_151] : memref<10240x32xbf16, #tpu.memory_space<vmem_shared>> -> memref<10240x32xbf16, #tpu.memory_space<vmem_shared>>
    tpu.wait_indirect_dma semaphore(%arg28 : memref<!tpu.dma_semaphore, #tpu.memory_space<semaphore_mem>>) src(%arg8 : memref<80x32xbf16, #tpu.memory_space<vmem>>) dst(%dma_wait3A_152 : memref<10240x32xbf16, #tpu.memory_space<vmem_shared>>)
    %dma_wait3A_153 = arith.constant 9680 : i32
    %dma_wait3A_154 = tpu.memref_slice %arg7[%dma_wait3A_153] : memref<10000xi32, #tpu.memory_space<vmem>> -> memref<80xi32, #tpu.memory_space<vmem>>
    %dma_wait3A_155 = arith.constant 0 : i32
    %dma_wait3A_156 = arith.constant 0 : i32
    %dma_wait3A_157 = tpu.memref_slice %arg11[%dma_wait3A_155, %dma_wait3A_156] : memref<10240x128xbf16, #tpu.memory_space<vmem_shared>> -> memref<10240x128xbf16, #tpu.memory_space<vmem_shared>>
    tpu.wait_indirect_dma semaphore(%arg24 : memref<!tpu.dma_semaphore, #tpu.memory_space<semaphore_mem>>) src(%arg14 : memref<80x128xbf16, #tpu.memory_space<vmem>>) dst(%dma_wait3A_157 : memref<10240x128xbf16, #tpu.memory_space<vmem_shared>>)
    %dma_wait3A_158 = arith.constant 9680 : i32
    %dma_wait3A_159 = tpu.memref_slice %arg7[%dma_wait3A_158] : memref<10000xi32, #tpu.memory_space<vmem>> -> memref<80xi32, #tpu.memory_space<vmem>>
    %dma_wait3A_160 = arith.constant 0 : i32
    %dma_wait3A_161 = arith.constant 0 : i32
    %dma_wait3A_162 = tpu.memref_slice %arg12[%dma_wait3A_160, %dma_wait3A_161] : memref<10240x32xbf16, #tpu.memory_space<vmem_shared>> -> memref<10240x32xbf16, #tpu.memory_space<vmem_shared>>
    tpu.wait_indirect_dma semaphore(%arg29 : memref<!tpu.dma_semaphore, #tpu.memory_space<semaphore_mem>>) src(%arg8 : memref<80x32xbf16, #tpu.memory_space<vmem>>) dst(%dma_wait3A_162 : memref<10240x32xbf16, #tpu.memory_space<vmem_shared>>)
    %dma_wait3A_163 = arith.constant 9760 : i32
    %dma_wait3A_164 = tpu.memref_slice %arg7[%dma_wait3A_163] : memref<10000xi32, #tpu.memory_space<vmem>> -> memref<80xi32, #tpu.memory_space<vmem>>
    %dma_wait3A_165 = arith.constant 0 : i32
    %dma_wait3A_166 = arith.constant 0 : i32
    %dma_wait3A_167 = tpu.memref_slice %arg11[%dma_wait3A_165, %dma_wait3A_166] : memref<10240x128xbf16, #tpu.memory_space<vmem_shared>> -> memref<10240x128xbf16, #tpu.memory_space<vmem_shared>>
    tpu.wait_indirect_dma semaphore(%arg25 : memref<!tpu.dma_semaphore, #tpu.memory_space<semaphore_mem>>) src(%arg15 : memref<80x128xbf16, #tpu.memory_space<vmem>>) dst(%dma_wait3A_167 : memref<10240x128xbf16, #tpu.memory_space<vmem_shared>>)
    %dma_wait3A_168 = arith.constant 9760 : i32
    %dma_wait3A_169 = tpu.memref_slice %arg7[%dma_wait3A_168] : memref<10000xi32, #tpu.memory_space<vmem>> -> memref<80xi32, #tpu.memory_space<vmem>>
    %dma_wait3A_170 = arith.constant 0 : i32
    %dma_wait3A_171 = arith.constant 0 : i32
    %dma_wait3A_172 = tpu.memref_slice %arg12[%dma_wait3A_170, %dma_wait3A_171] : memref<10240x32xbf16, #tpu.memory_space<vmem_shared>> -> memref<10240x32xbf16, #tpu.memory_space<vmem_shared>>
    tpu.wait_indirect_dma semaphore(%arg30 : memref<!tpu.dma_semaphore, #tpu.memory_space<semaphore_mem>>) src(%arg8 : memref<80x32xbf16, #tpu.memory_space<vmem>>) dst(%dma_wait3A_172 : memref<10240x32xbf16, #tpu.memory_space<vmem_shared>>)
    %dma_wait3A_173 = arith.constant 9840 : i32
    %dma_wait3A_174 = tpu.memref_slice %arg7[%dma_wait3A_173] : memref<10000xi32, #tpu.memory_space<vmem>> -> memref<80xi32, #tpu.memory_space<vmem>>
    %dma_wait3A_175 = arith.constant 0 : i32
    %dma_wait3A_176 = arith.constant 0 : i32
    %dma_wait3A_177 = tpu.memref_slice %arg11[%dma_wait3A_175, %dma_wait3A_176] : memref<10240x128xbf16, #tpu.memory_space<vmem_shared>> -> memref<10240x128xbf16, #tpu.memory_space<vmem_shared>>
    tpu.wait_indirect_dma semaphore(%arg26 : memref<!tpu.dma_semaphore, #tpu.memory_space<semaphore_mem>>) src(%arg16 : memref<80x128xbf16, #tpu.memory_space<vmem>>) dst(%dma_wait3A_177 : memref<10240x128xbf16, #tpu.memory_space<vmem_shared>>)
    %dma_wait3A_178 = arith.constant 9840 : i32
    %dma_wait3A_179 = tpu.memref_slice %arg7[%dma_wait3A_178] : memref<10000xi32, #tpu.memory_space<vmem>> -> memref<80xi32, #tpu.memory_space<vmem>>
    %dma_wait3A_180 = arith.constant 0 : i32
    %dma_wait3A_181 = arith.constant 0 : i32
    %dma_wait3A_182 = tpu.memref_slice %arg12[%dma_wait3A_180, %dma_wait3A_181] : memref<10240x32xbf16, #tpu.memory_space<vmem_shared>> -> memref<10240x32xbf16, #tpu.memory_space<vmem_shared>>
    tpu.wait_indirect_dma semaphore(%arg31 : memref<!tpu.dma_semaphore, #tpu.memory_space<semaphore_mem>>) src(%arg8 : memref<80x32xbf16, #tpu.memory_space<vmem>>) dst(%dma_wait3A_182 : memref<10240x32xbf16, #tpu.memory_space<vmem_shared>>)
    %dma_wait3A_183 = arith.constant 9920 : i32
    %dma_wait3A_184 = tpu.memref_slice %arg7[%dma_wait3A_183] : memref<10000xi32, #tpu.memory_space<vmem>> -> memref<80xi32, #tpu.memory_space<vmem>>
    %dma_wait3A_185 = arith.constant 0 : i32
    %dma_wait3A_186 = arith.constant 0 : i32
    %dma_wait3A_187 = tpu.memref_slice %arg11[%dma_wait3A_185, %dma_wait3A_186] : memref<10240x128xbf16, #tpu.memory_space<vmem_shared>> -> memref<10240x128xbf16, #tpu.memory_space<vmem_shared>>
    tpu.wait_indirect_dma semaphore(%arg27 : memref<!tpu.dma_semaphore, #tpu.memory_space<semaphore_mem>>) src(%arg17 : memref<80x128xbf16, #tpu.memory_space<vmem>>) dst(%dma_wait3A_187 : memref<10240x128xbf16, #tpu.memory_space<vmem_shared>>)
    %dma_wait3A_188 = arith.constant 9920 : i32
    %dma_wait3A_189 = tpu.memref_slice %arg7[%dma_wait3A_188] : memref<10000xi32, #tpu.memory_space<vmem>> -> memref<80xi32, #tpu.memory_space<vmem>>
    %dma_wait3A_190 = arith.constant 0 : i32
    %dma_wait3A_191 = arith.constant 0 : i32
    %dma_wait3A_192 = tpu.memref_slice %arg12[%dma_wait3A_190, %dma_wait3A_191] : memref<10240x32xbf16, #tpu.memory_space<vmem_shared>> -> memref<10240x32xbf16, #tpu.memory_space<vmem_shared>>
    tpu.wait_indirect_dma semaphore(%arg32 : memref<!tpu.dma_semaphore, #tpu.memory_space<semaphore_mem>>) src(%arg8 : memref<80x32xbf16, #tpu.memory_space<vmem>>) dst(%dma_wait3A_192 : memref<10240x32xbf16, #tpu.memory_space<vmem_shared>>)
    %barrier3A_193 = arith.constant 0 : index
    tpu.barrier barrier_id(%barrier3A_193)
    %mul3A_194 = arith.constant 640 : i32
    %mul3A_195 = arith.muli %arg1, %mul3A_194 : i32
    %mul3A_196 = arith.constant 640 : i32
    %mul3A_197 = arith.muli %arg1, %mul3A_196 : i32
    "tpu.region"() ({
      %run_scoped3A_202 = tpu.sem_alloc : memref<!tpu.dma_semaphore, #tpu.memory_space<semaphore_mem>>
      %dma_start3A_203 = arith.constant 0 : i32
      %dma_start3A_204 = tpu.memref_slice %arg4[%arg0, %mul3A_197, %dma_start3A_203] : memref<2x10240x128xbf16, #tpu.memory_space<hbm>> -> memref<1x640x128xbf16, #tpu.memory_space<hbm>>
      %dma_start3A_205 = tpu.memref_squeeze %dma_start3A_204 : memref<1x640x128xbf16, #tpu.memory_space<hbm>> -> memref<640x128xbf16, #tpu.memory_space<hbm>>
      %dma_start3A_206 = arith.constant 0 : i32
      %dma_start3A_207 = tpu.memref_slice %arg11[%mul3A_195, %dma_start3A_206] : memref<10240x128xbf16, #tpu.memory_space<vmem_shared>> -> memref<640x128xbf16, #tpu.memory_space<vmem_shared>>
      tpu.enqueue_dma source(%dma_start3A_207 : memref<640x128xbf16, #tpu.memory_space<vmem_shared>>) target(%dma_start3A_205 : memref<640x128xbf16, #tpu.memory_space<hbm>>) target_semaphore(%run_scoped3A_202 : memref<!tpu.dma_semaphore, #tpu.memory_space<semaphore_mem>>)
      %dma_wait3A_208 = arith.constant 0 : i32
      %dma_wait3A_209 = tpu.memref_slice %arg4[%arg0, %mul3A_197, %dma_wait3A_208] : memref<2x10240x128xbf16, #tpu.memory_space<hbm>> -> memref<1x640x128xbf16, #tpu.memory_space<hbm>>
      %dma_wait3A_210 = tpu.memref_squeeze %dma_wait3A_209 : memref<1x640x128xbf16, #tpu.memory_space<hbm>> -> memref<640x128xbf16, #tpu.memory_space<hbm>>
      %dma_wait3A_211 = arith.constant 0 : i32
      %dma_wait3A_212 = tpu.memref_slice %arg11[%mul3A_195, %dma_wait3A_211] : memref<10240x128xbf16, #tpu.memory_space<vmem_shared>> -> memref<640x128xbf16, #tpu.memory_space<vmem_shared>>
      tpu.wait_dma2 semaphore(%run_scoped3A_202 : memref<!tpu.dma_semaphore, #tpu.memory_space<semaphore_mem>>) src(%dma_wait3A_212 : memref<640x128xbf16, #tpu.memory_space<vmem_shared>>) dst(%dma_wait3A_210 : memref<640x128xbf16, #tpu.memory_space<hbm>>)
      tpu.yield
    }) : () -> ()
    %mul3A_198 = arith.constant 640 : i32
    %mul3A_199 = arith.muli %arg1, %mul3A_198 : i32
    %mul3A_200 = arith.constant 640 : i32
    %mul3A_201 = arith.muli %arg1, %mul3A_200 : i32
    "tpu.region"() ({
      %run_scoped3A_202 = tpu.sem_alloc : memref<!tpu.dma_semaphore, #tpu.memory_space<semaphore_mem>>
      %dma_start3A_203 = arith.constant 0 : i32
      %dma_start3A_204 = tpu.memref_slice %arg5[%arg0, %mul3A_201, %dma_start3A_203] : memref<2x10240x32xbf16, #tpu.memory_space<hbm>> -> memref<1x640x32xbf16, #tpu.memory_space<hbm>>
      %dma_start3A_205 = tpu.memref_squeeze %dma_start3A_204 : memref<1x640x32xbf16, #tpu.memory_space<hbm>> -> memref<640x32xbf16, #tpu.memory_space<hbm>>
      %dma_start3A_206 = arith.constant 0 : i32
      %dma_start3A_207 = tpu.memref_slice %arg12[%mul3A_199, %dma_start3A_206] : memref<10240x32xbf16, #tpu.memory_space<vmem_shared>> -> memref<640x32xbf16, #tpu.memory_space<vmem_shared>>
      tpu.enqueue_dma source(%dma_start3A_207 : memref<640x32xbf16, #tpu.memory_space<vmem_shared>>) target(%dma_start3A_205 : memref<640x32xbf16, #tpu.memory_space<hbm>>) target_semaphore(%run_scoped3A_202 : memref<!tpu.dma_semaphore, #tpu.memory_space<semaphore_mem>>)
      %dma_wait3A_208 = arith.constant 0 : i32
      %dma_wait3A_209 = tpu.memref_slice %arg5[%arg0, %mul3A_201, %dma_wait3A_208] : memref<2x10240x32xbf16, #tpu.memory_space<hbm>> -> memref<1x640x32xbf16, #tpu.memory_space<hbm>>
      %dma_wait3A_210 = tpu.memref_squeeze %dma_wait3A_209 : memref<1x640x32xbf16, #tpu.memory_space<hbm>> -> memref<640x32xbf16, #tpu.memory_space<hbm>>
      %dma_wait3A_211 = arith.constant 0 : i32
      %dma_wait3A_212 = tpu.memref_slice %arg12[%mul3A_199, %dma_wait3A_211] : memref<10240x32xbf16, #tpu.memory_space<vmem_shared>> -> memref<640x32xbf16, #tpu.memory_space<vmem_shared>>
      tpu.wait_dma2 semaphore(%run_scoped3A_202 : memref<!tpu.dma_semaphore, #tpu.memory_space<semaphore_mem>>) src(%dma_wait3A_212 : memref<640x32xbf16, #tpu.memory_space<vmem_shared>>) dst(%dma_wait3A_210 : memref<640x32xbf16, #tpu.memory_space<hbm>>)
      tpu.yield
    }) : () -> ()
    return
  }
}

module attributes {stable_mosaic.version = 14 : i64} {
  func.func @body(%arg0: i32, %arg1: memref<2x2000x128xbf16, #tpu.memory_space<vmem>>, %arg2: memref<2x2000x32xbf16, #tpu.memory_space<vmem>>, %arg3: memref<2000x128xf32, #tpu.memory_space<vmem>>, %arg4: memref<128x128xf32, #tpu.memory_space<vmem>>, %arg5: memref<128x128xf32, #tpu.memory_space<vmem>>, %arg6: memref<1x128xf32, #tpu.memory_space<vmem>>, %arg7: memref<2000x128xf32, #tpu.memory_space<vmem>>, %arg8: memref<2000x128xbf16, #tpu.memory_space<vmem>>) attributes {dimension_semantics = [#tpu.dimension_semantics<arbitrary>], iteration_bounds = array<i64: 5>, scalar_prefetch = 0 : i64, scratch_operands = 0 : i64, tpu.core_type = #tpu.core_type<tc>, window_params = [{transform_indices = @transform_0, window_bounds = array<i64: 2, 2000, 128>}, {transform_indices = @transform_1, window_bounds = array<i64: 2, 2000, 32>}, {transform_indices = @transform_2, window_bounds = array<i64: 2000, 128>}, {pipeline_mode = #tpu.pipeline_mode<synchronous>, transform_indices = @transform_3, window_bounds = array<i64: 128, 128>}, {pipeline_mode = #tpu.pipeline_mode<synchronous>, transform_indices = @transform_4, window_bounds = array<i64: 128, 128>}, {pipeline_mode = #tpu.pipeline_mode<synchronous>, transform_indices = @transform_5, window_bounds = array<i64: 1, 128>}, {transform_indices = @transform_6, window_bounds = array<i64: 2000, 128>}, {transform_indices = @transform_7, window_bounds = array<i64: 2000, 128>}]} {
    %get3A = arith.constant 0 : index
    %get3A_0 = arith.constant 0 : index
    %get3A_1 = arith.constant 0 : index
    %get3A_2 = vector.load %arg1[%get3A, %get3A_0, %get3A_1] : memref<2x2000x128xbf16, #tpu.memory_space<vmem>>, vector<1x2000x128xbf16>
    %get3A_3 = vector.shape_cast %get3A_2 : vector<1x2000x128xbf16> to vector<2000x128xbf16>
    %convert_element_type3A = arith.extf %get3A_3 : vector<2000x128xbf16> to vector<2000x128xf32>
    %get3A_4 = arith.constant 1 : index
    %get3A_5 = arith.constant 0 : index
    %get3A_6 = arith.constant 0 : index
    %get3A_7 = vector.load %arg1[%get3A_4, %get3A_5, %get3A_6] : memref<2x2000x128xbf16, #tpu.memory_space<vmem>>, vector<1x2000x128xbf16>
    %get3A_8 = vector.shape_cast %get3A_7 : vector<1x2000x128xbf16> to vector<2000x128xbf16>
    %convert_element_type3A_9 = arith.extf %get3A_8 : vector<2000x128xbf16> to vector<2000x128xf32>
    %add3A = arith.addf %convert_element_type3A, %convert_element_type3A_9 : vector<2000x128xf32>
    %get3A_10 = arith.constant 0 : index
    %get3A_11 = arith.constant 0 : index
    %get3A_12 = arith.constant 0 : index
    %get3A_13 = vector.load %arg2[%get3A_10, %get3A_11, %get3A_12] : memref<2x2000x32xbf16, #tpu.memory_space<vmem>>, vector<1x2000x1xbf16>
    %get3A_14 = vector.shape_cast %get3A_13 : vector<1x2000x1xbf16> to vector<2000x1xbf16>
    %convert_element_type3A_15 = arith.extf %get3A_14 : vector<2000x1xbf16> to vector<2000x1xf32>
    %get3A_16 = arith.constant 1 : index
    %get3A_17 = arith.constant 0 : index
    %get3A_18 = arith.constant 0 : index
    %get3A_19 = vector.load %arg2[%get3A_16, %get3A_17, %get3A_18] : memref<2x2000x32xbf16, #tpu.memory_space<vmem>>, vector<1x2000x1xbf16>
    %get3A_20 = vector.shape_cast %get3A_19 : vector<1x2000x1xbf16> to vector<2000x1xbf16>
    %convert_element_type3A_21 = arith.extf %get3A_20 : vector<2000x1xbf16> to vector<2000x1xf32>
    %add3A_22 = arith.addf %convert_element_type3A_15, %convert_element_type3A_21 : vector<2000x1xf32>
    %max3A = arith.constant 1.000000e+00 : f32
    %max3A_23 = vector.broadcast %max3A : f32 to vector<2000x1xf32>
    %max3A_24 = arith.maximumf %add3A_22, %max3A_23 : vector<2000x1xf32>
    %div3A = vector.broadcast %max3A_24 : vector<2000x1xf32> to vector<2000x128xf32>
    %div3A_25 = arith.divf %add3A, %div3A : vector<2000x128xf32>
    %get3A_26 = arith.constant 0 : index
    %get3A_27 = arith.constant 0 : index
    %get3A_28 = vector.load %arg4[%get3A_26, %get3A_27] : memref<128x128xf32, #tpu.memory_space<vmem>>, vector<128x128xf32>
    %dot_general3A = arith.constant dense<0.000000e+00> : vector<2000x128xf32>
    %dot_general3A_29 = tpu.matmul %div3A_25, %get3A_28, %dot_general3A {dimension_numbers = #tpu.dot_dimension_numbers<[1], [0], [0], [1], [0, 0, 1, 1], [], []>, transpose_lhs_hint = false} : vector<2000x128xf32>, vector<128x128xf32>, vector<2000x128xf32> -> vector<2000x128xf32>
    %get3A_30 = arith.constant 0 : index
    %get3A_31 = arith.constant 0 : index
    %get3A_32 = vector.load %arg3[%get3A_30, %get3A_31] : memref<2000x128xf32, #tpu.memory_space<vmem>>, vector<2000x128xf32>
    %get3A_33 = arith.constant 0 : index
    %get3A_34 = arith.constant 0 : index
    %get3A_35 = vector.load %arg5[%get3A_33, %get3A_34] : memref<128x128xf32, #tpu.memory_space<vmem>>, vector<128x128xf32>
    %dot_general3A_36 = arith.constant dense<0.000000e+00> : vector<2000x128xf32>
    %dot_general3A_37 = tpu.matmul %get3A_32, %get3A_35, %dot_general3A_36 {dimension_numbers = #tpu.dot_dimension_numbers<[1], [0], [0], [1], [0, 0, 1, 1], [], []>, transpose_lhs_hint = false} : vector<2000x128xf32>, vector<128x128xf32>, vector<2000x128xf32> -> vector<2000x128xf32>
    %add3A_38 = arith.addf %dot_general3A_29, %dot_general3A_37 : vector<2000x128xf32>
    %get3A_39 = arith.constant 0 : index
    %get3A_40 = arith.constant 0 : index
    %get3A_41 = vector.load %arg6[%get3A_39, %get3A_40] : memref<1x128xf32, #tpu.memory_space<vmem>>, vector<1x128xf32>
    %add3A_42 = vector.broadcast %get3A_41 : vector<1x128xf32> to vector<2000x128xf32>
    %add3A_43 = arith.addf %add3A_38, %add3A_42 : vector<2000x128xf32>
    %max3A_44 = arith.constant 0.000000e+00 : f32
    %max3A_45 = vector.broadcast %max3A_44 : f32 to vector<2000x128xf32>
    %max3A_46 = arith.maximumf %add3A_43, %max3A_45 : vector<2000x128xf32>
    %swap3A = arith.constant 0 : index
    %swap3A_47 = arith.constant 0 : index
    %swap3A_48 = vector.load %arg7[%swap3A, %swap3A_47] : memref<2000x128xf32, #tpu.memory_space<vmem>>, vector<2000x128xf32>
    tpu.vector_store %arg7[%swap3A, %swap3A_47], %max3A_46 {strides = array<i32>} : memref<2000x128xf32, #tpu.memory_space<vmem>>, vector<2000x128xf32>,
    %convert_element_type3A_49 = arith.truncf %max3A_46 : vector<2000x128xf32> to vector<2000x128xbf16>
    %swap3A_50 = arith.constant 0 : index
    %swap3A_51 = arith.constant 0 : index
    %swap3A_52 = vector.load %arg8[%swap3A_50, %swap3A_51] : memref<2000x128xbf16, #tpu.memory_space<vmem>>, vector<2000x128xbf16>
    tpu.vector_store %arg8[%swap3A_50, %swap3A_51], %convert_element_type3A_49 {strides = array<i32>} : memref<2000x128xbf16, #tpu.memory_space<vmem>>, vector<2000x128xbf16>,
    return
  }
  func.func @transform_0(%arg0: i32) -> (i32, i32, i32) {
    %c0_i32 = arith.constant 0 : i32
    %c0_i32_0 = arith.constant 0 : i32
    %c0_i32_1 = arith.constant 0 : i32
    return %c0_i32, %arg0, %c0_i32_0 : i32, i32, i32
  }
  func.func @transform_1(%arg0: i32) -> (i32, i32, i32) {
    %c0_i32 = arith.constant 0 : i32
    %c0_i32_0 = arith.constant 0 : i32
    %c0_i32_1 = arith.constant 0 : i32
    return %c0_i32, %arg0, %c0_i32_0 : i32, i32, i32
  }
  func.func @transform_2(%arg0: i32) -> (i32, i32) {
    %c0_i32 = arith.constant 0 : i32
    %c0_i32_0 = arith.constant 0 : i32
    return %arg0, %c0_i32 : i32, i32
  }
  func.func @transform_3(%arg0: i32) -> (i32, i32) {
    %c0_i32 = arith.constant 0 : i32
    %c0_i32_0 = arith.constant 0 : i32
    %c0_i32_1 = arith.constant 0 : i32
    return %c0_i32, %c0_i32_0 : i32, i32
  }
  func.func @transform_4(%arg0: i32) -> (i32, i32) {
    %c0_i32 = arith.constant 0 : i32
    %c0_i32_0 = arith.constant 0 : i32
    %c0_i32_1 = arith.constant 0 : i32
    return %c0_i32, %c0_i32_0 : i32, i32
  }
  func.func @transform_5(%arg0: i32) -> (i32, i32) {
    %c0_i32 = arith.constant 0 : i32
    %c0_i32_0 = arith.constant 0 : i32
    %c0_i32_1 = arith.constant 0 : i32
    return %c0_i32, %c0_i32_0 : i32, i32
  }
  func.func @transform_6(%arg0: i32) -> (i32, i32) {
    %c0_i32 = arith.constant 0 : i32
    %c0_i32_0 = arith.constant 0 : i32
    return %arg0, %c0_i32 : i32, i32
  }
  func.func @transform_7(%arg0: i32) -> (i32, i32) {
    %c0_i32 = arith.constant 0 : i32
    %c0_i32_0 = arith.constant 0 : i32
    return %arg0, %c0_i32 : i32, i32
  }
}

module attributes {stable_mosaic.version = 14 : i64} {
  func.func @body(%arg0: i32, %arg1: memref<2x2000x128xbf16, #tpu.memory_space<vmem>>, %arg2: memref<2x2000x32xbf16, #tpu.memory_space<vmem>>, %arg3: memref<2000x128xf32, #tpu.memory_space<vmem>>, %arg4: memref<128x128xf32, #tpu.memory_space<vmem>>, %arg5: memref<128x128xf32, #tpu.memory_space<vmem>>, %arg6: memref<1x128xf32, #tpu.memory_space<vmem>>, %arg7: memref<128x128xf32, #tpu.memory_space<vmem>>, %arg8: memref<1x128xf32, #tpu.memory_space<vmem>>, %arg9: memref<2000x128xf32, #tpu.memory_space<vmem>>) attributes {dimension_semantics = [#tpu.dimension_semantics<arbitrary>], iteration_bounds = array<i64: 5>, scalar_prefetch = 0 : i64, scratch_operands = 0 : i64, tpu.core_type = #tpu.core_type<tc>, window_params = [{transform_indices = @transform_0, window_bounds = array<i64: 2, 2000, 128>}, {transform_indices = @transform_1, window_bounds = array<i64: 2, 2000, 32>}, {transform_indices = @transform_2, window_bounds = array<i64: 2000, 128>}, {pipeline_mode = #tpu.pipeline_mode<synchronous>, transform_indices = @transform_3, window_bounds = array<i64: 128, 128>}, {pipeline_mode = #tpu.pipeline_mode<synchronous>, transform_indices = @transform_4, window_bounds = array<i64: 128, 128>}, {pipeline_mode = #tpu.pipeline_mode<synchronous>, transform_indices = @transform_5, window_bounds = array<i64: 1, 128>}, {pipeline_mode = #tpu.pipeline_mode<synchronous>, transform_indices = @transform_6, window_bounds = array<i64: 128, 128>}, {pipeline_mode = #tpu.pipeline_mode<synchronous>, transform_indices = @transform_7, window_bounds = array<i64: 1, 128>}, {transform_indices = @transform_8, window_bounds = array<i64: 2000, 128>}]} {
    %get3A = arith.constant 0 : index
    %get3A_0 = arith.constant 0 : index
    %get3A_1 = arith.constant 0 : index
    %get3A_2 = vector.load %arg1[%get3A, %get3A_0, %get3A_1] : memref<2x2000x128xbf16, #tpu.memory_space<vmem>>, vector<1x2000x128xbf16>
    %get3A_3 = vector.shape_cast %get3A_2 : vector<1x2000x128xbf16> to vector<2000x128xbf16>
    %convert_element_type3A = arith.extf %get3A_3 : vector<2000x128xbf16> to vector<2000x128xf32>
    %get3A_4 = arith.constant 1 : index
    %get3A_5 = arith.constant 0 : index
    %get3A_6 = arith.constant 0 : index
    %get3A_7 = vector.load %arg1[%get3A_4, %get3A_5, %get3A_6] : memref<2x2000x128xbf16, #tpu.memory_space<vmem>>, vector<1x2000x128xbf16>
    %get3A_8 = vector.shape_cast %get3A_7 : vector<1x2000x128xbf16> to vector<2000x128xbf16>
    %convert_element_type3A_9 = arith.extf %get3A_8 : vector<2000x128xbf16> to vector<2000x128xf32>
    %add3A = arith.addf %convert_element_type3A, %convert_element_type3A_9 : vector<2000x128xf32>
    %get3A_10 = arith.constant 0 : index
    %get3A_11 = arith.constant 0 : index
    %get3A_12 = arith.constant 0 : index
    %get3A_13 = vector.load %arg2[%get3A_10, %get3A_11, %get3A_12] : memref<2x2000x32xbf16, #tpu.memory_space<vmem>>, vector<1x2000x1xbf16>
    %get3A_14 = vector.shape_cast %get3A_13 : vector<1x2000x1xbf16> to vector<2000x1xbf16>
    %convert_element_type3A_15 = arith.extf %get3A_14 : vector<2000x1xbf16> to vector<2000x1xf32>
    %get3A_16 = arith.constant 1 : index
    %get3A_17 = arith.constant 0 : index
    %get3A_18 = arith.constant 0 : index
    %get3A_19 = vector.load %arg2[%get3A_16, %get3A_17, %get3A_18] : memref<2x2000x32xbf16, #tpu.memory_space<vmem>>, vector<1x2000x1xbf16>
    %get3A_20 = vector.shape_cast %get3A_19 : vector<1x2000x1xbf16> to vector<2000x1xbf16>
    %convert_element_type3A_21 = arith.extf %get3A_20 : vector<2000x1xbf16> to vector<2000x1xf32>
    %add3A_22 = arith.addf %convert_element_type3A_15, %convert_element_type3A_21 : vector<2000x1xf32>
    %max3A = arith.constant 1.000000e+00 : f32
    %max3A_23 = vector.broadcast %max3A : f32 to vector<2000x1xf32>
    %max3A_24 = arith.maximumf %add3A_22, %max3A_23 : vector<2000x1xf32>
    %div3A = vector.broadcast %max3A_24 : vector<2000x1xf32> to vector<2000x128xf32>
    %div3A_25 = arith.divf %add3A, %div3A : vector<2000x128xf32>
    %get3A_26 = arith.constant 0 : index
    %get3A_27 = arith.constant 0 : index
    %get3A_28 = vector.load %arg4[%get3A_26, %get3A_27] : memref<128x128xf32, #tpu.memory_space<vmem>>, vector<128x128xf32>
    %dot_general3A = arith.constant dense<0.000000e+00> : vector<2000x128xf32>
    %dot_general3A_29 = tpu.matmul %div3A_25, %get3A_28, %dot_general3A {dimension_numbers = #tpu.dot_dimension_numbers<[1], [0], [0], [1], [0, 0, 1, 1], [], []>, transpose_lhs_hint = false} : vector<2000x128xf32>, vector<128x128xf32>, vector<2000x128xf32> -> vector<2000x128xf32>
    %get3A_30 = arith.constant 0 : index
    %get3A_31 = arith.constant 0 : index
    %get3A_32 = vector.load %arg3[%get3A_30, %get3A_31] : memref<2000x128xf32, #tpu.memory_space<vmem>>, vector<2000x128xf32>
    %get3A_33 = arith.constant 0 : index
    %get3A_34 = arith.constant 0 : index
    %get3A_35 = vector.load %arg5[%get3A_33, %get3A_34] : memref<128x128xf32, #tpu.memory_space<vmem>>, vector<128x128xf32>
    %dot_general3A_36 = arith.constant dense<0.000000e+00> : vector<2000x128xf32>
    %dot_general3A_37 = tpu.matmul %get3A_32, %get3A_35, %dot_general3A_36 {dimension_numbers = #tpu.dot_dimension_numbers<[1], [0], [0], [1], [0, 0, 1, 1], [], []>, transpose_lhs_hint = false} : vector<2000x128xf32>, vector<128x128xf32>, vector<2000x128xf32> -> vector<2000x128xf32>
    %add3A_38 = arith.addf %dot_general3A_29, %dot_general3A_37 : vector<2000x128xf32>
    %get3A_39 = arith.constant 0 : index
    %get3A_40 = arith.constant 0 : index
    %get3A_41 = vector.load %arg6[%get3A_39, %get3A_40] : memref<1x128xf32, #tpu.memory_space<vmem>>, vector<1x128xf32>
    %add3A_42 = vector.broadcast %get3A_41 : vector<1x128xf32> to vector<2000x128xf32>
    %add3A_43 = arith.addf %add3A_38, %add3A_42 : vector<2000x128xf32>
    %max3A_44 = arith.constant 0.000000e+00 : f32
    %max3A_45 = vector.broadcast %max3A_44 : f32 to vector<2000x128xf32>
    %max3A_46 = arith.maximumf %add3A_43, %max3A_45 : vector<2000x128xf32>
    %get3A_47 = arith.constant 0 : index
    %get3A_48 = arith.constant 0 : index
    %get3A_49 = vector.load %arg7[%get3A_47, %get3A_48] : memref<128x128xf32, #tpu.memory_space<vmem>>, vector<128x128xf32>
    %dot_general3A_50 = arith.constant dense<0.000000e+00> : vector<2000x128xf32>
    %dot_general3A_51 = tpu.matmul %max3A_46, %get3A_49, %dot_general3A_50 {dimension_numbers = #tpu.dot_dimension_numbers<[1], [0], [0], [1], [0, 0, 1, 1], [], []>, transpose_lhs_hint = false} : vector<2000x128xf32>, vector<128x128xf32>, vector<2000x128xf32> -> vector<2000x128xf32>
    %get3A_52 = arith.constant 0 : index
    %get3A_53 = arith.constant 0 : index
    %get3A_54 = vector.load %arg8[%get3A_52, %get3A_53] : memref<1x128xf32, #tpu.memory_space<vmem>>, vector<1x128xf32>
    %add3A_55 = vector.broadcast %get3A_54 : vector<1x128xf32> to vector<2000x128xf32>
    %add3A_56 = arith.addf %dot_general3A_51, %add3A_55 : vector<2000x128xf32>
    %swap3A = arith.constant 0 : index
    %swap3A_57 = arith.constant 0 : index
    %swap3A_58 = vector.load %arg9[%swap3A, %swap3A_57] : memref<2000x128xf32, #tpu.memory_space<vmem>>, vector<2000x128xf32>
    tpu.vector_store %arg9[%swap3A, %swap3A_57], %add3A_56 {strides = array<i32>} : memref<2000x128xf32, #tpu.memory_space<vmem>>, vector<2000x128xf32>,
    return
  }
  func.func @transform_0(%arg0: i32) -> (i32, i32, i32) {
    %c0_i32 = arith.constant 0 : i32
    %c0_i32_0 = arith.constant 0 : i32
    %c0_i32_1 = arith.constant 0 : i32
    return %c0_i32, %arg0, %c0_i32_0 : i32, i32, i32
  }
  func.func @transform_1(%arg0: i32) -> (i32, i32, i32) {
    %c0_i32 = arith.constant 0 : i32
    %c0_i32_0 = arith.constant 0 : i32
    %c0_i32_1 = arith.constant 0 : i32
    return %c0_i32, %arg0, %c0_i32_0 : i32, i32, i32
  }
  func.func @transform_2(%arg0: i32) -> (i32, i32) {
    %c0_i32 = arith.constant 0 : i32
    %c0_i32_0 = arith.constant 0 : i32
    return %arg0, %c0_i32 : i32, i32
  }
  func.func @transform_3(%arg0: i32) -> (i32, i32) {
    %c0_i32 = arith.constant 0 : i32
    %c0_i32_0 = arith.constant 0 : i32
    %c0_i32_1 = arith.constant 0 : i32
    return %c0_i32, %c0_i32_0 : i32, i32
  }
  func.func @transform_4(%arg0: i32) -> (i32, i32) {
    %c0_i32 = arith.constant 0 : i32
    %c0_i32_0 = arith.constant 0 : i32
    %c0_i32_1 = arith.constant 0 : i32
    return %c0_i32, %c0_i32_0 : i32, i32
  }
  func.func @transform_5(%arg0: i32) -> (i32, i32) {
    %c0_i32 = arith.constant 0 : i32
    %c0_i32_0 = arith.constant 0 : i32
    %c0_i32_1 = arith.constant 0 : i32
    return %c0_i32, %c0_i32_0 : i32, i32
  }
  func.func @transform_6(%arg0: i32) -> (i32, i32) {
    %c0_i32 = arith.constant 0 : i32
    %c0_i32_0 = arith.constant 0 : i32
    %c0_i32_1 = arith.constant 0 : i32
    return %c0_i32, %c0_i32_0 : i32, i32
  }
  func.func @transform_7(%arg0: i32) -> (i32, i32) {
    %c0_i32 = arith.constant 0 : i32
    %c0_i32_0 = arith.constant 0 : i32
    %c0_i32_1 = arith.constant 0 : i32
    return %c0_i32, %c0_i32_0 : i32, i32
  }
  func.func @transform_8(%arg0: i32) -> (i32, i32) {
    %c0_i32 = arith.constant 0 : i32
    %c0_i32_0 = arith.constant 0 : i32
    return %arg0, %c0_i32 : i32, i32
  }
}

</mosaic_0001>

<sc_bundles>
// kernel: kernel.6.cloned.1.call-start
scs
__scs_entry_jumppad:
0x0: {  	(pc) =	sbr.rel $0x88, $3  }
0x1: {  	(tag) =	ssettag $0x0;
	lr =	simm.s32 $0x1  }
0x2: {  	[smem:$0x3F97] =	sst lr;
	_ =	strace $0xD0000000  }
0x3: {  	_ = 	snop  }
0x4: {  	_ = 	snop  }
0x5: {  	_ = 	snop  }
0x6: {  	_ = 	snop  }
0x7: {  	_ = 	snop  }
__scs_overlays_trampoline_lowered:
0x8: {  	[smem:$0x3FA6] =	sst s0  }
0x9: {  	[smem:$0x3FA7] =	sst s1  }
0xa: {  	[smem:$0x3FA8] =	sst s2  }
0xb: {  	[smem:$0x3FA9] =	sst s3  }
0xc: {  	[smem:$0x3FAA] =	sst s4  }
0xd: {  	[smem:$0x3FAB] =	sst s5  }
0xe: {  	[smem:$0x3FAC] =	sst s6  }
0xf: {  	[smem:$0x3FAD] =	sst s7  }
0x10: {  	[smem:$0x3FAE] =	sst s8  }
0x11: {  	[smem:$0x3FAF] =	sst s9;
	s0 =	simm.s32 @!p0 $0x0  }
0x12: {  	s1 =	sld [smem:$0x3F95];
	s0 =	simm.s32 @p0 $0x1  }
0x13: {  	[smem:$0x3FB0] =	sst s0;
	s0 =	simm.s32 @!p1 $0x0  }
0x14: {  	s2 =	sld [smem:$0x3F94];
	s0 =	simm.s32 @p1 $0x1  }
0x15: {  	[smem:$0x3FB1] =	sst s0;
	s0 =	simm.s32 @!p2 $0x0  }
0x16: {  	s3 =	sld [smem:$0x3FDB];
	s0 =	simm.s32 @p2 $0x1  }
0x17: {  	s4 =	simm.s32 $0x1BF5;
	[smem:$0x3FB3] =	sst s0  }
0x18: {  	s0 =	sld [smem:$0x3F96];
	_ =	swait.ge [sflag:s4], $0x0  }
0x19: {  	s7 =	sld [smem:$0x3F97]  }
0x1a: {  	s8 =	sadd.s32 $0xFFFFE003, lr  }
0x1b: {  	s9 =	sadd.s32 $0xFFFFFEF7, lr;
	s5 =	simm.s32 $0xFFFFFFFF;
	p2 =	slt.u32 s8, $0xFFFFF086  }
0x1c: {  	p1 =	slt.u32 s9, $0xF7A;
	s5 =	simm.s32 @!p2 $0x0  }
0x1d: {  	s5 =	simm.s32 @p1 $0x1;
	p0 =	seq.s32 s7, s2  }
0x1e: {  	s7 =	smul.u32 @!p0 $0xF7A, s2;
	p2 =	seq.s32 @!p0 s5, $0x0  }
0x1f: {  	s9 =	smul.u32 $0xF7A, s1;
	s8 =	simm.s32 @!p0 $0x1BF5;
	p2 =	por !p2, p0  }
0x20: {  	[sflag:s8] =	ssyncset.s32 @!p0 $0xFFFFF086;
	s6 =	sadd.s32 @!p0 s3, s7;
	s7 =	simm.s32 @!p0 $0x108  }
0x21: {  	s3 =	sadd.s32 s3, s9;
	s6 =	sadd.s32 @!p0 $0x88, s6;
	s7 =	simm.s32 @p2 $0x1082  }
0x22: {  	[simem:s7], [sflag:s8] =	dma.local @!p0 [hbm:s6], $0xF7A  }
0x23: {  	s9 =	sor.u32 $0xD0000000, s2;
	s6 =	simm.s32 $0x108;
	_ =	swait.ge @!p0 [sflag:s8], $0x0  }
0x24: {  	s3 =	sadd.s32 $0x88, s3;
	s6 =	simm.s32 @!p1 $0x1082;
	[sflag:s4] =	ssyncset.s32 $0xFFFFF086  }
0x25: {  	[simem:s6], [sflag:s4] =	dma.local [hbm:s3], $0xF7A  }
0x26: {  	[smem:$0x3F97] =	sst s1;
	(tag) =	ssettag s2;
	_ =	strace s9  }
0x27: {  	s1 =	sld [smem:$0x3FA7]  }
0x28: {  	s2 =	sld [smem:$0x3FA8]  }
0x29: {  	s4 =	sld [smem:$0x3FAA]  }
0x2a: {  	p0 =	seq.s32 s5, $0x0;
	s5 =	sld [smem:$0x3FAB]  }
0x2b: {  	s6 =	sld [smem:$0x3FAC]  }
0x2c: {  	s7 =	sld [smem:$0x3FAD]  }
0x2d: {  	s3 =	simm.s32 $0x108;
	s8 =	sld [smem:$0x3FAE]  }
0x2e: {  	s3 =	simm.s32 @!p0 $0x1082;
	s9 =	sld [smem:$0x3FAF]  }
0x2f: {  	lr =	sadd.s32 s0, s3;
	s0 =	sld [smem:$0x3FA6]  }
0x30: {  	s3 =	sld [smem:$0x3FA9]  }
0x31: {  	[smem:$0x3FB2] =	sst s10  }
0x32: {  	s10 =	sld [smem:$0x3FB0];
	_ =	sdelay $0x3  }
0x33: {  	p0 =	seq.s32 s10, $0x1;
	s10 =	sld [smem:$0x3FB2];
	_ =	sdelay $0x3  }
0x34: {  	[smem:$0x3FB2] =	sst s10  }
0x35: {  	s10 =	sld [smem:$0x3FB1];
	_ =	sdelay $0x3  }
0x36: {  	p1 =	seq.s32 s10, $0x1;
	s10 =	sld [smem:$0x3FB2];
	_ =	sdelay $0x3  }
0x37: {  	[smem:$0x3FB2] =	sst s10  }
0x38: {  	s10 =	sld [smem:$0x3FB3]  }
0x39: {  	_ = 	snop;
	(pc) =	sbr.ind lr, $3  }
0x3a: {  	_ = 	snop  }
0x3b: {  	_ = 	snop  }
0x3c: {  	p2 =	seq.s32 s10, $0x1;
	s10 =	sld [smem:$0x3FB2]  }
0x3d: {  	_ =	shalt  }
0x3e: {  	_ =	shalt  }
0x3f: {  	_ =	shalt  }
0x40: {  	_ =	shalt  }
0x41: {  	_ =	shalt  }
0x42: {  	_ =	shalt  }
0x43: {  	_ =	shalt  }
0x44: {  	_ =	shalt  }
0x45: {  	_ =	shalt  }
0x46: {  	_ =	shalt  }
0x47: {  	_ =	shalt  }
0x48: {  	_ =	shalt  }
0x49: {  	_ =	shalt  }
0x4a: {  	_ =	shalt  }
0x4b: {  	_ =	shalt  }
0x4c: {  	_ =	shalt  }
0x4d: {  	_ =	shalt  }
0x4e: {  	_ =	shalt  }
0x4f: {  	_ =	shalt  }
0x50: {  	_ =	shalt  }
0x51: {  	_ =	shalt  }
0x52: {  	_ =	shalt  }
0x53: {  	_ =	shalt  }
0x54: {  	_ =	shalt  }
0x55: {  	_ =	shalt  }
0x56: {  	_ =	shalt  }
0x57: {  	_ =	shalt  }
0x58: {  	_ =	shalt  }
0x59: {  	_ =	shalt  }
0x5a: {  	_ =	shalt  }
0x5b: {  	_ =	shalt  }
0x5c: {  	_ =	shalt  }
0x5d: {  	_ =	shalt  }
0x5e: {  	_ =	shalt  }
0x5f: {  	_ =	shalt  }
0x60: {  	_ =	shalt  }
0x61: {  	_ =	shalt  }
0x62: {  	_ =	shalt  }
0x63: {  	_ =	shalt  }
0x64: {  	_ =	shalt  }
0x65: {  	_ =	shalt  }
0x66: {  	_ =	shalt  }
0x67: {  	_ =	shalt  }
0x68: {  	_ =	shalt  }
0x69: {  	_ =	shalt  }
0x6a: {  	_ =	shalt  }
0x6b: {  	_ =	shalt  }
0x6c: {  	_ =	shalt  }
0x6d: {  	_ =	shalt  }
0x6e: {  	_ =	shalt  }
0x6f: {  	_ =	shalt  }
0x70: {  	_ =	shalt  }
0x71: {  	_ =	shalt  }
0x72: {  	_ =	shalt  }
0x73: {  	_ =	shalt  }
0x74: {  	_ =	shalt  }
0x75: {  	_ =	shalt  }
0x76: {  	_ =	shalt  }
0x77: {  	_ =	shalt  }
0x78: {  	_ =	shalt  }
0x79: {  	_ =	shalt  }
0x7a: {  	_ =	shalt  }
0x7b: {  	_ =	shalt  }
0x7c: {  	_ =	shalt  }
0x7d: {  	_ =	shalt  }
0x7e: {  	_ =	shalt  }
0x7f: {  	_ =	shalt  }
0x80: {  	_ =	shalt  }
0x81: {  	_ =	shalt  }
0x82: {  	_ =	shalt  }
0x83: {  	_ =	shalt  }
0x84: {  	_ =	shalt  }
0x85: {  	_ =	shalt  }
0x86: {  	_ =	shalt  }
0x87: {  	_ =	shalt  }
.Lfunc_end0:
.L_simem_size_0:
called_computation_lowered:
.L_overlay_start_0:
0x88: {  	s2 =	sld [smem:$0x3FD9]  }
0x89: {  	s3 =	sld [smem:$0x3FFE];
	_ =	sdelay $0x1  }
0x8a: {  	s1 =	srdreg.scid  }
0x8b: {  	s0 =	sand.u32 $0x1, s1  }
0x8c: {  	s17 =	sshll.u32 s0, $0xA;
	s2 =	sadd.s32 s3, s2  }
0x8d: {  	s2 =	sadd.s32 s2, s17  }
0x8e: {  	[smem:$0x3FBE] =	sst s2  }
0x8f: {  	_ = 	snop  }
0x90: {  	s2 =	sld [smem:$0x3FD0];
	(tm) =	ssettm $0x1  }
0x91: {  	s18 =	sld [smem:$0x3FFB];
	_ =	sdelay $0x3  }
0x92: {  	_ =	strace s18  }
0x93: {  	s3 =	sld [smem:$0x3FFC];
	_ =	sdelay $0x3  }
0x94: {  	_ =	strace s3  }
0x95: {  	s3 =	sld [smem:$0x3FFD];
	_ =	sdelay $0x3  }
0x96: {  	_ =	strace s3  }
0x97: {  	_ =	strace $0x8FFFFFFF  }
0x98: {  	s19 =	sld [smem:$0x3FDB];
	_ =	sdelay $0x1  }
0x99: {  	s4 =	simm.s32 $_scs_section_size  }
0x9a: {  	s5 =	simm.s32 $_size__tile_overlayer_lowered;
	s6 =	simm.s32 $_tile_overlayer_lowered  }
0x9b: {  	s22 =	simm.s32 $0x1BFF;
	s21 =	sshll.u32 s6, $0x1;
	s3 =	sadd.s32 s4, s19  }
0x9c: {  	s7 =	simm.s32 $0x0;
	s20 =	sshll.u32 s5, $0x1;
	s5 =	sadd.s32 s21, s3  }
0x9d: {  	[timem:s7], [sflag:s22] =	dma.local [hbm:s5], s20  }
0x9e: {  	_ =	swait.ge [sflag:s22], s20  }
0x9f: {  	s4 =	ssub.s32 $0x0, s20;
	[sflag:s22] =	ssyncset.done $0x0  }
0xa0: {  	[sflag:s22] =	ssyncadd.s32 s4;
	_ =	sdelay $0x1  }
0xa1: {  	s23 =	simm.s32 $0x1B8B  }
0xa2: {  	_ =	swait.ge [sflag:s23], $0x1  }
0xa3: {  	[sflag:s23] =	ssyncset.done $0x0  }
0xa4: {  	s25 =	simm.s32 $0x1B8E;
	s24 =	sld [smem:$0x3FFE];
	[sflag:s23] =	ssyncadd.s32 $0xFFFFFFFF  }
0xa5: {  	s26 =	simm.s32 $execute0_lowered;
	[smem:$0x3FD2] =	sst s25  }
0xa6: {  	s5 =	sshll.u32 s26, $0x1;
	_ =	strace $0x80000046;
	[dreg:$0x1] =	wrdreg $0xFFFFFFFF  }
0xa7: {  	s28 =	simm.s32 $_size_execute0_lowered;
	s3 =	sadd.s32 s3, s5;
	[dreg:$0x0] =	wrdreg $0x0  }
0xa8: {  	s5 =	sshll.u32 s28, $0x1;
	[dreg:$0x2] =	wrdreg s3  }
0xa9: {  	[dreg:$0x3] =	wrdreg s5  }
0xaa: {  	[dreg:$0x4] =	wrdreg $0xC0  }
0xab: {  	_ =	task [dreg:s7], $0x5FFFF  }
0xac: {  	[dreg:$0x1] =	wrdreg $0xFFFFFFFF  }
0xad: {  	[dreg:$0x0] =	wrdreg $0x60  }
0xae: {  	[dreg:$0x2] =	wrdreg s2  }
0xaf: {  	[dreg:$0x3] =	wrdreg s24  }
0xb0: {  	[dreg:$0x4] =	wrdreg $0x7B200  }
0xb1: {  	[dreg:$0x5] =	wrdreg $0x11B200  }
0xb2: {  	[dreg:$0x6] =	wrdreg $0x9  }
0xb3: {  	_ =	task.clear_ibuf [dreg:s7], $0x7FFFF;
	_ =	strace $0x90000046  }
0xb4: {  	s29 =	simm.s32 $0x9;
	_ =	strace $0x80000048  }
0xb5: {  	_ =	swait.ge [sflag:s29], $0x1  }
0xb6: {  	[sflag:s29] =	ssyncadd.s32 $0xFFFFFFFF  }
0xb7: {  	_ =	strace $0x90000048  }
0xb8: {  	_ =	sfence  }
0xb9: {  	s30 =	sld [smem:$0x0];
	_ =	sdelay $0x2  }
0xba: {  	s31 =	sshll.u32 s1, $0xD;
	s1 =	sshrl.u32 s1, $0x2  }
0xbb: {  	s3 =	sand.u32 $0x4000, s31;
	s1 =	sadd.s32 s1, s30  }
0xbc: {  	s0 =	sor.u32 s3, s0;
	s1 =	sshll.u32 s1, $0x11  }
0xbd: {  	s0 =	sor.u32 s1, s0  }
0xbe: {  	s0 =	sadd.s32 $0x8F2B, s0  }
0xbf: {  	[sflag:s0] =	ssyncadd.remote.s32 $0x1  }
0xc0: {  	_ =	sfence.sel $0xFFFF  }
0xc1: {  	[dreg:$0x0] =	wrdreg $0xFFFFFFFF;
	(pc) =	sbr.abs _section_cstart, $3  }
0xc2: {  	[dreg:$0x1] =	wrdreg $0xFFFFFFFF  }
0xc3: {  	_ =	task.clear_ibuf [dreg:s7], $0x2FFFF;
	_ =	strace $0x9FFFFFFF  }
0xc4: {  	(tm) =	ssettm $0x7FFFFFFF  }
0xc5: {  	_ =	shalt  }
tec
execute0_lowered:
.L_overlay_start_1:
0x0: {  	(tag) =	ssettag $0x1  }
0x1: {  	s1 =	rddreg [dreg:$0x0]  }
0x2: {  	s0 =	srdreg.scid;
	s5 =	rddreg [dreg:$0x1]  }
0x3: {  	s10 =	stileid.u32;
	s3 =	rddreg [dreg:$0x2]  }
0x4: {  	s4 =	rddreg [dreg:$0x3];
	s9 =	simm.s32 $0x0;
	s6 =	smul.u32 $0x14000, s10  }
0x5: {  	s28 =	simm.s32 $0x15720;
	s30 =	simm.s32 $0x16B20;
	s8 =	smul.u32 $0x5000, s10  }
0x6: {  	s29 =	simm.s32 $0x19320;
	s0 =	sand.u32 $0x1, s0;
	s26 =	smul.u32 $0x280, s10  }
0x7: {  	s31 =	simm.s32 $0x1;
	[smem:$0x7FF] =	sst s9;
	s7 =	smul.u32 $0x140000, s0  }
0x8: {  	s2 =	sshll.u32 s0, $0x4;
	s23 =	smul.u32 $0x50000, s0;
	s0 =	ssub.s32 $0x2, s0  }
0x9: {  	_ =	strace $0x80000047;
	s2 =	sor.u32 s10, s2;
	s24 =	sshrl.u32 s0, $0x1  }
0xa: {  	s10 =	sshrl.u32 s6, $0x1;
	s11 =	sshrl.u32 s8, $0x1;
	s13 =	sadd.s32 $0x80, s26  }
0xb: {  	s15 =	sadd.s32 $0x100, s26;
	s18 =	sadd.s32 $0x180, s26;
	s20 =	sadd.s32 $0x200, s26  }
0xc: {  	s2 =	smul.u32 $0x2710, s2;
	s7 =	sadd.s32 s6, s7;
	s9 =	sadd.s32 s8, s23  }
0xd: {  	s0 =	ssub.s32 s0, s24;
	s12 =	sadd.s32 s11, s4;
	s14 =	sshll.u32 s13, $0x6  }
0xe: {  	s16 =	sshll.u32 s15, $0x6;
	s17 =	sshll.u32 s15, $0x4;
	s19 =	sshll.u32 s18, $0x6  }
0xf: {  	s21 =	sshll.u32 s18, $0x4;
	s22 =	sshll.u32 s20, $0x6;
	s24 =	sshll.u32 s20, $0x4  }
0x10: {  	s11 =	simm.s32 $0xB;
	s15 =	simm.s32 $0xD;
	s18 =	simm.s32 $0xA  }
0x11: {  	s20 =	simm.s32 $0x0;
	s7 =	sshrl.u32 s7, $0x4;
	s9 =	sshrl.u32 s9, $0x4  }
0x12: {  	[dreg:$0x8] =	wrdreg s12;
	s6 =	sadd.s32 s14, s3;
	s23 =	sadd.s32 s22, s3  }
0x13: {  	s0 =	smax.u32 s0, $0x1;
	s22 =	simm.s32 $0x4E20;
	[dreg:$0x9] =	wrdreg s6  }
0x14: {  	s12 =	simm.s32 $0x7;
	s14 =	simm.s32 $0x8;
	[dreg:$0xf] =	wrdreg s23  }
0x15: {  	s2 =	sshrl.u32 s2, $0x3;
	s7 =	sadd.s32 s7, s5;
	[dreg:$0x13] =	wrdreg s0  }
0x16: {  	s0 =	simm.s32 $0x2;
	s6 =	simm.s32 $0x4;
	s2 =	sadd.s32 s2, s5  }
0x17: {  	s5 =	sadd.s32 s9, s5;
	s25 =	sadd.s32 $0x2A00, s2;
	s2 =	sadd.s32 $0xC640, s2  }
0x18: {  	s26 =	sadd.s32 $0x16400, s5;
	s5 =	simm.s32 $0x3;
	[dreg:$0x5] =	wrdreg s25  }
0x19: {  	[dreg:$0x6] =	wrdreg s2;
	s2 =	sadd.s32 s10, s3;
	s25 =	sadd.s32 $0x20400, s7  }
0x1a: {  	[dreg:$0x12] =	wrdreg s26;
	s26 =	simm.s32 $0x14320;
	s7 =	simm.s32 $0x5  }
0x1b: {  	s10 =	simm.s32 $0x6;
	[dreg:$0x7] =	wrdreg s2;
	s2 =	sshll.u32 s13, $0x4  }
0x1c: {  	[dreg:$0x11] =	wrdreg s25;
	s25 =	simm.s32 $0x50;
	s2 =	sadd.s32 s2, s4  }
0x1d: {  	s13 =	simm.s32 $0xC;
	[dreg:$0xa] =	wrdreg s2;
	s2 =	sadd.s32 s16, s3  }
0x1e: {  	s16 =	simm.s32 $0x9;
	[dreg:$0xb] =	wrdreg s2;
	s2 =	sadd.s32 s17, s4  }
0x1f: {  	s17 =	simm.s32 $0xE;
	[dreg:$0xc] =	wrdreg s2;
	s2 =	sadd.s32 s19, s3  }
0x20: {  	s19 =	simm.s32 $0xF;
	[dreg:$0xd] =	wrdreg s2;
	s2 =	sadd.s32 s21, s4  }
0x21: {  	s21 =	simm.s32 $0x10;
	[dreg:$0xe] =	wrdreg s2;
	s2 =	sadd.s32 s24, s4  }
0x22: {  	v0 =	vimm.bf16 $0.0e+00;
	v1 =	vimm.bf16 $1.0000e+00;
	s24 =	simm.s32 $0x7320;
	[dreg:$0x10] =	wrdreg s2;
	s2 =	simm.s32 $0x17F20  }
.LBB2_1:
0x23: {  	s8 =	simm.s32 $0x0;
	s9 =	rddreg [dreg:$0x5]  }
0x24: {  	[tilespmem:s8], [sflag:$0x10] =	stream.linear.gather [hbm4b:s9+s8], $0x2710, $0x38;
	[tilespmem:$0x1A720] =	vst v63  }
0x25: {  	_ =	swait.ge [sflag:s21], $0x2710  }
0x26: {  	[sflag:s21] =	ssyncset.done $0x0  }
0x27: {  	s23 =	simm.s32 $0x2710;
	s9 =	rddreg [dreg:$0x6];
	[sflag:s21] =	ssyncadd.s32 $0xFFFFD8F0  }
0x28: {  	[tilespmem:s23], [sflag:$0x10] =	stream.linear.gather [hbm4b:s9+s8], $0x2710, $0x38;
	[tilespmem:$0x1A720] =	vst v63  }
0x29: {  	_ =	swait.ge [sflag:s21], $0x2710  }
0x2a: {  	[sflag:s21] =	ssyncset.done $0x0  }
0x2b: {  	s23 =	simm.s32 $0x0;
	[sflag:s21] =	ssyncadd.s32 $0xFFFFD8F0  }
0x2c: {  	[tilespmem:s23+$0x5368] =	vst.msk $0xff, v0  }
0x2d: {  	[tilespmem:s23+$0x5330] =	vst.msk $0xff, v0  }
0x2e: {  	[tilespmem:s23+$0x5370] =	vst.msk $0xff, v0  }
0x2f: {  	[tilespmem:s23+$0x5338] =	vst.msk $0xff, v0  }
0x30: {  	[tilespmem:s23+$0x5378] =	vst.msk $0xff, v0  }
0x31: {  	[tilespmem:s23+$0x5340] =	vst.msk $0xff, v0  }
0x32: {  	[tilespmem:s23+$0x5380] =	vst.msk $0xff, v0  }
0x33: {  	[tilespmem:s23+$0x5348] =	vst.msk $0xff, v0  }
0x34: {  	[tilespmem:s23+$0x5388] =	vst.msk $0xff, v0  }
0x35: {  	[tilespmem:s23+$0x5350] =	vst.msk $0xff, v0  }
0x36: {  	[tilespmem:s23+$0x5390] =	vst.msk $0xff, v0  }
0x37: {  	[tilespmem:s23+$0x5358] =	vst.msk $0xff, v0  }
0x38: {  	[tilespmem:s23+$0x5320] =	vst.msk $0xff, v0  }
0x39: {  	[tilespmem:s23+$0x5360] =	vst.msk $0xff, v0  }
0x3a: {  	[tilespmem:s23+$0x5328] =	vst.msk $0xff, v0  }
0x3b: {  	s8 =	simm.s32 $0x7330;
	s9 =	simm.s32 $0x200;
	[tilespmem:s23+$0x5398] =	vst.msk $0xff, v0  }
.LBB2_2:
0x3c: {  	p0 =	sne.s32 s9, $0x7E00;
	[tilespmem:s8+$0x8] =	vst.msk $0xff, v0  }
0x3d: {  	[tilespmem:s8+$0xFFFFFFF0] =	vst.msk $0xff, v0  }
0x3e: {  	[tilespmem:s8+$0x0] =	vst.msk $0xff, v0  }
0x3f: {  	s23 =	sshra.s32 s9, $0x2;
	[tilespmem:s8+$0xFFFFFFF8] =	vst.msk $0xff, v0  }
0x40: {  	[tilespmem:s23+$0x5368] =	vst.msk $0xff, v0  }
0x41: {  	[tilespmem:s23+$0x5330] =	vst.msk $0xff, v0  }
0x42: {  	[tilespmem:s23+$0x5370] =	vst.msk $0xff, v0  }
0x43: {  	[tilespmem:s23+$0x5338] =	vst.msk $0xff, v0  }
0x44: {  	[tilespmem:s23+$0x5378] =	vst.msk $0xff, v0  }
0x45: {  	[tilespmem:s23+$0x5340] =	vst.msk $0xff, v0  }
0x46: {  	[tilespmem:s23+$0x5380] =	vst.msk $0xff, v0  }
0x47: {  	[tilespmem:s23+$0x5348] =	vst.msk $0xff, v0  }
0x48: {  	[tilespmem:s23+$0x5388] =	vst.msk $0xff, v0  }
0x49: {  	[tilespmem:s23+$0x5350] =	vst.msk $0xff, v0  }
0x4a: {  	[tilespmem:s23+$0x5390] =	vst.msk $0xff, v0  }
.Ltmp0:
0x4b: {  	[tilespmem:s23+$0x5358] =	vst.msk $0xff, v0;
	(pc) =	sbr.rel @p0 .LBB2_2-.Ltmp0, $4  }
0x4c: {  	[tilespmem:s23+$0x5320] =	vst.msk $0xff, v0  }
0x4d: {  	[tilespmem:s23+$0x5360] =	vst.msk $0xff, v0  }
0x4e: {  	[tilespmem:s23+$0x5328] =	vst.msk $0xff, v0  }
0x4f: {  	s9 =	sadd.s32 $0x200, s9;
	s8 =	sadd.s32 $0x20, s8;
	[tilespmem:s23+$0x5398] =	vst.msk $0xff, v0  }
0x50: {  	[tilespmem:s8+$0x8] =	vst.msk $0xff, v0  }
0x51: {  	[tilespmem:s8+$0xFFFFFFF0] =	vst.msk $0xff, v0  }
0x52: {  	[tilespmem:s8+$0x0] =	vst.msk $0xff, v0  }
0x53: {  	[tilespmem:s8+$0xFFFFFFF8] =	vst.msk $0xff, v0;
	s9 =	simm.s32 $0x80;
	s8 =	simm.s32 $0x0  }
.LBB2_4:
0x54: {  	p0 =	sne.s32 s9, $0x1380;
	[tilespmem:s8+$0x4E38] =	vst.msk $0xff, v1;
	s23 =	smov.u32 s9;
	s9 =	sadd.s32 $0x80, s9  }
.Ltmp1:
0x55: {  	[tilespmem:s8+$0x4E28] =	vst.msk $0xff, v1;
	(pc) =	sbr.rel @p0 .LBB2_4-.Ltmp1, $3  }
0x56: {  	[tilespmem:s8+$0x4E20] =	vst.msk $0xff, v1  }
0x57: {  	[tilespmem:s8+$0x4E30] =	vst.msk $0xff, v1;
	_ =	sdelay $0x1  }
0x58: {  	s8 =	sshra.s32 s23, $0x2  }
0x59: {  	[tilespmem:s8+$0x4E38] =	vst.msk $0xff, v1  }
0x5a: {  	[tilespmem:s8+$0x4E28] =	vst.msk $0xff, v1  }
0x5b: {  	[tilespmem:s8+$0x4E20] =	vst.msk $0xff, v1  }
0x5c: {  	[tilespmem:s8+$0x4E30] =	vst.msk $0xff, v1;
	s23 =	rddreg [dreg:$0x7];
	s9 =	simm.s32 $0x5320  }
0x5d: {  	[spmem:s23] =	stream.linear.scatter [tilespmem:s9], [sflag:$0x10], $0x2000, $0x38;
	[tilespmem:$0x1A720] =	vst v63  }
0x5e: {  	_ =	swait.ge [sflag:s21], $0x2000  }
0x5f: {  	[sflag:s21] =	ssyncset.done $0x0  }
0x60: {  	s23 =	rddreg [dreg:$0x8];
	[sflag:s21] =	ssyncadd.s32 $0xFFFFE000  }
0x61: {  	[spmem:s23] =	stream.linear.scatter [tilespmem:s24], [sflag:$0x10], $0x800, $0x38;
	[tilespmem:$0x1A720] =	vst v63  }
0x62: {  	_ =	swait.ge [sflag:s21], $0x800  }
0x63: {  	[sflag:s21] =	ssyncset.done $0x0  }
0x64: {  	s23 =	rddreg [dreg:$0x9];
	[sflag:s21] =	ssyncadd.s32 $0xFFFFF800  }
0x65: {  	[spmem:s23] =	stream.linear.scatter [tilespmem:s9], [sflag:$0x10], $0x2000, $0x38;
	[tilespmem:$0x1A720] =	vst v63  }
0x66: {  	_ =	swait.ge [sflag:s21], $0x2000  }
0x67: {  	[sflag:s21] =	ssyncset.done $0x0  }
0x68: {  	s23 =	rddreg [dreg:$0xa];
	[sflag:s21] =	ssyncadd.s32 $0xFFFFE000  }
0x69: {  	[spmem:s23] =	stream.linear.scatter [tilespmem:s24], [sflag:$0x10], $0x800, $0x38;
	[tilespmem:$0x1A720] =	vst v63  }
0x6a: {  	_ =	swait.ge [sflag:s21], $0x800  }
0x6b: {  	[sflag:s21] =	ssyncset.done $0x0  }
0x6c: {  	s23 =	rddreg [dreg:$0xb];
	[sflag:s21] =	ssyncadd.s32 $0xFFFFF800  }
0x6d: {  	[spmem:s23] =	stream.linear.scatter [tilespmem:s9], [sflag:$0x10], $0x2000, $0x38;
	[tilespmem:$0x1A720] =	vst v63  }
0x6e: {  	_ =	swait.ge [sflag:s21], $0x2000  }
0x6f: {  	[sflag:s21] =	ssyncset.done $0x0  }
0x70: {  	s23 =	rddreg [dreg:$0xc];
	[sflag:s21] =	ssyncadd.s32 $0xFFFFE000  }
0x71: {  	[spmem:s23] =	stream.linear.scatter [tilespmem:s24], [sflag:$0x10], $0x800, $0x38;
	[tilespmem:$0x1A720] =	vst v63  }
0x72: {  	_ =	swait.ge [sflag:s21], $0x800  }
0x73: {  	[sflag:s21] =	ssyncset.done $0x0  }
0x74: {  	s23 =	rddreg [dreg:$0xd];
	[sflag:s21] =	ssyncadd.s32 $0xFFFFF800  }
0x75: {  	[spmem:s23] =	stream.linear.scatter [tilespmem:s9], [sflag:$0x10], $0x2000, $0x38;
	[tilespmem:$0x1A720] =	vst v63  }
0x76: {  	_ =	swait.ge [sflag:s21], $0x2000  }
0x77: {  	[sflag:s21] =	ssyncset.done $0x0  }
0x78: {  	s23 =	rddreg [dreg:$0xe];
	[sflag:s21] =	ssyncadd.s32 $0xFFFFE000  }
0x79: {  	[spmem:s23] =	stream.linear.scatter [tilespmem:s24], [sflag:$0x10], $0x800, $0x38;
	[tilespmem:$0x1A720] =	vst v63  }
0x7a: {  	_ =	swait.ge [sflag:s21], $0x800  }
0x7b: {  	[sflag:s21] =	ssyncset.done $0x0  }
0x7c: {  	s23 =	rddreg [dreg:$0xf];
	[sflag:s21] =	ssyncadd.s32 $0xFFFFF800  }
0x7d: {  	[spmem:s23] =	stream.linear.scatter [tilespmem:s9], [sflag:$0x10], $0x2000, $0x38;
	[tilespmem:$0x1A720] =	vst v63  }
0x7e: {  	_ =	swait.ge [sflag:s21], $0x2000  }
0x7f: {  	[sflag:s21] =	ssyncset.done $0x0  }
0x80: {  	s9 =	rddreg [dreg:$0x10];
	[sflag:s21] =	ssyncadd.s32 $0xFFFFE000  }
0x81: {  	[spmem:s9] =	stream.linear.scatter [tilespmem:s24], [sflag:$0x10], $0x800, $0x38;
	[tilespmem:$0x1A720] =	vst v63  }
0x82: {  	_ =	swait.ge [sflag:s21], $0x800  }
0x83: {  	[sflag:s21] =	ssyncset.done $0x0  }
0x84: {  	[sflag:s21] =	ssyncadd.s32 $0xFFFFF800  }
0x85: {  	s23 =	simm.s32 $0x0;
	[bflag:$0x0] =	sbarrier.arrive $0xFFFF  }
0x86: {  	[tilespmem:s26], [sflag:$0x1] =	stream.indirect.gather [hbm4b:s1+s25], $0x40, s23, s25, $0xb8;
	[tilespmem:$0x1A720] =	vst v63  }
0x87: {  	_ = 	snop  }
0x88: {  	[tilespmem:s28], [sflag:$0x2] =	stream.indirect.gather [hbm4b:s1+s25], $0x40, s25, s25, $0xb8;
	[tilespmem:$0x1A720] =	vst v63  }
0x89: {  	s9 =	simm.s32 $0xA0  }
0x8a: {  	[tilespmem:s30], [sflag:$0x3] =	stream.indirect.gather [hbm4b:s1+s25], $0x40, s9, s25, $0xb8;
	[tilespmem:$0x1A720] =	vst v63  }
0x8b: {  	s23 =	simm.s32 $0xF0  }
0x8c: {  	[tilespmem:s2], [sflag:$0x4] =	stream.indirect.gather [hbm4b:s1+s25], $0x40, s23, s25, $0xb8;
	[tilespmem:$0x1A720] =	vst v63  }
0x8d: {  	s9 =	simm.s32 $0x140  }
0x8e: {  	[tilespmem:s29], [sflag:$0x5] =	stream.indirect.gather [hbm4b:s1+s25], $0x40, s9, s25, $0xb8;
	[tilespmem:$0x1A720] =	vst v63  }
0x8f: {  	_ =	swait.ge [sflag:s31], $0x1400  }
0x90: {  	[sflag:s31] =	ssyncset.done $0x0  }
0x91: {  	s23 =	simm.s32 $0x2710;
	[sflag:s31] =	ssyncadd.s32 $0xFFFFEC00  }
0x92: {  	[spmem:s3] =	stream.indirect.scatter.add.bf16 [tilespmem:s26], [sflag:$0x6], $0x40, s23, s25, $0xb8;
	[tilespmem:$0x1A720] =	vst v63  }
0x93: {  	_ = 	snop  }
0x94: {  	[spmem:s4] =	stream.indirect.scatter.add.bf16 [tilespmem:s22], [sflag:$0xB], $0x10, s23, s25, $0xb8;
	[tilespmem:$0x1A720] =	vst v63  }
0x95: {  	_ =	swait.ge [sflag:s0], $0x1400  }
0x96: {  	[sflag:s0] =	ssyncset.done $0x0  }
0x97: {  	s9 =	simm.s32 $0x2760;
	[sflag:s0] =	ssyncadd.s32 $0xFFFFEC00  }
0x98: {  	[spmem:s3] =	stream.indirect.scatter.add.bf16 [tilespmem:s28], [sflag:$0x7], $0x40, s9, s25, $0xb8;
	[tilespmem:$0x1A720] =	vst v63  }
0x99: {  	_ = 	snop  }
0x9a: {  	[spmem:s4] =	stream.indirect.scatter.add.bf16 [tilespmem:s22], [sflag:$0xC], $0x10, s9, s25, $0xb8;
	[tilespmem:$0x1A720] =	vst v63  }
0x9b: {  	_ =	swait.ge [sflag:s5], $0x1400  }
0x9c: {  	[sflag:s5] =	ssyncset.done $0x0  }
0x9d: {  	s23 =	simm.s32 $0x27B0;
	[sflag:s5] =	ssyncadd.s32 $0xFFFFEC00  }
0x9e: {  	[spmem:s3] =	stream.indirect.scatter.add.bf16 [tilespmem:s30], [sflag:$0x8], $0x40, s23, s25, $0xb8;
	[tilespmem:$0x1A720] =	vst v63  }
0x9f: {  	_ = 	snop  }
0xa0: {  	[spmem:s4] =	stream.indirect.scatter.add.bf16 [tilespmem:s22], [sflag:$0xD], $0x10, s23, s25, $0xb8;
	[tilespmem:$0x1A720] =	vst v63  }
0xa1: {  	_ =	swait.ge [sflag:s6], $0x1400  }
0xa2: {  	[sflag:s6] =	ssyncset.done $0x0  }
0xa3: {  	s9 =	simm.s32 $0x2800;
	[sflag:s6] =	ssyncadd.s32 $0xFFFFEC00  }
0xa4: {  	[spmem:s3] =	stream.indirect.scatter.add.bf16 [tilespmem:s2], [sflag:$0x9], $0x40, s9, s25, $0xb8;
	[tilespmem:$0x1A720] =	vst v63  }
0xa5: {  	_ = 	snop  }
0xa6: {  	[spmem:s4] =	stream.indirect.scatter.add.bf16 [tilespmem:s22], [sflag:$0xE], $0x10, s9, s25, $0xb8;
	[tilespmem:$0x1A720] =	vst v63  }
0xa7: {  	_ =	swait.ge [sflag:s7], $0x1400  }
0xa8: {  	[sflag:s7] =	ssyncset.done $0x0  }
0xa9: {  	s23 =	simm.s32 $0x2850;
	[sflag:s7] =	ssyncadd.s32 $0xFFFFEC00  }
0xaa: {  	[spmem:s3] =	stream.indirect.scatter.add.bf16 [tilespmem:s29], [sflag:$0xA], $0x40, s23, s25, $0xb8;
	[tilespmem:$0x1A720] =	vst v63  }
0xab: {  	_ = 	snop  }
0xac: {  	[spmem:s4] =	stream.indirect.scatter.add.bf16 [tilespmem:s22], [sflag:$0xF], $0x10, s23, s25, $0xb8;
	[tilespmem:$0x1A720] =	vst v63  }
0xad: {  	_ =	swait.ge [sflag:s10], $0x1400  }
0xae: {  	[sflag:s10] =	ssyncset.done $0x0  }
0xaf: {  	[sflag:s10] =	ssyncadd.s32 $0xFFFFEC00  }
0xb0: {  	_ =	swait.ge [sflag:s11], $0x500  }
0xb1: {  	[sflag:s11] =	ssyncset.done $0x0  }
0xb2: {  	s9 =	simm.s32 $0x190;
	[sflag:s11] =	ssyncadd.s32 $0xFFFFFB00  }
0xb3: {  	[tilespmem:s26], [sflag:$0x1] =	stream.indirect.gather [hbm4b:s1+s25], $0x40, s9, s25, $0xb8;
	[tilespmem:$0x1A720] =	vst v63  }
0xb4: {  	_ =	swait.ge [sflag:s12], $0x1400  }
0xb5: {  	[sflag:s12] =	ssyncset.done $0x0  }
0xb6: {  	[sflag:s12] =	ssyncadd.s32 $0xFFFFEC00  }
0xb7: {  	_ =	swait.ge [sflag:s13], $0x500  }
0xb8: {  	[sflag:s13] =	ssyncset.done $0x0  }
0xb9: {  	s23 =	simm.s32 $0x1E0;
	[sflag:s13] =	ssyncadd.s32 $0xFFFFFB00  }
0xba: {  	[tilespmem:s28], [sflag:$0x2] =	stream.indirect.gather [hbm4b:s1+s25], $0x40, s23, s25, $0xb8;
	[tilespmem:$0x1A720] =	vst v63  }
0xbb: {  	_ =	swait.ge [sflag:s14], $0x1400  }
0xbc: {  	[sflag:s14] =	ssyncset.done $0x0  }
0xbd: {  	[sflag:s14] =	ssyncadd.s32 $0xFFFFEC00  }
0xbe: {  	_ =	swait.ge [sflag:s15], $0x500  }
0xbf: {  	[sflag:s15] =	ssyncset.done $0x0  }
0xc0: {  	s9 =	simm.s32 $0x230;
	[sflag:s15] =	ssyncadd.s32 $0xFFFFFB00  }
0xc1: {  	[tilespmem:s30], [sflag:$0x3] =	stream.indirect.gather [hbm4b:s1+s25], $0x40, s9, s25, $0xb8;
	[tilespmem:$0x1A720] =	vst v63  }
0xc2: {  	_ =	swait.ge [sflag:s16], $0x1400  }
0xc3: {  	[sflag:s16] =	ssyncset.done $0x0  }
0xc4: {  	[sflag:s16] =	ssyncadd.s32 $0xFFFFEC00  }
0xc5: {  	_ =	swait.ge [sflag:s17], $0x500  }
0xc6: {  	[sflag:s17] =	ssyncset.done $0x0  }
0xc7: {  	s23 =	simm.s32 $0x280;
	[sflag:s17] =	ssyncadd.s32 $0xFFFFFB00  }
0xc8: {  	[tilespmem:s2], [sflag:$0x4] =	stream.indirect.gather [hbm4b:s1+s25], $0x40, s23, s25, $0xb8;
	[tilespmem:$0x1A720] =	vst v63  }
0xc9: {  	_ =	swait.ge [sflag:s18], $0x1400  }
0xca: {  	[sflag:s18] =	ssyncset.done $0x0  }
0xcb: {  	[sflag:s18] =	ssyncadd.s32 $0xFFFFEC00  }
0xcc: {  	_ =	swait.ge [sflag:s19], $0x500  }
0xcd: {  	[sflag:s19] =	ssyncset.done $0x0  }
0xce: {  	s8 =	simm.s32 $0x640;
	s9 =	simm.s32 $0x2D0;
	[sflag:s19] =	ssyncadd.s32 $0xFFFFFB00  }
.LBB2_6:
0xcf: {  	[tilespmem:s29], [sflag:$0x5] =	stream.indirect.gather [hbm4b:s1+s25], $0x40, s9, s25, $0xb8;
	[tilespmem:$0x1A720] =	vst v63  }
0xd0: {  	s9 =	smov.u32 s8  }
0xd1: {  	p0 =	sne.s32 s8, $0x8FC0;
	s8 =	sadd.s32 $0x640, s8;
	_ =	swait.ge [sflag:s31], $0x1400  }
0xd2: {  	s9 =	sshra.s32 s9, $0x2;
	[sflag:s31] =	ssyncset.done $0x0  }
0xd3: {  	s23 =	sadd.s32 $0x2710, s9;
	[sflag:s31] =	ssyncadd.s32 $0xFFFFEC00  }
0xd4: {  	[spmem:s3] =	stream.indirect.scatter.add.bf16 [tilespmem:s26], [sflag:$0x6], $0x40, s23, s25, $0xb8;
	[tilespmem:$0x1A720] =	vst v63  }
0xd5: {  	_ = 	snop  }
0xd6: {  	[spmem:s4] =	stream.indirect.scatter.add.bf16 [tilespmem:s22], [sflag:$0xB], $0x10, s23, s25, $0xb8;
	[tilespmem:$0x1A720] =	vst v63  }
0xd7: {  	_ =	swait.ge [sflag:s0], $0x1400  }
0xd8: {  	[sflag:s0] =	ssyncset.done $0x0  }
0xd9: {  	s23 =	sadd.s32 $0x2760, s9;
	[sflag:s0] =	ssyncadd.s32 $0xFFFFEC00  }
0xda: {  	[spmem:s3] =	stream.indirect.scatter.add.bf16 [tilespmem:s28], [sflag:$0x7], $0x40, s23, s25, $0xb8;
	[tilespmem:$0x1A720] =	vst v63  }
0xdb: {  	_ = 	snop  }
0xdc: {  	[spmem:s4] =	stream.indirect.scatter.add.bf16 [tilespmem:s22], [sflag:$0xC], $0x10, s23, s25, $0xb8;
	[tilespmem:$0x1A720] =	vst v63  }
0xdd: {  	_ =	swait.ge [sflag:s5], $0x1400  }
0xde: {  	[sflag:s5] =	ssyncset.done $0x0  }
0xdf: {  	s23 =	sadd.s32 $0x27B0, s9;
	[sflag:s5] =	ssyncadd.s32 $0xFFFFEC00  }
0xe0: {  	[spmem:s3] =	stream.indirect.scatter.add.bf16 [tilespmem:s30], [sflag:$0x8], $0x40, s23, s25, $0xb8;
	[tilespmem:$0x1A720] =	vst v63  }
0xe1: {  	_ = 	snop  }
0xe2: {  	[spmem:s4] =	stream.indirect.scatter.add.bf16 [tilespmem:s22], [sflag:$0xD], $0x10, s23, s25, $0xb8;
	[tilespmem:$0x1A720] =	vst v63  }
0xe3: {  	_ =	swait.ge [sflag:s6], $0x1400  }
0xe4: {  	[sflag:s6] =	ssyncset.done $0x0  }
0xe5: {  	s23 =	sadd.s32 $0x2800, s9;
	[sflag:s6] =	ssyncadd.s32 $0xFFFFEC00  }
0xe6: {  	[spmem:s3] =	stream.indirect.scatter.add.bf16 [tilespmem:s2], [sflag:$0x9], $0x40, s23, s25, $0xb8;
	[tilespmem:$0x1A720] =	vst v63  }
0xe7: {  	_ = 	snop  }
0xe8: {  	[spmem:s4] =	stream.indirect.scatter.add.bf16 [tilespmem:s22], [sflag:$0xE], $0x10, s23, s25, $0xb8;
	[tilespmem:$0x1A720] =	vst v63  }
0xe9: {  	_ =	swait.ge [sflag:s7], $0x1400  }
0xea: {  	[sflag:s7] =	ssyncset.done $0x0  }
0xeb: {  	s23 =	sadd.s32 $0x2850, s9;
	[sflag:s7] =	ssyncadd.s32 $0xFFFFEC00  }
0xec: {  	[spmem:s3] =	stream.indirect.scatter.add.bf16 [tilespmem:s29], [sflag:$0xA], $0x40, s23, s25, $0xb8;
	[tilespmem:$0x1A720] =	vst v63  }
0xed: {  	_ = 	snop  }
0xee: {  	[spmem:s4] =	stream.indirect.scatter.add.bf16 [tilespmem:s22], [sflag:$0xF], $0x10, s23, s25, $0xb8;
	[tilespmem:$0x1A720] =	vst v63  }
0xef: {  	_ =	swait.ge [sflag:s10], $0x1400  }
0xf0: {  	[sflag:s10] =	ssyncset.done $0x0  }
0xf1: {  	[sflag:s10] =	ssyncadd.s32 $0xFFFFEC00  }
0xf2: {  	_ =	swait.ge [sflag:s11], $0x500  }
0xf3: {  	[sflag:s11] =	ssyncset.done $0x0  }
0xf4: {  	s23 =	sadd.s32 $0x190, s9;
	[sflag:s11] =	ssyncadd.s32 $0xFFFFFB00  }
0xf5: {  	[tilespmem:s26], [sflag:$0x1] =	stream.indirect.gather [hbm4b:s1+s25], $0x40, s23, s25, $0xb8;
	[tilespmem:$0x1A720] =	vst v63  }
0xf6: {  	_ =	swait.ge [sflag:s12], $0x1400  }
0xf7: {  	[sflag:s12] =	ssyncset.done $0x0  }
0xf8: {  	[sflag:s12] =	ssyncadd.s32 $0xFFFFEC00  }
0xf9: {  	_ =	swait.ge [sflag:s13], $0x500  }
0xfa: {  	[sflag:s13] =	ssyncset.done $0x0  }
0xfb: {  	s23 =	sadd.s32 $0x1E0, s9;
	[sflag:s13] =	ssyncadd.s32 $0xFFFFFB00  }
0xfc: {  	[tilespmem:s28], [sflag:$0x2] =	stream.indirect.gather [hbm4b:s1+s25], $0x40, s23, s25, $0xb8;
	[tilespmem:$0x1A720] =	vst v63  }
0xfd: {  	_ =	swait.ge [sflag:s14], $0x1400  }
0xfe: {  	[sflag:s14] =	ssyncset.done $0x0  }
0xff: {  	[sflag:s14] =	ssyncadd.s32 $0xFFFFEC00  }
0x100: {  	_ =	swait.ge [sflag:s15], $0x500  }
0x101: {  	[sflag:s15] =	ssyncset.done $0x0  }
0x102: {  	s23 =	sadd.s32 $0x230, s9;
	[sflag:s15] =	ssyncadd.s32 $0xFFFFFB00  }
0x103: {  	[tilespmem:s30], [sflag:$0x3] =	stream.indirect.gather [hbm4b:s1+s25], $0x40, s23, s25, $0xb8;
	[tilespmem:$0x1A720] =	vst v63  }
0x104: {  	_ =	swait.ge [sflag:s16], $0x1400  }
0x105: {  	[sflag:s16] =	ssyncset.done $0x0  }
0x106: {  	[sflag:s16] =	ssyncadd.s32 $0xFFFFEC00  }
0x107: {  	_ =	swait.ge [sflag:s17], $0x500  }
0x108: {  	[sflag:s17] =	ssyncset.done $0x0  }
0x109: {  	s23 =	sadd.s32 $0x280, s9;
	[sflag:s17] =	ssyncadd.s32 $0xFFFFFB00  }
0x10a: {  	[tilespmem:s2], [sflag:$0x4] =	stream.indirect.gather [hbm4b:s1+s25], $0x40, s23, s25, $0xb8;
	[tilespmem:$0x1A720] =	vst v63  }
0x10b: {  	_ =	swait.ge [sflag:s18], $0x1400  }
.Ltmp2:
0x10c: {  	[sflag:s18] =	ssyncset.done $0x0;
	(pc) =	sbr.rel @p0 .LBB2_6-.Ltmp2, $4  }
0x10d: {  	[sflag:s18] =	ssyncadd.s32 $0xFFFFEC00  }
0x10e: {  	_ =	swait.ge [sflag:s19], $0x500  }
0x10f: {  	[sflag:s19] =	ssyncset.done $0x0  }
0x110: {  	s9 =	sadd.s32 $0x2D0, s9;
	[sflag:s19] =	ssyncadd.s32 $0xFFFFFB00  }
0x111: {  	[tilespmem:s29], [sflag:$0x5] =	stream.indirect.gather [hbm4b:s1+s25], $0x40, s9, s25, $0xb8;
	[tilespmem:$0x1A720] =	vst v63  }
0x112: {  	_ =	swait.ge [sflag:s31], $0x1400  }
0x113: {  	[sflag:s31] =	ssyncset.done $0x0  }
0x114: {  	s8 =	simm.s32 $0x4C90;
	[sflag:s31] =	ssyncadd.s32 $0xFFFFEC00  }
0x115: {  	[spmem:s3] =	stream.indirect.scatter.add.bf16 [tilespmem:s26], [sflag:$0x6], $0x40, s8, s25, $0xb8;
	[tilespmem:$0x1A720] =	vst v63  }
0x116: {  	_ = 	snop  }
0x117: {  	[spmem:s4] =	stream.indirect.scatter.add.bf16 [tilespmem:s22], [sflag:$0xB], $0x10, s8, s25, $0xb8;
	[tilespmem:$0x1A720] =	vst v63  }
0x118: {  	_ =	swait.ge [sflag:s0], $0x1400  }
0x119: {  	[sflag:s0] =	ssyncset.done $0x0  }
0x11a: {  	s9 =	simm.s32 $0x4CE0;
	[sflag:s0] =	ssyncadd.s32 $0xFFFFEC00  }
0x11b: {  	[spmem:s3] =	stream.indirect.scatter.add.bf16 [tilespmem:s28], [sflag:$0x7], $0x40, s9, s25, $0xb8;
	[tilespmem:$0x1A720] =	vst v63  }
0x11c: {  	_ = 	snop  }
0x11d: {  	[spmem:s4] =	stream.indirect.scatter.add.bf16 [tilespmem:s22], [sflag:$0xC], $0x10, s9, s25, $0xb8;
	[tilespmem:$0x1A720] =	vst v63  }
0x11e: {  	_ =	swait.ge [sflag:s5], $0x1400  }
0x11f: {  	[sflag:s5] =	ssyncset.done $0x0  }
0x120: {  	s23 =	simm.s32 $0x4D30;
	[sflag:s5] =	ssyncadd.s32 $0xFFFFEC00  }
0x121: {  	[spmem:s3] =	stream.indirect.scatter.add.bf16 [tilespmem:s30], [sflag:$0x8], $0x40, s23, s25, $0xb8;
	[tilespmem:$0x1A720] =	vst v63  }
0x122: {  	_ = 	snop  }
0x123: {  	[spmem:s4] =	stream.indirect.scatter.add.bf16 [tilespmem:s22], [sflag:$0xD], $0x10, s23, s25, $0xb8;
	[tilespmem:$0x1A720] =	vst v63  }
0x124: {  	_ =	swait.ge [sflag:s6], $0x1400  }
0x125: {  	[sflag:s6] =	ssyncset.done $0x0  }
0x126: {  	s9 =	simm.s32 $0x4D80;
	[sflag:s6] =	ssyncadd.s32 $0xFFFFEC00  }
0x127: {  	[spmem:s3] =	stream.indirect.scatter.add.bf16 [tilespmem:s2], [sflag:$0x9], $0x40, s9, s25, $0xb8;
	[tilespmem:$0x1A720] =	vst v63  }
0x128: {  	_ = 	snop  }
0x129: {  	[spmem:s4] =	stream.indirect.scatter.add.bf16 [tilespmem:s22], [sflag:$0xE], $0x10, s9, s25, $0xb8;
	[tilespmem:$0x1A720] =	vst v63  }
0x12a: {  	_ =	swait.ge [sflag:s7], $0x1400  }
0x12b: {  	[sflag:s7] =	ssyncset.done $0x0  }
0x12c: {  	s23 =	simm.s32 $0x4DD0;
	[sflag:s7] =	ssyncadd.s32 $0xFFFFEC00  }
0x12d: {  	[spmem:s3] =	stream.indirect.scatter.add.bf16 [tilespmem:s29], [sflag:$0xA], $0x40, s23, s25, $0xb8;
	[tilespmem:$0x1A720] =	vst v63  }
0x12e: {  	_ = 	snop  }
0x12f: {  	[spmem:s4] =	stream.indirect.scatter.add.bf16 [tilespmem:s22], [sflag:$0xF], $0x10, s23, s25, $0xb8;
	[tilespmem:$0x1A720] =	vst v63  }
0x130: {  	_ =	swait.ge [sflag:s10], $0x1400  }
0x131: {  	[sflag:s10] =	ssyncset.done $0x0  }
0x132: {  	[sflag:s10] =	ssyncadd.s32 $0xFFFFEC00  }
0x133: {  	_ =	swait.ge [sflag:s11], $0x500  }
0x134: {  	[sflag:s11] =	ssyncset.done $0x0  }
0x135: {  	[sflag:s11] =	ssyncadd.s32 $0xFFFFFB00  }
0x136: {  	_ =	swait.ge [sflag:s12], $0x1400  }
0x137: {  	[sflag:s12] =	ssyncset.done $0x0  }
0x138: {  	[sflag:s12] =	ssyncadd.s32 $0xFFFFEC00  }
0x139: {  	_ =	swait.ge [sflag:s13], $0x500  }
0x13a: {  	[sflag:s13] =	ssyncset.done $0x0  }
0x13b: {  	[sflag:s13] =	ssyncadd.s32 $0xFFFFFB00  }
0x13c: {  	_ =	swait.ge [sflag:s14], $0x1400  }
0x13d: {  	[sflag:s14] =	ssyncset.done $0x0  }
0x13e: {  	[sflag:s14] =	ssyncadd.s32 $0xFFFFEC00  }
0x13f: {  	_ =	swait.ge [sflag:s15], $0x500  }
0x140: {  	[sflag:s15] =	ssyncset.done $0x0  }
0x141: {  	[sflag:s15] =	ssyncadd.s32 $0xFFFFFB00  }
0x142: {  	_ =	swait.ge [sflag:s16], $0x1400  }
0x143: {  	[sflag:s16] =	ssyncset.done $0x0  }
0x144: {  	[sflag:s16] =	ssyncadd.s32 $0xFFFFEC00  }
0x145: {  	_ =	swait.ge [sflag:s17], $0x500  }
0x146: {  	[sflag:s17] =	ssyncset.done $0x0  }
0x147: {  	[sflag:s17] =	ssyncadd.s32 $0xFFFFFB00  }
0x148: {  	_ =	swait.ge [sflag:s18], $0x1400  }
0x149: {  	[sflag:s18] =	ssyncset.done $0x0  }
0x14a: {  	[sflag:s18] =	ssyncadd.s32 $0xFFFFEC00  }
0x14b: {  	_ =	swait.ge [sflag:s19], $0x500  }
0x14c: {  	[sflag:s19] =	ssyncset.done $0x0  }
0x14d: {  	[sflag:s19] =	ssyncadd.s32 $0xFFFFFB00  }
0x14e: {  	s9 =	stileid.u32;
	[bflag:$0x0] =	sbarrier.arrive $0xFFFF  }
0x14f: {  	s8 =	sshll.u32 s9, $0x6;
	s23 =	rddreg [dreg:$0x7]  }
0x150: {  	s8 =	sor.u32 $0x1C10, s8;
	s9 =	sshrl.u32 s23, $0x3;
	s23 =	rddreg [dreg:$0x11]  }
0x151: {  	[hbm:s23], [sflag:s8] =	dma.local [spmem:s9], $0x1400  }
0x152: {  	_ =	swait.ge [sflag:s21], $0x1400  }
0x153: {  	[sflag:s21] =	ssyncset.done $0x0;
	s23 =	rddreg [dreg:$0x8]  }
0x154: {  	[sflag:s21] =	ssyncadd.s32 $0xFFFFEC00;
	s9 =	sshrl.u32 s23, $0x3;
	s23 =	rddreg [dreg:$0x12]  }
0x155: {  	[hbm:s23], [sflag:s8] =	dma.local [spmem:s9], $0x500  }
0x156: {  	_ =	swait.ge [sflag:s21], $0x500  }
0x157: {  	s20 =	sadd.s32 $0x1, s20;
	s23 =	rddreg [dreg:$0x13]  }
0x158: {  	p0 =	sne.s32 s20, s23  }
.Ltmp3:
0x159: {  	_ = 	snop;
	(pc) =	sbr.rel @p0 .LBB2_1-.Ltmp3, $3  }
0x15a: {  	_ =	sdelay $0x1  }
0x15b: {  	[sflag:s21] =	ssyncset.done $0x0  }
0x15c: {  	[sflag:s21] =	ssyncadd.s32 $0xFFFFFB00  }
0x15d: {  	_ =	sfence.sel $0x180000  }
0x15e: {  	[bflag:$0x0] =	sbarrier.arrive $0xFFFF  }
0x15f: {  	_ =	strace $0x90000047  }
0x160: {  	s0 =	stileid.u32;
	[bflag:$0x2] =	sbarrier.arrive $0xFFFF  }
0x161: {  	p0 =	sne.s32 s0, $0x0;
	s0 =	rddreg [dreg:$0x4]  }
0x162: {  	s0 =	sadd.s32 @!p0 $0x100000, s0  }
0x163: {  	[sflag:s0] =	ssyncadd.tile.s32 @!p0 $0x1;
	_ =	shalt  }
.Lfunc_end2:
_tile_overlayer_lowered:
.L_overlay_start_2:
0x164: {  	(tag) =	ssettag $0x2  }
0x165: {  	s0 =	rddreg [dreg:$0x0];
	s2 =	stileid.u32  }
0x166: {  	s1 =	rddreg [dreg:$0x1];
	p0 =	sne.s32 s2, $0x0  }
0x167: {  	s3 =	rddreg [dreg:$0x2];
	[bflag:$0x3] =	sbarrier.arrive $0xFFFF;
	s2 =	simm.s32 @!p0 $0x1C10  }
0x168: {  	[timem:s3], [sflag:s2] =	dma.local @!p0 [hbm:s0], s1  }
0x169: {  	s0 =	simm.s32 @!p0 $0x10  }
0x16a: {  	_ =	swait.ge @!p0 [sflag:s0], s1  }
0x16b: {  	s1 =	ssub.s32 @!p0 $0x0, s1;
	[sflag:s0] =	ssyncset.done @!p0 $0x0  }
0x16c: {  	[sflag:s0] =	ssyncadd.s32 @!p0 s1  }
0x16d: {  	[bflag:$0x3] =	sbarrier.arrive $0xFFFF  }
0x16e: {  	_ =	shalt  }

// kernel: kernel.9.cloned.1.call-start
scs
__scs_entry_jumppad:
0x0: {  	(pc) =	sbr.rel $0x88, $3  }
0x1: {  	(tag) =	ssettag $0x0;
	lr =	simm.s32 $0x1  }
0x2: {  	[smem:$0x3F97] =	sst lr;
	_ =	strace $0xD0000000  }
0x3: {  	_ = 	snop  }
0x4: {  	_ = 	snop  }
0x5: {  	_ = 	snop  }
0x6: {  	_ = 	snop  }
0x7: {  	_ = 	snop  }
__scs_overlays_trampoline_lowered:
0x8: {  	[smem:$0x3FA6] =	sst s0  }
0x9: {  	[smem:$0x3FA7] =	sst s1  }
0xa: {  	[smem:$0x3FA8] =	sst s2  }
0xb: {  	[smem:$0x3FA9] =	sst s3  }
0xc: {  	[smem:$0x3FAA] =	sst s4  }
0xd: {  	[smem:$0x3FAB] =	sst s5  }
0xe: {  	[smem:$0x3FAC] =	sst s6  }
0xf: {  	[smem:$0x3FAD] =	sst s7  }
0x10: {  	[smem:$0x3FAE] =	sst s8  }
0x11: {  	[smem:$0x3FAF] =	sst s9;
	s0 =	simm.s32 @!p0 $0x0  }
0x12: {  	s1 =	sld [smem:$0x3F95];
	s0 =	simm.s32 @p0 $0x1  }
0x13: {  	[smem:$0x3FB0] =	sst s0;
	s0 =	simm.s32 @!p1 $0x0  }
0x14: {  	s2 =	sld [smem:$0x3F94];
	s0 =	simm.s32 @p1 $0x1  }
0x15: {  	[smem:$0x3FB1] =	sst s0;
	s0 =	simm.s32 @!p2 $0x0  }
0x16: {  	s3 =	sld [smem:$0x3FDB];
	s0 =	simm.s32 @p2 $0x1  }
0x17: {  	s4 =	simm.s32 $0x1BF5;
	[smem:$0x3FB3] =	sst s0  }
0x18: {  	s0 =	sld [smem:$0x3F96];
	_ =	swait.ge [sflag:s4], $0x0  }
0x19: {  	s7 =	sld [smem:$0x3F97]  }
0x1a: {  	s8 =	sadd.s32 $0xFFFFE003, lr  }
0x1b: {  	s9 =	sadd.s32 $0xFFFFFEF7, lr;
	s5 =	simm.s32 $0xFFFFFFFF;
	p2 =	slt.u32 s8, $0xFFFFF086  }
0x1c: {  	p1 =	slt.u32 s9, $0xF7A;
	s5 =	simm.s32 @!p2 $0x0  }
0x1d: {  	s5 =	simm.s32 @p1 $0x1;
	p0 =	seq.s32 s7, s2  }
0x1e: {  	s7 =	smul.u32 @!p0 $0xF7A, s2;
	p2 =	seq.s32 @!p0 s5, $0x0  }
0x1f: {  	s9 =	smul.u32 $0xF7A, s1;
	s8 =	simm.s32 @!p0 $0x1BF5;
	p2 =	por !p2, p0  }
0x20: {  	[sflag:s8] =	ssyncset.s32 @!p0 $0xFFFFF086;
	s6 =	sadd.s32 @!p0 s3, s7;
	s7 =	simm.s32 @!p0 $0x108  }
0x21: {  	s3 =	sadd.s32 s3, s9;
	s6 =	sadd.s32 @!p0 $0x88, s6;
	s7 =	simm.s32 @p2 $0x1082  }
0x22: {  	[simem:s7], [sflag:s8] =	dma.local @!p0 [hbm:s6], $0xF7A  }
0x23: {  	s9 =	sor.u32 $0xD0000000, s2;
	s6 =	simm.s32 $0x108;
	_ =	swait.ge @!p0 [sflag:s8], $0x0  }
0x24: {  	s3 =	sadd.s32 $0x88, s3;
	s6 =	simm.s32 @!p1 $0x1082;
	[sflag:s4] =	ssyncset.s32 $0xFFFFF086  }
0x25: {  	[simem:s6], [sflag:s4] =	dma.local [hbm:s3], $0xF7A  }
0x26: {  	[smem:$0x3F97] =	sst s1;
	(tag) =	ssettag s2;
	_ =	strace s9  }
0x27: {  	s1 =	sld [smem:$0x3FA7]  }
0x28: {  	s2 =	sld [smem:$0x3FA8]  }
0x29: {  	s4 =	sld [smem:$0x3FAA]  }
0x2a: {  	p0 =	seq.s32 s5, $0x0;
	s5 =	sld [smem:$0x3FAB]  }
0x2b: {  	s6 =	sld [smem:$0x3FAC]  }
0x2c: {  	s7 =	sld [smem:$0x3FAD]  }
0x2d: {  	s3 =	simm.s32 $0x108;
	s8 =	sld [smem:$0x3FAE]  }
0x2e: {  	s3 =	simm.s32 @!p0 $0x1082;
	s9 =	sld [smem:$0x3FAF]  }
0x2f: {  	lr =	sadd.s32 s0, s3;
	s0 =	sld [smem:$0x3FA6]  }
0x30: {  	s3 =	sld [smem:$0x3FA9]  }
0x31: {  	[smem:$0x3FB2] =	sst s10  }
0x32: {  	s10 =	sld [smem:$0x3FB0];
	_ =	sdelay $0x3  }
0x33: {  	p0 =	seq.s32 s10, $0x1;
	s10 =	sld [smem:$0x3FB2];
	_ =	sdelay $0x3  }
0x34: {  	[smem:$0x3FB2] =	sst s10  }
0x35: {  	s10 =	sld [smem:$0x3FB1];
	_ =	sdelay $0x3  }
0x36: {  	p1 =	seq.s32 s10, $0x1;
	s10 =	sld [smem:$0x3FB2];
	_ =	sdelay $0x3  }
0x37: {  	[smem:$0x3FB2] =	sst s10  }
0x38: {  	s10 =	sld [smem:$0x3FB3]  }
0x39: {  	_ = 	snop;
	(pc) =	sbr.ind lr, $3  }
0x3a: {  	_ = 	snop  }
0x3b: {  	_ = 	snop  }
0x3c: {  	p2 =	seq.s32 s10, $0x1;
	s10 =	sld [smem:$0x3FB2]  }
0x3d: {  	_ =	shalt  }
0x3e: {  	_ =	shalt  }
0x3f: {  	_ =	shalt  }
0x40: {  	_ =	shalt  }
0x41: {  	_ =	shalt  }
0x42: {  	_ =	shalt  }
0x43: {  	_ =	shalt  }
0x44: {  	_ =	shalt  }
0x45: {  	_ =	shalt  }
0x46: {  	_ =	shalt  }
0x47: {  	_ =	shalt  }
0x48: {  	_ =	shalt  }
0x49: {  	_ =	shalt  }
0x4a: {  	_ =	shalt  }
0x4b: {  	_ =	shalt  }
0x4c: {  	_ =	shalt  }
0x4d: {  	_ =	shalt  }
0x4e: {  	_ =	shalt  }
0x4f: {  	_ =	shalt  }
0x50: {  	_ =	shalt  }
0x51: {  	_ =	shalt  }
0x52: {  	_ =	shalt  }
0x53: {  	_ =	shalt  }
0x54: {  	_ =	shalt  }
0x55: {  	_ =	shalt  }
0x56: {  	_ =	shalt  }
0x57: {  	_ =	shalt  }
0x58: {  	_ =	shalt  }
0x59: {  	_ =	shalt  }
0x5a: {  	_ =	shalt  }
0x5b: {  	_ =	shalt  }
0x5c: {  	_ =	shalt  }
0x5d: {  	_ =	shalt  }
0x5e: {  	_ =	shalt  }
0x5f: {  	_ =	shalt  }
0x60: {  	_ =	shalt  }
0x61: {  	_ =	shalt  }
0x62: {  	_ =	shalt  }
0x63: {  	_ =	shalt  }
0x64: {  	_ =	shalt  }
0x65: {  	_ =	shalt  }
0x66: {  	_ =	shalt  }
0x67: {  	_ =	shalt  }
0x68: {  	_ =	shalt  }
0x69: {  	_ =	shalt  }
0x6a: {  	_ =	shalt  }
0x6b: {  	_ =	shalt  }
0x6c: {  	_ =	shalt  }
0x6d: {  	_ =	shalt  }
0x6e: {  	_ =	shalt  }
0x6f: {  	_ =	shalt  }
0x70: {  	_ =	shalt  }
0x71: {  	_ =	shalt  }
0x72: {  	_ =	shalt  }
0x73: {  	_ =	shalt  }
0x74: {  	_ =	shalt  }
0x75: {  	_ =	shalt  }
0x76: {  	_ =	shalt  }
0x77: {  	_ =	shalt  }
0x78: {  	_ =	shalt  }
0x79: {  	_ =	shalt  }
0x7a: {  	_ =	shalt  }
0x7b: {  	_ =	shalt  }
0x7c: {  	_ =	shalt  }
0x7d: {  	_ =	shalt  }
0x7e: {  	_ =	shalt  }
0x7f: {  	_ =	shalt  }
0x80: {  	_ =	shalt  }
0x81: {  	_ =	shalt  }
0x82: {  	_ =	shalt  }
0x83: {  	_ =	shalt  }
0x84: {  	_ =	shalt  }
0x85: {  	_ =	shalt  }
0x86: {  	_ =	shalt  }
0x87: {  	_ =	shalt  }
.Lfunc_end0:
.L_simem_size_0:
called_computation.1_lowered:
.L_overlay_start_0:
0x88: {  	s2 =	sld [smem:$0x3FD9]  }
0x89: {  	s3 =	sld [smem:$0x3FFE];
	_ =	sdelay $0x1  }
0x8a: {  	s1 =	srdreg.scid  }
0x8b: {  	s0 =	sand.u32 $0x1, s1  }
0x8c: {  	s17 =	sshll.u32 s0, $0xA;
	s2 =	sadd.s32 s3, s2  }
0x8d: {  	s2 =	sadd.s32 s2, s17  }
0x8e: {  	[smem:$0x3FBE] =	sst s2  }
0x8f: {  	_ = 	snop  }
0x90: {  	s2 =	sld [smem:$0x3FD0];
	(tm) =	ssettm $0x1  }
0x91: {  	s18 =	sld [smem:$0x3FFB];
	_ =	sdelay $0x3  }
0x92: {  	_ =	strace s18  }
0x93: {  	s3 =	sld [smem:$0x3FFC];
	_ =	sdelay $0x3  }
0x94: {  	_ =	strace s3  }
0x95: {  	s3 =	sld [smem:$0x3FFD];
	_ =	sdelay $0x3  }
0x96: {  	_ =	strace s3  }
0x97: {  	_ =	strace $0x8FFFFFFF  }
0x98: {  	s19 =	sld [smem:$0x3FDB];
	_ =	sdelay $0x1  }
0x99: {  	s4 =	simm.s32 $_scs_section_size  }
0x9a: {  	s5 =	simm.s32 $_size__tile_overlayer_lowered;
	s6 =	simm.s32 $_tile_overlayer_lowered  }
0x9b: {  	s22 =	simm.s32 $0x1BFF;
	s21 =	sshll.u32 s6, $0x1;
	s3 =	sadd.s32 s4, s19  }
0x9c: {  	s7 =	simm.s32 $0x0;
	s20 =	sshll.u32 s5, $0x1;
	s5 =	sadd.s32 s21, s3  }
0x9d: {  	[timem:s7], [sflag:s22] =	dma.local [hbm:s5], s20  }
0x9e: {  	_ =	swait.ge [sflag:s22], s20  }
0x9f: {  	s4 =	ssub.s32 $0x0, s20;
	[sflag:s22] =	ssyncset.done $0x0  }
0xa0: {  	[sflag:s22] =	ssyncadd.s32 s4;
	_ =	sdelay $0x1  }
0xa1: {  	s23 =	simm.s32 $0x1B8B  }
0xa2: {  	_ =	swait.ge [sflag:s23], $0x1  }
0xa3: {  	[sflag:s23] =	ssyncset.done $0x0  }
0xa4: {  	s25 =	simm.s32 $0x1B8E;
	s24 =	sld [smem:$0x3FFE];
	[sflag:s23] =	ssyncadd.s32 $0xFFFFFFFF  }
0xa5: {  	s26 =	simm.s32 $execute0_lowered;
	[smem:$0x3FD2] =	sst s25  }
0xa6: {  	s5 =	sshll.u32 s26, $0x1;
	_ =	strace $0x80000049;
	[dreg:$0x1] =	wrdreg $0xFFFFFFFF  }
0xa7: {  	s28 =	simm.s32 $_size_execute0_lowered;
	s3 =	sadd.s32 s3, s5;
	[dreg:$0x0] =	wrdreg $0x0  }
0xa8: {  	s5 =	sshll.u32 s28, $0x1;
	[dreg:$0x2] =	wrdreg s3  }
0xa9: {  	[dreg:$0x3] =	wrdreg s5  }
0xaa: {  	[dreg:$0x4] =	wrdreg $0xC0  }
0xab: {  	_ =	task [dreg:s7], $0x5FFFF  }
0xac: {  	[dreg:$0x1] =	wrdreg $0xFFFFFFFF  }
0xad: {  	[dreg:$0x0] =	wrdreg $0x60  }
0xae: {  	[dreg:$0x2] =	wrdreg s2  }
0xaf: {  	[dreg:$0x3] =	wrdreg s24  }
0xb0: {  	[dreg:$0x4] =	wrdreg $0x76200  }
0xb1: {  	[dreg:$0x5] =	wrdreg $0x9  }
0xb2: {  	_ =	task.clear_ibuf [dreg:s7], $0x6FFFF;
	_ =	strace $0x90000049  }
0xb3: {  	s29 =	simm.s32 $0x9;
	_ =	strace $0x8000004B  }
0xb4: {  	_ =	swait.ge [sflag:s29], $0x1  }
0xb5: {  	[sflag:s29] =	ssyncadd.s32 $0xFFFFFFFF  }
0xb6: {  	_ =	strace $0x9000004B  }
0xb7: {  	_ =	sfence  }
0xb8: {  	s30 =	sld [smem:$0x0];
	_ =	sdelay $0x2  }
0xb9: {  	s31 =	sshll.u32 s1, $0xD;
	s1 =	sshrl.u32 s1, $0x2  }
0xba: {  	s3 =	sand.u32 $0x4000, s31;
	s1 =	sadd.s32 s1, s30  }
0xbb: {  	s0 =	sor.u32 s3, s0;
	s1 =	sshll.u32 s1, $0x11  }
0xbc: {  	s0 =	sor.u32 s1, s0  }
0xbd: {  	s0 =	sadd.s32 $0x8F2B, s0  }
0xbe: {  	[sflag:s0] =	ssyncadd.remote.s32 $0x1  }
0xbf: {  	_ =	sfence.sel $0xFFFF  }
0xc0: {  	[dreg:$0x0] =	wrdreg $0xFFFFFFFF;
	(pc) =	sbr.abs _section_cstart, $3  }
0xc1: {  	[dreg:$0x1] =	wrdreg $0xFFFFFFFF  }
0xc2: {  	_ =	task.clear_ibuf [dreg:s7], $0x2FFFF;
	_ =	strace $0x9FFFFFFF  }
0xc3: {  	(tm) =	ssettm $0x7FFFFFFF  }
tec
execute0_lowered:
.L_overlay_start_1:
0x0: {  	(tag) =	ssettag $0x1  }
0x1: {  	s1 =	rddreg [dreg:$0x0]  }
0x2: {  	s0 =	srdreg.scid;
	s4 =	rddreg [dreg:$0x1]  }
0x3: {  	s7 =	stileid.u32;
	s3 =	rddreg [dreg:$0x2]  }
0x4: {  	s6 =	simm.s32 $0x0;
	s14 =	simm.s32 $0xB;
	s16 =	simm.s32 $0x4E20  }
0x5: {  	s17 =	simm.s32 $0x50;
	s18 =	simm.s32 $0x11620;
	s19 =	simm.s32 $0x12A20  }
0x6: {  	s21 =	simm.s32 $0x13E20;
	s23 =	simm.s32 $0x15220;
	s28 =	simm.s32 $0x2  }
0x7: {  	s29 =	simm.s32 $0x3;
	s30 =	simm.s32 $0x4;
	s31 =	simm.s32 $0x5  }
0x8: {  	s15 =	simm.s32 $0x7;
	s20 =	simm.s32 $0x9;
	s22 =	simm.s32 $0xA  }
0x9: {  	s0 =	sand.u32 $0x1, s0;
	s5 =	smul.u32 $0x14000, s7;
	[smem:$0x7FF] =	sst s6  }
0xa: {  	s2 =	sshll.u32 s0, $0x4;
	s24 =	smul.u32 $0x140000, s0;
	_ =	strace $0x8000004A  }
0xb: {  	s0 =	ssub.s32 $0x2, s0;
	s2 =	sor.u32 s7, s2;
	s7 =	smul.u32 $0x28000, s7  }
0xc: {  	s8 =	sshrl.u32 s0, $0x1;
	s2 =	smul.u32 $0x2710, s2;
	s6 =	sadd.s32 s5, s24  }
0xd: {  	s0 =	ssub.s32 s0, s8;
	s5 =	sshrl.u32 s5, $0x1;
	s24 =	simm.s32 $0x0  }
0xe: {  	s6 =	sshrl.u32 s6, $0x4;
	s25 =	sshrl.u32 s7, $0x2;
	s7 =	sadd.s32 s5, s3  }
0xf: {  	s13 =	smax.u32 s0, $0x1;
	s0 =	simm.s32 $0x8;
	s2 =	sshrl.u32 s2, $0x3  }
0x10: {  	s11 =	sadd.s32 s25, s3;
	s25 =	simm.s32 $0x16620;
	s2 =	sadd.s32 s2, s4  }
0x11: {  	s4 =	sadd.s32 s6, s4;
	s8 =	sadd.s32 $0x2000, s11;
	s9 =	sadd.s32 $0x4000, s11  }
0x12: {  	s10 =	sadd.s32 $0x6000, s11;
	s11 =	sadd.s32 $0x8000, s11;
	s26 =	sadd.s32 $0x2A00, s2  }
0x13: {  	s2 =	sadd.s32 $0xC640, s2;
	s12 =	sadd.s32 $0x16400, s4;
	[dreg:$0x4] =	wrdreg s26  }
0x14: {  	v0 =	vimm.bf16 $0.0e+00;
	[dreg:$0x5] =	wrdreg s2;
	s26 =	simm.s32 $0x1;
	s2 =	simm.s32 $0x6  }
.LBB2_1:
0x15: {  	s4 =	simm.s32 $0x0;
	s5 =	rddreg [dreg:$0x4]  }
0x16: {  	[tilespmem:s4], [sflag:$0xB] =	stream.linear.gather [hbm4b:s5+s4], $0x2710, $0x38;
	[tilespmem:$0x17A20] =	vst v63  }
0x17: {  	_ =	swait.ge [sflag:s14], $0x2710  }
0x18: {  	[sflag:s14] =	ssyncset.done $0x0  }
0x19: {  	s6 =	simm.s32 $0x2710;
	s5 =	rddreg [dreg:$0x5];
	[sflag:s14] =	ssyncadd.s32 $0xFFFFD8F0  }
0x1a: {  	[tilespmem:s6], [sflag:$0xB] =	stream.linear.gather [hbm4b:s5+s4], $0x2710, $0x38;
	[tilespmem:$0x17A20] =	vst v63  }
0x1b: {  	_ =	swait.ge [sflag:s14], $0x2710  }
0x1c: {  	[sflag:s14] =	ssyncset.done $0x0  }
0x1d: {  	s6 =	simm.s32 $0x0;
	[sflag:s14] =	ssyncadd.s32 $0xFFFFD8F0  }
0x1e: {  	[tilespmem:s6+$0x4E68] =	vst.msk $0xff, v0  }
0x1f: {  	[tilespmem:s6+$0x4E30] =	vst.msk $0xff, v0  }
0x20: {  	[tilespmem:s6+$0x4E70] =	vst.msk $0xff, v0  }
0x21: {  	[tilespmem:s6+$0x4E38] =	vst.msk $0xff, v0  }
0x22: {  	[tilespmem:s6+$0x4E78] =	vst.msk $0xff, v0  }
0x23: {  	[tilespmem:s6+$0x4E40] =	vst.msk $0xff, v0  }
0x24: {  	[tilespmem:s6+$0x4E80] =	vst.msk $0xff, v0  }
0x25: {  	[tilespmem:s6+$0x4E48] =	vst.msk $0xff, v0  }
0x26: {  	[tilespmem:s6+$0x4E88] =	vst.msk $0xff, v0  }
0x27: {  	[tilespmem:s6+$0x4E50] =	vst.msk $0xff, v0  }
0x28: {  	[tilespmem:s6+$0x4E90] =	vst.msk $0xff, v0  }
0x29: {  	[tilespmem:s6+$0x4E58] =	vst.msk $0xff, v0  }
0x2a: {  	[tilespmem:s6+$0x4E20] =	vst.msk $0xff, v0  }
0x2b: {  	[tilespmem:s6+$0x4E60] =	vst.msk $0xff, v0  }
0x2c: {  	[tilespmem:s6+$0x4E28] =	vst.msk $0xff, v0  }
0x2d: {  	s4 =	simm.s32 $0x6E30;
	s5 =	simm.s32 $0x200;
	[tilespmem:s6+$0x4E98] =	vst.msk $0xff, v0  }
.LBB2_2:
0x2e: {  	p0 =	sne.s32 s5, $0x7E00;
	[tilespmem:s4+$0x8] =	vst.msk $0xff, v0  }
0x2f: {  	[tilespmem:s4+$0xFFFFFFF0] =	vst.msk $0xff, v0  }
0x30: {  	[tilespmem:s4+$0x0] =	vst.msk $0xff, v0  }
0x31: {  	s6 =	sshra.s32 s5, $0x2;
	[tilespmem:s4+$0xFFFFFFF8] =	vst.msk $0xff, v0  }
0x32: {  	[tilespmem:s6+$0x4E68] =	vst.msk $0xff, v0  }
0x33: {  	[tilespmem:s6+$0x4E30] =	vst.msk $0xff, v0  }
0x34: {  	[tilespmem:s6+$0x4E70] =	vst.msk $0xff, v0  }
0x35: {  	[tilespmem:s6+$0x4E38] =	vst.msk $0xff, v0  }
0x36: {  	[tilespmem:s6+$0x4E78] =	vst.msk $0xff, v0  }
0x37: {  	[tilespmem:s6+$0x4E40] =	vst.msk $0xff, v0  }
0x38: {  	[tilespmem:s6+$0x4E80] =	vst.msk $0xff, v0  }
0x39: {  	[tilespmem:s6+$0x4E48] =	vst.msk $0xff, v0  }
0x3a: {  	[tilespmem:s6+$0x4E88] =	vst.msk $0xff, v0  }
0x3b: {  	[tilespmem:s6+$0x4E50] =	vst.msk $0xff, v0  }
0x3c: {  	[tilespmem:s6+$0x4E90] =	vst.msk $0xff, v0  }
.Ltmp0:
0x3d: {  	[tilespmem:s6+$0x4E58] =	vst.msk $0xff, v0;
	(pc) =	sbr.rel @p0 .LBB2_2-.Ltmp0, $4  }
0x3e: {  	[tilespmem:s6+$0x4E20] =	vst.msk $0xff, v0  }
0x3f: {  	[tilespmem:s6+$0x4E60] =	vst.msk $0xff, v0  }
0x40: {  	[tilespmem:s6+$0x4E28] =	vst.msk $0xff, v0  }
0x41: {  	s5 =	sadd.s32 $0x200, s5;
	s4 =	sadd.s32 $0x20, s4;
	[tilespmem:s6+$0x4E98] =	vst.msk $0xff, v0  }
0x42: {  	[tilespmem:s4+$0x8] =	vst.msk $0xff, v0  }
0x43: {  	[tilespmem:s4+$0xFFFFFFF0] =	vst.msk $0xff, v0  }
0x44: {  	[tilespmem:s4+$0x0] =	vst.msk $0xff, v0  }
0x45: {  	[tilespmem:s4+$0xFFFFFFF8] =	vst.msk $0xff, v0  }
0x46: {  	[spmem:s7] =	stream.linear.scatter [tilespmem:s16], [sflag:$0xB], $0x2000, $0x38;
	[tilespmem:$0x17A20] =	vst v63  }
0x47: {  	_ =	swait.ge [sflag:s14], $0x2000  }
0x48: {  	[sflag:s14] =	ssyncset.done $0x0  }
0x49: {  	[sflag:s14] =	ssyncadd.s32 $0xFFFFE000  }
0x4a: {  	[spmem:s8] =	stream.linear.scatter [tilespmem:s16], [sflag:$0xB], $0x2000, $0x38;
	[tilespmem:$0x17A20] =	vst v63  }
0x4b: {  	_ =	swait.ge [sflag:s14], $0x2000  }
0x4c: {  	[sflag:s14] =	ssyncset.done $0x0  }
0x4d: {  	[sflag:s14] =	ssyncadd.s32 $0xFFFFE000  }
0x4e: {  	[spmem:s9] =	stream.linear.scatter [tilespmem:s16], [sflag:$0xB], $0x2000, $0x38;
	[tilespmem:$0x17A20] =	vst v63  }
0x4f: {  	_ =	swait.ge [sflag:s14], $0x2000  }
0x50: {  	[sflag:s14] =	ssyncset.done $0x0  }
0x51: {  	[sflag:s14] =	ssyncadd.s32 $0xFFFFE000  }
0x52: {  	[spmem:s10] =	stream.linear.scatter [tilespmem:s16], [sflag:$0xB], $0x2000, $0x38;
	[tilespmem:$0x17A20] =	vst v63  }
0x53: {  	_ =	swait.ge [sflag:s14], $0x2000  }
0x54: {  	[sflag:s14] =	ssyncset.done $0x0  }
0x55: {  	[sflag:s14] =	ssyncadd.s32 $0xFFFFE000  }
0x56: {  	[spmem:s11] =	stream.linear.scatter [tilespmem:s16], [sflag:$0xB], $0x2000, $0x38;
	[tilespmem:$0x17A20] =	vst v63  }
0x57: {  	_ =	swait.ge [sflag:s14], $0x2000  }
0x58: {  	[sflag:s14] =	ssyncset.done $0x0  }
0x59: {  	[sflag:s14] =	ssyncadd.s32 $0xFFFFE000  }
0x5a: {  	s6 =	simm.s32 $0x0;
	[bflag:$0x0] =	sbarrier.arrive $0xFFFF  }
0x5b: {  	[tilespmem:s18], [sflag:$0x1] =	stream.indirect.gather [hbm4b:s1+s17], $0x40, s6, s17, $0xb8;
	[tilespmem:$0x17A20] =	vst v63  }
0x5c: {  	_ = 	snop  }
0x5d: {  	[tilespmem:s19], [sflag:$0x2] =	stream.indirect.gather [hbm4b:s1+s17], $0x40, s17, s17, $0xb8;
	[tilespmem:$0x17A20] =	vst v63  }
0x5e: {  	s5 =	simm.s32 $0xA0  }
0x5f: {  	[tilespmem:s21], [sflag:$0x3] =	stream.indirect.gather [hbm4b:s1+s17], $0x40, s5, s17, $0xb8;
	[tilespmem:$0x17A20] =	vst v63  }
0x60: {  	s6 =	simm.s32 $0xF0  }
0x61: {  	[tilespmem:s23], [sflag:$0x4] =	stream.indirect.gather [hbm4b:s1+s17], $0x40, s6, s17, $0xb8;
	[tilespmem:$0x17A20] =	vst v63  }
0x62: {  	s5 =	simm.s32 $0x140  }
0x63: {  	[tilespmem:s25], [sflag:$0x5] =	stream.indirect.gather [hbm4b:s1+s17], $0x40, s5, s17, $0xb8;
	[tilespmem:$0x17A20] =	vst v63  }
0x64: {  	_ =	swait.ge [sflag:s26], $0x1400  }
0x65: {  	[sflag:s26] =	ssyncset.done $0x0  }
0x66: {  	s6 =	simm.s32 $0x2710;
	[sflag:s26] =	ssyncadd.s32 $0xFFFFEC00  }
0x67: {  	[spmem:s3] =	stream.indirect.scatter.add.bf16 [tilespmem:s18], [sflag:$0x6], $0x40, s6, s17, $0xb8;
	[tilespmem:$0x17A20] =	vst v63  }
0x68: {  	_ =	swait.ge [sflag:s28], $0x1400  }
0x69: {  	[sflag:s28] =	ssyncset.done $0x0  }
0x6a: {  	s5 =	simm.s32 $0x2760;
	[sflag:s28] =	ssyncadd.s32 $0xFFFFEC00  }
0x6b: {  	[spmem:s3] =	stream.indirect.scatter.add.bf16 [tilespmem:s19], [sflag:$0x7], $0x40, s5, s17, $0xb8;
	[tilespmem:$0x17A20] =	vst v63  }
0x6c: {  	_ =	swait.ge [sflag:s29], $0x1400  }
0x6d: {  	[sflag:s29] =	ssyncset.done $0x0  }
0x6e: {  	s6 =	simm.s32 $0x27B0;
	[sflag:s29] =	ssyncadd.s32 $0xFFFFEC00  }
0x6f: {  	[spmem:s3] =	stream.indirect.scatter.add.bf16 [tilespmem:s21], [sflag:$0x8], $0x40, s6, s17, $0xb8;
	[tilespmem:$0x17A20] =	vst v63  }
0x70: {  	_ =	swait.ge [sflag:s30], $0x1400  }
0x71: {  	[sflag:s30] =	ssyncset.done $0x0  }
0x72: {  	s5 =	simm.s32 $0x2800;
	[sflag:s30] =	ssyncadd.s32 $0xFFFFEC00  }
0x73: {  	[spmem:s3] =	stream.indirect.scatter.add.bf16 [tilespmem:s23], [sflag:$0x9], $0x40, s5, s17, $0xb8;
	[tilespmem:$0x17A20] =	vst v63  }
0x74: {  	_ =	swait.ge [sflag:s31], $0x1400  }
0x75: {  	[sflag:s31] =	ssyncset.done $0x0  }
0x76: {  	s6 =	simm.s32 $0x2850;
	[sflag:s31] =	ssyncadd.s32 $0xFFFFEC00  }
0x77: {  	[spmem:s3] =	stream.indirect.scatter.add.bf16 [tilespmem:s25], [sflag:$0xA], $0x40, s6, s17, $0xb8;
	[tilespmem:$0x17A20] =	vst v63  }
0x78: {  	_ =	swait.ge [sflag:s2], $0x1400  }
0x79: {  	[sflag:s2] =	ssyncset.done $0x0  }
0x7a: {  	s5 =	simm.s32 $0x190;
	[sflag:s2] =	ssyncadd.s32 $0xFFFFEC00  }
0x7b: {  	[tilespmem:s18], [sflag:$0x1] =	stream.indirect.gather [hbm4b:s1+s17], $0x40, s5, s17, $0xb8;
	[tilespmem:$0x17A20] =	vst v63  }
0x7c: {  	_ =	swait.ge [sflag:s15], $0x1400  }
0x7d: {  	[sflag:s15] =	ssyncset.done $0x0  }
0x7e: {  	s6 =	simm.s32 $0x1E0;
	[sflag:s15] =	ssyncadd.s32 $0xFFFFEC00  }
0x7f: {  	[tilespmem:s19], [sflag:$0x2] =	stream.indirect.gather [hbm4b:s1+s17], $0x40, s6, s17, $0xb8;
	[tilespmem:$0x17A20] =	vst v63  }
0x80: {  	_ =	swait.ge [sflag:s0], $0x1400  }
0x81: {  	[sflag:s0] =	ssyncset.done $0x0  }
0x82: {  	s5 =	simm.s32 $0x230;
	[sflag:s0] =	ssyncadd.s32 $0xFFFFEC00  }
0x83: {  	[tilespmem:s21], [sflag:$0x3] =	stream.indirect.gather [hbm4b:s1+s17], $0x40, s5, s17, $0xb8;
	[tilespmem:$0x17A20] =	vst v63  }
0x84: {  	_ =	swait.ge [sflag:s20], $0x1400  }
0x85: {  	[sflag:s20] =	ssyncset.done $0x0  }
0x86: {  	s6 =	simm.s32 $0x280;
	[sflag:s20] =	ssyncadd.s32 $0xFFFFEC00  }
0x87: {  	[tilespmem:s23], [sflag:$0x4] =	stream.indirect.gather [hbm4b:s1+s17], $0x40, s6, s17, $0xb8;
	[tilespmem:$0x17A20] =	vst v63  }
0x88: {  	_ =	swait.ge [sflag:s22], $0x1400  }
0x89: {  	[sflag:s22] =	ssyncset.done $0x0  }
0x8a: {  	s4 =	simm.s32 $0x640;
	s5 =	simm.s32 $0x2D0;
	[sflag:s22] =	ssyncadd.s32 $0xFFFFEC00  }
.LBB2_4:
0x8b: {  	[tilespmem:s25], [sflag:$0x5] =	stream.indirect.gather [hbm4b:s1+s17], $0x40, s5, s17, $0xb8;
	[tilespmem:$0x17A20] =	vst v63  }
0x8c: {  	s5 =	smov.u32 s4  }
0x8d: {  	p0 =	sne.s32 s4, $0x8FC0;
	s4 =	sadd.s32 $0x640, s4;
	_ =	swait.ge [sflag:s26], $0x1400  }
0x8e: {  	s5 =	sshra.s32 s5, $0x2;
	[sflag:s26] =	ssyncset.done $0x0  }
0x8f: {  	s6 =	sadd.s32 $0x2710, s5;
	[sflag:s26] =	ssyncadd.s32 $0xFFFFEC00  }
0x90: {  	[spmem:s3] =	stream.indirect.scatter.add.bf16 [tilespmem:s18], [sflag:$0x6], $0x40, s6, s17, $0xb8;
	[tilespmem:$0x17A20] =	vst v63  }
0x91: {  	_ =	swait.ge [sflag:s28], $0x1400  }
0x92: {  	[sflag:s28] =	ssyncset.done $0x0  }
0x93: {  	s6 =	sadd.s32 $0x2760, s5;
	[sflag:s28] =	ssyncadd.s32 $0xFFFFEC00  }
0x94: {  	[spmem:s3] =	stream.indirect.scatter.add.bf16 [tilespmem:s19], [sflag:$0x7], $0x40, s6, s17, $0xb8;
	[tilespmem:$0x17A20] =	vst v63  }
0x95: {  	_ =	swait.ge [sflag:s29], $0x1400  }
0x96: {  	[sflag:s29] =	ssyncset.done $0x0  }
0x97: {  	s6 =	sadd.s32 $0x27B0, s5;
	[sflag:s29] =	ssyncadd.s32 $0xFFFFEC00  }
0x98: {  	[spmem:s3] =	stream.indirect.scatter.add.bf16 [tilespmem:s21], [sflag:$0x8], $0x40, s6, s17, $0xb8;
	[tilespmem:$0x17A20] =	vst v63  }
0x99: {  	_ =	swait.ge [sflag:s30], $0x1400  }
0x9a: {  	[sflag:s30] =	ssyncset.done $0x0  }
0x9b: {  	s6 =	sadd.s32 $0x2800, s5;
	[sflag:s30] =	ssyncadd.s32 $0xFFFFEC00  }
0x9c: {  	[spmem:s3] =	stream.indirect.scatter.add.bf16 [tilespmem:s23], [sflag:$0x9], $0x40, s6, s17, $0xb8;
	[tilespmem:$0x17A20] =	vst v63  }
0x9d: {  	_ =	swait.ge [sflag:s31], $0x1400  }
0x9e: {  	[sflag:s31] =	ssyncset.done $0x0  }
0x9f: {  	s6 =	sadd.s32 $0x2850, s5;
	[sflag:s31] =	ssyncadd.s32 $0xFFFFEC00  }
0xa0: {  	[spmem:s3] =	stream.indirect.scatter.add.bf16 [tilespmem:s25], [sflag:$0xA], $0x40, s6, s17, $0xb8;
	[tilespmem:$0x17A20] =	vst v63  }
0xa1: {  	_ =	swait.ge [sflag:s2], $0x1400  }
0xa2: {  	[sflag:s2] =	ssyncset.done $0x0  }
0xa3: {  	s6 =	sadd.s32 $0x190, s5;
	[sflag:s2] =	ssyncadd.s32 $0xFFFFEC00  }
0xa4: {  	[tilespmem:s18], [sflag:$0x1] =	stream.indirect.gather [hbm4b:s1+s17], $0x40, s6, s17, $0xb8;
	[tilespmem:$0x17A20] =	vst v63  }
0xa5: {  	_ =	swait.ge [sflag:s15], $0x1400  }
0xa6: {  	[sflag:s15] =	ssyncset.done $0x0  }
0xa7: {  	s6 =	sadd.s32 $0x1E0, s5;
	[sflag:s15] =	ssyncadd.s32 $0xFFFFEC00  }
0xa8: {  	[tilespmem:s19], [sflag:$0x2] =	stream.indirect.gather [hbm4b:s1+s17], $0x40, s6, s17, $0xb8;
	[tilespmem:$0x17A20] =	vst v63  }
0xa9: {  	_ =	swait.ge [sflag:s0], $0x1400  }
0xaa: {  	[sflag:s0] =	ssyncset.done $0x0  }
0xab: {  	s6 =	sadd.s32 $0x230, s5;
	[sflag:s0] =	ssyncadd.s32 $0xFFFFEC00  }
0xac: {  	[tilespmem:s21], [sflag:$0x3] =	stream.indirect.gather [hbm4b:s1+s17], $0x40, s6, s17, $0xb8;
	[tilespmem:$0x17A20] =	vst v63  }
0xad: {  	_ =	swait.ge [sflag:s20], $0x1400  }
0xae: {  	[sflag:s20] =	ssyncset.done $0x0  }
.Ltmp1:
0xaf: {  	s6 =	sadd.s32 $0x280, s5;
	[sflag:s20] =	ssyncadd.s32 $0xFFFFEC00;
	(pc) =	sbr.rel @p0 .LBB2_4-.Ltmp1, $4  }
0xb0: {  	[tilespmem:s23], [sflag:$0x4] =	stream.indirect.gather [hbm4b:s1+s17], $0x40, s6, s17, $0xb8;
	[tilespmem:$0x17A20] =	vst v63  }
0xb1: {  	_ =	swait.ge [sflag:s22], $0x1400  }
0xb2: {  	[sflag:s22] =	ssyncset.done $0x0  }
0xb3: {  	s5 =	sadd.s32 $0x2D0, s5;
	[sflag:s22] =	ssyncadd.s32 $0xFFFFEC00  }
0xb4: {  	[tilespmem:s25], [sflag:$0x5] =	stream.indirect.gather [hbm4b:s1+s17], $0x40, s5, s17, $0xb8;
	[tilespmem:$0x17A20] =	vst v63  }
0xb5: {  	_ =	swait.ge [sflag:s26], $0x1400  }
0xb6: {  	[sflag:s26] =	ssyncset.done $0x0  }
0xb7: {  	s4 =	simm.s32 $0x4C90;
	[sflag:s26] =	ssyncadd.s32 $0xFFFFEC00  }
0xb8: {  	[spmem:s3] =	stream.indirect.scatter.add.bf16 [tilespmem:s18], [sflag:$0x6], $0x40, s4, s17, $0xb8;
	[tilespmem:$0x17A20] =	vst v63  }
0xb9: {  	_ =	swait.ge [sflag:s28], $0x1400  }
0xba: {  	[sflag:s28] =	ssyncset.done $0x0  }
0xbb: {  	s5 =	simm.s32 $0x4CE0;
	[sflag:s28] =	ssyncadd.s32 $0xFFFFEC00  }
0xbc: {  	[spmem:s3] =	stream.indirect.scatter.add.bf16 [tilespmem:s19], [sflag:$0x7], $0x40, s5, s17, $0xb8;
	[tilespmem:$0x17A20] =	vst v63  }
0xbd: {  	_ =	swait.ge [sflag:s29], $0x1400  }
0xbe: {  	[sflag:s29] =	ssyncset.done $0x0  }
0xbf: {  	s6 =	simm.s32 $0x4D30;
	[sflag:s29] =	ssyncadd.s32 $0xFFFFEC00  }
0xc0: {  	[spmem:s3] =	stream.indirect.scatter.add.bf16 [tilespmem:s21], [sflag:$0x8], $0x40, s6, s17, $0xb8;
	[tilespmem:$0x17A20] =	vst v63  }
0xc1: {  	_ =	swait.ge [sflag:s30], $0x1400  }
0xc2: {  	[sflag:s30] =	ssyncset.done $0x0  }
0xc3: {  	s5 =	simm.s32 $0x4D80;
	[sflag:s30] =	ssyncadd.s32 $0xFFFFEC00  }
0xc4: {  	[spmem:s3] =	stream.indirect.scatter.add.bf16 [tilespmem:s23], [sflag:$0x9], $0x40, s5, s17, $0xb8;
	[tilespmem:$0x17A20] =	vst v63  }
0xc5: {  	_ =	swait.ge [sflag:s31], $0x1400  }
0xc6: {  	[sflag:s31] =	ssyncset.done $0x0  }
0xc7: {  	s6 =	simm.s32 $0x4DD0;
	[sflag:s31] =	ssyncadd.s32 $0xFFFFEC00  }
0xc8: {  	[spmem:s3] =	stream.indirect.scatter.add.bf16 [tilespmem:s25], [sflag:$0xA], $0x40, s6, s17, $0xb8;
	[tilespmem:$0x17A20] =	vst v63  }
0xc9: {  	_ =	swait.ge [sflag:s2], $0x1400  }
0xca: {  	[sflag:s2] =	ssyncset.done $0x0  }
0xcb: {  	[sflag:s2] =	ssyncadd.s32 $0xFFFFEC00  }
0xcc: {  	_ =	swait.ge [sflag:s15], $0x1400  }
0xcd: {  	[sflag:s15] =	ssyncset.done $0x0  }
0xce: {  	[sflag:s15] =	ssyncadd.s32 $0xFFFFEC00  }
0xcf: {  	_ =	swait.ge [sflag:s0], $0x1400  }
0xd0: {  	[sflag:s0] =	ssyncset.done $0x0  }
0xd1: {  	[sflag:s0] =	ssyncadd.s32 $0xFFFFEC00  }
0xd2: {  	_ =	swait.ge [sflag:s20], $0x1400  }
0xd3: {  	[sflag:s20] =	ssyncset.done $0x0  }
0xd4: {  	[sflag:s20] =	ssyncadd.s32 $0xFFFFEC00  }
0xd5: {  	s5 =	stileid.u32;
	_ =	swait.ge [sflag:s22], $0x1400  }
0xd6: {  	s24 =	sadd.s32 $0x1, s24;
	s4 =	sshll.u32 s5, $0x6;
	[sflag:s22] =	ssyncset.done $0x0  }
0xd7: {  	p0 =	sne.s32 s24, s13;
	s4 =	sor.u32 $0x1C0B, s4;
	[sflag:s22] =	ssyncadd.s32 $0xFFFFEC00  }
.Ltmp2:
0xd8: {  	s6 =	sshrl.u32 s7, $0x3;
	[bflag:$0x0] =	sbarrier.arrive $0xFFFF;
	(pc) =	sbr.rel @p0 .LBB2_1-.Ltmp2, $4  }
0xd9: {  	[hbm:s12], [sflag:s4] =	dma.local [spmem:s6], $0x1400  }
0xda: {  	_ =	swait.ge [sflag:s14], $0x1400  }
0xdb: {  	[sflag:s14] =	ssyncset.done $0x0  }
0xdc: {  	[sflag:s14] =	ssyncadd.s32 $0xFFFFEC00  }
0xdd: {  	_ =	sfence.sel $0x180000  }
0xde: {  	[bflag:$0x0] =	sbarrier.arrive $0xFFFF  }
0xdf: {  	_ =	strace $0x9000004A  }
0xe0: {  	s0 =	stileid.u32;
	[bflag:$0x2] =	sbarrier.arrive $0xFFFF  }
0xe1: {  	p0 =	sne.s32 s0, $0x0;
	s0 =	rddreg [dreg:$0x3]  }
0xe2: {  	s0 =	sadd.s32 @!p0 $0x100000, s0  }
0xe3: {  	[sflag:s0] =	ssyncadd.tile.s32 @!p0 $0x1;
	_ =	shalt  }
.Lfunc_end2:
_tile_overlayer_lowered:
.L_overlay_start_2:
0xe4: {  	(tag) =	ssettag $0x2  }
0xe5: {  	s0 =	rddreg [dreg:$0x0];
	s2 =	stileid.u32  }
0xe6: {  	s1 =	rddreg [dreg:$0x1];
	p0 =	sne.s32 s2, $0x0  }
0xe7: {  	s3 =	rddreg [dreg:$0x2];
	[bflag:$0x3] =	sbarrier.arrive $0xFFFF;
	s2 =	simm.s32 @!p0 $0x1C0B  }
0xe8: {  	[timem:s3], [sflag:s2] =	dma.local @!p0 [hbm:s0], s1  }
0xe9: {  	s0 =	simm.s32 @!p0 $0xB  }
0xea: {  	_ =	swait.ge @!p0 [sflag:s0], s1  }
0xeb: {  	s1 =	ssub.s32 @!p0 $0x0, s1;
	[sflag:s0] =	ssyncset.done @!p0 $0x0  }
0xec: {  	[sflag:s0] =	ssyncadd.s32 @!p0 s1  }
0xed: {  	[bflag:$0x3] =	sbarrier.arrive $0xFFFF  }
0xee: {  	_ =	shalt  }

</sc_bundles>
